<compile_context>
chip_gen: v7x
topology: tpu7x:2x2x1
jax: 0.10.2.dev20260603
libtpu: 0.0.44.dev20260713+nightly
codegen_flags: <defaults>
</compile_context>

<pallas_src>
import functools

import jax
import jax.numpy as jnp
from jax import lax
from jax.experimental import pallas as pl
from jax.experimental.pallas import tpu as pltpu
from jax.experimental.pallas import tpu_sc as plsc

N = 10000
D = 128
E = 320000
NC = 2
NS = 16
NW = NC * NS
CHUNK = 64
CHUNKS = 160
BC = 80
NBUF = 4
EPW = CHUNKS * CHUNK
E_PAD = NW * EPW
N_PAD = 10240
RPT = N_PAD // NS

_mesh = plsc.VectorSubcoreMesh(
    core_axis_name="c", subcore_axis_name="s", num_cores=NC, num_subcores=NS
)


@functools.partial(
    pl.kernel,
    out_type=jax.ShapeDtypeStruct((NC * N_PAD,), jnp.float32),
    mesh=_mesh,
    scratch_types=[
        pltpu.VMEM((EPW // 128, 128), jnp.int32),
        pltpu.VMEM((128,), jnp.float32),
        pltpu.VMEM((RPT,), jnp.float32),
        pltpu.VMEM_SHARED((N_PAD,), jnp.float32),
    ],
)
def _sc_degree(dst_hbm, zeros1_hbm, ones_hbm, deg_out, dstm, onesv, stage, deg_sh):
    c = lax.axis_index("c")
    s = lax.axis_index("s")
    wid = c * NS + s
    pltpu.sync_copy(zeros1_hbm.at[pl.ds(s * RPT, RPT)], stage)
    pltpu.sync_copy(stage, deg_sh.at[pl.ds(s * RPT, RPT)])
    pltpu.sync_copy(ones_hbm, onesv)
    pltpu.sync_copy(dst_hbm.at[wid], dstm)
    plsc.subcore_barrier()

    def body(i, carry):
        pltpu.sync_copy(onesv, deg_sh.at[dstm.at[i]], add=True)
        return carry

    lax.fori_loop(0, EPW // 128, body, 0, unroll=False)
    plsc.subcore_barrier()
    pltpu.sync_copy(deg_sh.at[pl.ds(s * RPT, RPT)], stage)
    pltpu.sync_copy(stage, deg_out.at[pl.ds(pl.multiple_of(c * N_PAD + s * RPT, 8), RPT)])


@functools.partial(
    pl.kernel,
    out_type=jax.ShapeDtypeStruct((NC, N_PAD, D), jnp.float32),
    mesh=_mesh,
    scratch_types=[
        pltpu.VMEM((BC * CHUNK,), jnp.int32),
        pltpu.VMEM((BC, CHUNK), jnp.int32),
        [pltpu.VMEM((CHUNK, D), jnp.float32) for _ in range(NBUF)],
        pltpu.VMEM_SHARED((N_PAD, D), jnp.float32),
        [pltpu.SemaphoreType.DMA for _ in range(NBUF)],
    ],
)
def _sc_agg(p_hbm, src_hbm, dst_hbm, zeros2_hbm, acc_out, srcv, dstm, rows,
            acc_sh, gsem):
    c = lax.axis_index("c")
    s = lax.axis_index("s")
    wid = c * NS + s
    pltpu.sync_copy(zeros2_hbm.at[pl.ds(s * RPT, RPT)],
                    acc_sh.at[pl.ds(s * RPT, RPT)])

    pltpu.sync_copy(src_hbm.at[wid, pl.ds(0, BC * CHUNK)], srcv)
    pltpu.sync_copy(dst_hbm.at[wid, pl.ds(0, BC)], dstm)

    def _gather(j, b):
        pltpu.async_copy(
            p_hbm.at[srcv.at[pl.ds(pl.multiple_of(j * CHUNK, 8), CHUNK)]],
            rows[b], gsem[b])

    def _wait(j, b):
        pltpu.make_async_copy(
            p_hbm.at[srcv.at[pl.ds(pl.multiple_of(j * CHUNK, 8), CHUNK)]],
            rows[b], gsem[b]).wait()

    for blk in range(CHUNKS // BC):
        if blk > 0:
            pltpu.sync_copy(
                src_hbm.at[wid, pl.ds(blk * BC * CHUNK, BC * CHUNK)], srcv)
            pltpu.sync_copy(dst_hbm.at[wid, pl.ds(blk * BC, BC)], dstm)
        for b in range(NBUF):
            _gather(b, b)
        if blk == 0:
            plsc.subcore_barrier()

        def group(g, carry):
            for b in range(NBUF):
                j = g * NBUF + b
                _wait(j, b)
                pltpu.sync_copy(rows[b], acc_sh.at[dstm.at[j]], add=True)
                nxt = j + NBUF

                @pl.when(nxt < BC)
                def _():
                    _gather(nxt, b)
            return carry

        lax.fori_loop(0, BC // NBUF, group, 0, unroll=False)
    plsc.subcore_barrier()
    pltpu.sync_copy(acc_sh.at[pl.ds(s * RPT, RPT)],
                    acc_out.at[c, pl.ds(s * RPT, RPT)])


BLK = 1024
GRID = N_PAD // BLK


def _dinv_of(deg_ref):
    deg = deg_ref[0] + deg_ref[1] + 1.0
    return lax.rsqrt(deg)


def _tc_scale_mm_body(deg_ref, x_ref, w_ref, p_ref):
    h = jnp.dot(x_ref[...], w_ref[...], preferred_element_type=jnp.float32)
    p_ref[...] = h * _dinv_of(deg_ref)


def _tc_mid_body(deg_ref, acc_ref, p_ref, b_ref, w_ref, p2_ref):
    dinv = _dinv_of(deg_ref)
    pre = (acc_ref[0] + acc_ref[1] + p_ref[...]) * dinv + b_ref[...]
    mid = jnp.where(pre >= 0.0, pre, 0.01 * pre)
    h = jnp.dot(mid, w_ref[...], preferred_element_type=jnp.float32)
    p2_ref[...] = h * dinv


def _tc_out_body(deg_ref, acc_ref, p_ref, b_ref, o_ref):
    dinv = _dinv_of(deg_ref)
    o_ref[...] = (acc_ref[0] + acc_ref[1] + p_ref[...]) * dinv + b_ref[...]


_deg_spec = pl.BlockSpec((NC, BLK, 1), lambda i: (0, i, 0))
_acc_spec = pl.BlockSpec((NC, BLK, D), lambda i: (0, i, 0))
_row_spec = pl.BlockSpec((BLK, D), lambda i: (i, 0))
_w_spec = pl.BlockSpec((D, D), lambda i: (0, 0))
_b_spec = pl.BlockSpec((1, D), lambda i: (0, 0))
_pD = jax.ShapeDtypeStruct((N_PAD, D), jnp.float32)

_tc_scale_mm = pl.pallas_call(
    _tc_scale_mm_body, grid=(GRID,),
    in_specs=[_deg_spec, _row_spec, _w_spec],
    out_specs=_row_spec, out_shape=_pD)

_tc_mid = pl.pallas_call(
    _tc_mid_body, grid=(GRID,),
    in_specs=[_deg_spec, _acc_spec, _row_spec, _b_spec, _w_spec],
    out_specs=_row_spec, out_shape=_pD)

_tc_out = pl.pallas_call(
    _tc_out_body, grid=(GRID,),
    in_specs=[_deg_spec, _acc_spec, _row_spec, _b_spec],
    out_specs=_row_spec, out_shape=_pD)


def kernel(x, edge_index, W1, b1, W2, b2):
    src = edge_index[0].astype(jnp.int32)
    dst = edge_index[1].astype(jnp.int32)
    pad = N + jnp.arange(E_PAD - E, dtype=jnp.int32) % (N_PAD - N)
    src2 = jnp.concatenate([src, pad]).reshape(NW, EPW)
    dstp = jnp.concatenate([dst, pad])
    dst3 = dstp.reshape(NW, CHUNKS, CHUNK)
    dstd = dstp.reshape(NW, EPW // 128, 128)
    x_pad = jnp.pad(x.astype(jnp.float32), ((0, N_PAD - N), (0, 0)))
    zeros1 = jnp.zeros((N_PAD,), jnp.float32)
    zeros2 = jnp.zeros((N_PAD, D), jnp.float32)
    ones_c = jnp.ones((128,), jnp.float32)

    deg = _sc_degree(dstd, zeros1, ones_c).reshape(NC, N_PAD, 1)
    p1 = _tc_scale_mm(deg, x_pad, W1.astype(jnp.float32))
    acc1 = _sc_agg(p1, src2, dst3, zeros2)
    p2 = _tc_mid(deg, acc1, p1, b1.reshape(1, D).astype(jnp.float32),
                 W2.astype(jnp.float32))
    acc2 = _sc_agg(p2, src2, dst3, zeros2)
    out = _tc_out(deg, acc2, p2, b2.reshape(1, D).astype(jnp.float32))
    return out[:N]

# --- scband reference (transcript-rebuilt; emitter-appended) ---
"""Pipeline reference for scband-gnnencoder-4398046511761 (READ-ONLY COPY).

The authoritative reference and input builder live on the scoring server;
editing this copy changes nothing except your own understanding.
"""

import jax, jax.numpy as jnp
import numpy as np

N_NODES = 10000
D_IN = 128
D_HID = 128
D_OUT = 128
N_EDGES = 320000


def gcn_conv(x, src, dst, W, b, num_nodes):
    # PyG GCNConv with add_self_loops=True, symmetric normalization
    loop = jnp.arange(num_nodes, dtype=src.dtype)
    s = jnp.concatenate([src, loop])
    d = jnp.concatenate([dst, loop])
    deg = jnp.zeros((num_nodes,), dtype=x.dtype).at[d].add(1.0)
    dinv = jnp.where(deg > 0, jax.lax.rsqrt(deg), 0.0)
    norm = dinv[s] * dinv[d]
    h = x @ W
    msg = h[s] * norm[:, None]
    out = jnp.zeros((num_nodes, W.shape[1]), dtype=x.dtype).at[d].add(msg)
    return out + b


def setup_inputs(seed: int = 0) -> dict:
    key = jax.random.key(seed)
    k1, k2, k3, k4 = jax.random.split(key, 4)
    x = jax.random.normal(k1, (N_NODES, D_IN), dtype=jnp.float32)
    edge_index = jax.random.randint(k2, (2, N_EDGES), 0, N_NODES, dtype=jnp.int64)
    # glorot-style init for GCN weights
    W1 = jax.random.normal(k3, (D_IN, D_HID), dtype=jnp.float32) * (1.0 / np.sqrt(D_IN))
    b1 = jnp.zeros((D_HID,), dtype=jnp.float32)
    W2 = jax.random.normal(k4, (D_HID, D_OUT), dtype=jnp.float32) * (1.0 / np.sqrt(D_HID))
    b2 = jnp.zeros((D_OUT,), dtype=jnp.float32)
    return {"x": x, "edge_index": edge_index, "W1": W1, "b1": b1, "W2": W2, "b2": b2}


def reference(x, edge_index, W1, b1, W2, b2):
    src = edge_index[0]
    dst = edge_index[1]
    h = gcn_conv(x, src, dst, W1, b1, N_NODES)
    h = jax.nn.leaky_relu(h, negative_slope=0.01)
    # dropout p=0.0 -> identity; jump_knowledge=0, batch_norm=0, residual_conn=0
    out = gcn_conv(h, src, dst, W2, b2, N_NODES)
    # use_softmax=0 -> return raw output
    return out

if __name__ == "__main__":
    import jax
    _d = setup_inputs()
    print(jax.jit(kernel)(*tuple(_d.values())))

</pallas_src>

<mosaic_0001>
#map = affine_map<(d0, d1) -> (0, 0)>
#map1 = affine_map<(d0, d1) -> (0, 0, 0)>
module attributes {stable_mosaic.version = 14 : i64} {
  func.func @_sc_agg(%arg0: i32, %arg1: i32, %arg2: memref<10240x128xf32, #tpu.memory_space<hbm>>, %arg3: memref<32x10240xi32, #tpu.memory_space<hbm>>, %arg4: memref<32x160x64xi32, #tpu.memory_space<hbm>>, %arg5: memref<10240x128xf32, #tpu.memory_space<hbm>>, %arg6: memref<2x10240x128xf32, #tpu.memory_space<hbm>>, %arg7: memref<5120xi32, #tpu.memory_space<vmem>>, %arg8: memref<80x64xi32, #tpu.memory_space<vmem>>, %arg9: memref<64x128xf32, #tpu.memory_space<vmem>>, %arg10: memref<64x128xf32, #tpu.memory_space<vmem>>, %arg11: memref<64x128xf32, #tpu.memory_space<vmem>>, %arg12: memref<64x128xf32, #tpu.memory_space<vmem>>, %arg13: memref<10240x128xf32, #tpu.memory_space<vmem_shared>>, %arg14: memref<!tpu.dma_semaphore, #tpu.memory_space<semaphore_mem>>, %arg15: memref<!tpu.dma_semaphore, #tpu.memory_space<semaphore_mem>>, %arg16: memref<!tpu.dma_semaphore, #tpu.memory_space<semaphore_mem>>, %arg17: memref<!tpu.dma_semaphore, #tpu.memory_space<semaphore_mem>>) attributes {dimension_semantics = [#tpu.dimension_semantics<core_parallel>, #tpu.dimension_semantics<subcore_parallel>], iteration_bounds = array<i64: 2, 16>, scalar_prefetch = 0 : i64, scratch_operands = 11 : i64, tpu.core_type = #tpu.core_type<sc_vector_subcore>, window_params = [{transform_indices = #map}, {transform_indices = #map}, {transform_indices = #map1}, {transform_indices = #map}, {transform_indices = #map1}]} {
    %mul3A = arith.constant 16 : i32
    %mul3A_0 = arith.muli %arg0, %mul3A : i32
    %add3A = arith.addi %mul3A_0, %arg1 : i32
    %mul3A_1 = arith.constant 640 : i32
    %mul3A_2 = arith.muli %arg1, %mul3A_1 : i32
    %mul3A_3 = arith.constant 640 : i32
    %mul3A_4 = arith.muli %arg1, %mul3A_3 : i32
    "tpu.region"() ({
      %run_scoped3A = tpu.sem_alloc : memref<!tpu.dma_semaphore, #tpu.memory_space<semaphore_mem>>
      %dma_start3A_67 = arith.constant 0 : i32
      %dma_start3A_68 = tpu.memref_slice %arg13[%mul3A_4, %dma_start3A_67] : memref<10240x128xf32, #tpu.memory_space<vmem_shared>> -> memref<640x128xf32, #tpu.memory_space<vmem_shared>>
      %dma_start3A_69 = arith.constant 0 : i32
      %dma_start3A_70 = tpu.memref_slice %arg5[%mul3A_2, %dma_start3A_69] : memref<10240x128xf32, #tpu.memory_space<hbm>> -> memref<640x128xf32, #tpu.memory_space<hbm>>
      tpu.enqueue_dma source(%dma_start3A_70 : memref<640x128xf32, #tpu.memory_space<hbm>>) target(%dma_start3A_68 : memref<640x128xf32, #tpu.memory_space<vmem_shared>>) target_semaphore(%run_scoped3A : memref<!tpu.dma_semaphore, #tpu.memory_space<semaphore_mem>>)
      %dma_wait3A = arith.constant 0 : i32
      %dma_wait3A_71 = tpu.memref_slice %arg13[%mul3A_4, %dma_wait3A] : memref<10240x128xf32, #tpu.memory_space<vmem_shared>> -> memref<640x128xf32, #tpu.memory_space<vmem_shared>>
      %dma_wait3A_72 = arith.constant 0 : i32
      %dma_wait3A_73 = tpu.memref_slice %arg5[%mul3A_2, %dma_wait3A_72] : memref<10240x128xf32, #tpu.memory_space<hbm>> -> memref<640x128xf32, #tpu.memory_space<hbm>>
      tpu.wait_dma2 semaphore(%run_scoped3A : memref<!tpu.dma_semaphore, #tpu.memory_space<semaphore_mem>>) src(%dma_wait3A_73 : memref<640x128xf32, #tpu.memory_space<hbm>>) dst(%dma_wait3A_71 : memref<640x128xf32, #tpu.memory_space<vmem_shared>>)
      tpu.yield
    }) : () -> ()
    "tpu.region"() ({
      %run_scoped3A = tpu.sem_alloc : memref<!tpu.dma_semaphore, #tpu.memory_space<semaphore_mem>>
      %dma_start3A_67 = arith.constant 0 : i32
      %dma_start3A_68 = tpu.memref_slice %arg3[%add3A, %dma_start3A_67] : memref<32x10240xi32, #tpu.memory_space<hbm>> -> memref<1x5120xi32, #tpu.memory_space<hbm>>
      %dma_start3A_69 = tpu.memref_squeeze %dma_start3A_68 : memref<1x5120xi32, #tpu.memory_space<hbm>> -> memref<5120xi32, #tpu.memory_space<hbm>>
      %dma_start3A_70 = arith.constant 0 : i32
      %dma_start3A_71 = tpu.memref_slice %arg3[%add3A, %dma_start3A_70] : memref<32x10240xi32, #tpu.memory_space<hbm>> -> memref<1x5120xi32, #tpu.memory_space<hbm>>
      %dma_start3A_72 = tpu.memref_squeeze %dma_start3A_71 : memref<1x5120xi32, #tpu.memory_space<hbm>> -> memref<5120xi32, #tpu.memory_space<hbm>>
      tpu.enqueue_dma source(%dma_start3A_72 : memref<5120xi32, #tpu.memory_space<hbm>>) target(%arg7 : memref<5120xi32, #tpu.memory_space<vmem>>) target_semaphore(%run_scoped3A : memref<!tpu.dma_semaphore, #tpu.memory_space<semaphore_mem>>)
      %dma_wait3A = arith.constant 0 : i32
      %dma_wait3A_73 = tpu.memref_slice %arg3[%add3A, %dma_wait3A] : memref<32x10240xi32, #tpu.memory_space<hbm>> -> memref<1x5120xi32, #tpu.memory_space<hbm>>
      %dma_wait3A_74 = tpu.memref_squeeze %dma_wait3A_73 : memref<1x5120xi32, #tpu.memory_space<hbm>> -> memref<5120xi32, #tpu.memory_space<hbm>>
      %dma_wait3A_75 = arith.constant 0 : i32
      %dma_wait3A_76 = tpu.memref_slice %arg3[%add3A, %dma_wait3A_75] : memref<32x10240xi32, #tpu.memory_space<hbm>> -> memref<1x5120xi32, #tpu.memory_space<hbm>>
      %dma_wait3A_77 = tpu.memref_squeeze %dma_wait3A_76 : memref<1x5120xi32, #tpu.memory_space<hbm>> -> memref<5120xi32, #tpu.memory_space<hbm>>
      tpu.wait_dma2 semaphore(%run_scoped3A : memref<!tpu.dma_semaphore, #tpu.memory_space<semaphore_mem>>) src(%dma_wait3A_77 : memref<5120xi32, #tpu.memory_space<hbm>>) dst(%arg7 : memref<5120xi32, #tpu.memory_space<vmem>>)
      tpu.yield
    }) : () -> ()
    "tpu.region"() ({
      %run_scoped3A = tpu.sem_alloc : memref<!tpu.dma_semaphore, #tpu.memory_space<semaphore_mem>>
      %dma_start3A_67 = arith.constant 0 : i32
      %dma_start3A_68 = arith.constant 0 : i32
      %dma_start3A_69 = tpu.memref_slice %arg4[%add3A, %dma_start3A_67, %dma_start3A_68] : memref<32x160x64xi32, #tpu.memory_space<hbm>> -> memref<1x80x64xi32, #tpu.memory_space<hbm>>
      %dma_start3A_70 = tpu.memref_squeeze %dma_start3A_69 : memref<1x80x64xi32, #tpu.memory_space<hbm>> -> memref<80x64xi32, #tpu.memory_space<hbm>>
      %dma_start3A_71 = arith.constant 0 : i32
      %dma_start3A_72 = arith.constant 0 : i32
      %dma_start3A_73 = tpu.memref_slice %arg4[%add3A, %dma_start3A_71, %dma_start3A_72] : memref<32x160x64xi32, #tpu.memory_space<hbm>> -> memref<1x80x64xi32, #tpu.memory_space<hbm>>
      %dma_start3A_74 = tpu.memref_squeeze %dma_start3A_73 : memref<1x80x64xi32, #tpu.memory_space<hbm>> -> memref<80x64xi32, #tpu.memory_space<hbm>>
      tpu.enqueue_dma source(%dma_start3A_74 : memref<80x64xi32, #tpu.memory_space<hbm>>) target(%arg8 : memref<80x64xi32, #tpu.memory_space<vmem>>) target_semaphore(%run_scoped3A : memref<!tpu.dma_semaphore, #tpu.memory_space<semaphore_mem>>)
      %dma_wait3A = arith.constant 0 : i32
      %dma_wait3A_75 = arith.constant 0 : i32
      %dma_wait3A_76 = tpu.memref_slice %arg4[%add3A, %dma_wait3A, %dma_wait3A_75] : memref<32x160x64xi32, #tpu.memory_space<hbm>> -> memref<1x80x64xi32, #tpu.memory_space<hbm>>
      %dma_wait3A_77 = tpu.memref_squeeze %dma_wait3A_76 : memref<1x80x64xi32, #tpu.memory_space<hbm>> -> memref<80x64xi32, #tpu.memory_space<hbm>>
      %dma_wait3A_78 = arith.constant 0 : i32
      %dma_wait3A_79 = arith.constant 0 : i32
      %dma_wait3A_80 = tpu.memref_slice %arg4[%add3A, %dma_wait3A_78, %dma_wait3A_79] : memref<32x160x64xi32, #tpu.memory_space<hbm>> -> memref<1x80x64xi32, #tpu.memory_space<hbm>>
      %dma_wait3A_81 = tpu.memref_squeeze %dma_wait3A_80 : memref<1x80x64xi32, #tpu.memory_space<hbm>> -> memref<80x64xi32, #tpu.memory_space<hbm>>
      tpu.wait_dma2 semaphore(%run_scoped3A : memref<!tpu.dma_semaphore, #tpu.memory_space<semaphore_mem>>) src(%dma_wait3A_81 : memref<80x64xi32, #tpu.memory_space<hbm>>) dst(%arg8 : memref<80x64xi32, #tpu.memory_space<vmem>>)
      tpu.yield
    }) : () -> ()
    %multiple_of3A = arith.constant 0 : i32
    %multiple_of3A_5 = tpu.assume_multiple %multiple_of3A, 8 : i32
    %dma_start3A = tpu.memref_slice %arg7[%multiple_of3A_5] : memref<5120xi32, #tpu.memory_space<vmem>> -> memref<64xi32, #tpu.memory_space<vmem>>
    %dma_start3A_6 = arith.constant 0 : i32
    %dma_start3A_7 = arith.constant 0 : i32
    %dma_start3A_8 = tpu.memref_slice %arg2[%dma_start3A_6, %dma_start3A_7] : memref<10240x128xf32, #tpu.memory_space<hbm>> -> memref<10240x128xf32, #tpu.memory_space<hbm>>
    tpu.enqueue_indirect_dma source(%dma_start3A_8 : memref<10240x128xf32, #tpu.memory_space<hbm>>) target(%arg9 : memref<64x128xf32, #tpu.memory_space<vmem>>) offsets(%dma_start3A : memref<64xi32, #tpu.memory_space<vmem>>) semaphore(%arg14 : memref<!tpu.dma_semaphore, #tpu.memory_space<semaphore_mem>>)
    %multiple_of3A_9 = arith.constant 64 : i32
    %multiple_of3A_10 = tpu.assume_multiple %multiple_of3A_9, 8 : i32
    %dma_start3A_11 = tpu.memref_slice %arg7[%multiple_of3A_10] : memref<5120xi32, #tpu.memory_space<vmem>> -> memref<64xi32, #tpu.memory_space<vmem>>
    %dma_start3A_12 = arith.constant 0 : i32
    %dma_start3A_13 = arith.constant 0 : i32
    %dma_start3A_14 = tpu.memref_slice %arg2[%dma_start3A_12, %dma_start3A_13] : memref<10240x128xf32, #tpu.memory_space<hbm>> -> memref<10240x128xf32, #tpu.memory_space<hbm>>
    tpu.enqueue_indirect_dma source(%dma_start3A_14 : memref<10240x128xf32, #tpu.memory_space<hbm>>) target(%arg10 : memref<64x128xf32, #tpu.memory_space<vmem>>) offsets(%dma_start3A_11 : memref<64xi32, #tpu.memory_space<vmem>>) semaphore(%arg15 : memref<!tpu.dma_semaphore, #tpu.memory_space<semaphore_mem>>)
    %multiple_of3A_15 = arith.constant 128 : i32
    %multiple_of3A_16 = tpu.assume_multiple %multiple_of3A_15, 8 : i32
    %dma_start3A_17 = tpu.memref_slice %arg7[%multiple_of3A_16] : memref<5120xi32, #tpu.memory_space<vmem>> -> memref<64xi32, #tpu.memory_space<vmem>>
    %dma_start3A_18 = arith.constant 0 : i32
    %dma_start3A_19 = arith.constant 0 : i32
    %dma_start3A_20 = tpu.memref_slice %arg2[%dma_start3A_18, %dma_start3A_19] : memref<10240x128xf32, #tpu.memory_space<hbm>> -> memref<10240x128xf32, #tpu.memory_space<hbm>>
    tpu.enqueue_indirect_dma source(%dma_start3A_20 : memref<10240x128xf32, #tpu.memory_space<hbm>>) target(%arg11 : memref<64x128xf32, #tpu.memory_space<vmem>>) offsets(%dma_start3A_17 : memref<64xi32, #tpu.memory_space<vmem>>) semaphore(%arg16 : memref<!tpu.dma_semaphore, #tpu.memory_space<semaphore_mem>>)
    %multiple_of3A_21 = arith.constant 192 : i32
    %multiple_of3A_22 = tpu.assume_multiple %multiple_of3A_21, 8 : i32
    %dma_start3A_23 = tpu.memref_slice %arg7[%multiple_of3A_22] : memref<5120xi32, #tpu.memory_space<vmem>> -> memref<64xi32, #tpu.memory_space<vmem>>
    %dma_start3A_24 = arith.constant 0 : i32
    %dma_start3A_25 = arith.constant 0 : i32
    %dma_start3A_26 = tpu.memref_slice %arg2[%dma_start3A_24, %dma_start3A_25] : memref<10240x128xf32, #tpu.memory_space<hbm>> -> memref<10240x128xf32, #tpu.memory_space<hbm>>
    tpu.enqueue_indirect_dma source(%dma_start3A_26 : memref<10240x128xf32, #tpu.memory_space<hbm>>) target(%arg12 : memref<64x128xf32, #tpu.memory_space<vmem>>) offsets(%dma_start3A_23 : memref<64xi32, #tpu.memory_space<vmem>>) semaphore(%arg17 : memref<!tpu.dma_semaphore, #tpu.memory_space<semaphore_mem>>)
    %barrier3A = arith.constant 0 : index
    tpu.barrier barrier_id(%barrier3A)
    %scan3A = arith.constant 0 : i32
    %scan3A_27 = arith.constant 0 : i32
    %scan3A_28 = arith.constant 20 : i32
    %scan3A_29 = arith.addi %scan3A_27, %scan3A_28 : i32
    %scan3A_30 = arith.constant 1 : i32
    scf.for %scan3A_67 = %scan3A_27 to %scan3A_29 step %scan3A_30  : i32 {
      %mul3A_68 = arith.constant 4 : i32
      %mul3A_69 = arith.muli %scan3A_67, %mul3A_68 : i32
      %add3A_70 = arith.constant 0 : i32
      %add3A_71 = arith.addi %mul3A_69, %add3A_70 : i32
      %mul3A_72 = arith.constant 64 : i32
      %mul3A_73 = arith.muli %add3A_71, %mul3A_72 : i32
      %multiple_of3A_74 = tpu.assume_multiple %mul3A_73, 8 : i32
      %dma_wait3A = tpu.memref_slice %arg7[%multiple_of3A_74] : memref<5120xi32, #tpu.memory_space<vmem>> -> memref<64xi32, #tpu.memory_space<vmem>>
      %dma_wait3A_75 = arith.constant 0 : i32
      %dma_wait3A_76 = arith.constant 0 : i32
      %dma_wait3A_77 = tpu.memref_slice %arg2[%dma_wait3A_75, %dma_wait3A_76] : memref<10240x128xf32, #tpu.memory_space<hbm>> -> memref<10240x128xf32, #tpu.memory_space<hbm>>
      tpu.wait_indirect_dma semaphore(%arg14 : memref<!tpu.dma_semaphore, #tpu.memory_space<semaphore_mem>>) src(%dma_wait3A_77 : memref<10240x128xf32, #tpu.memory_space<hbm>>) dst(%arg9 : memref<64x128xf32, #tpu.memory_space<vmem>>)
      "tpu.region"() ({
        %run_scoped3A = tpu.sem_alloc : memref<!tpu.dma_semaphore, #tpu.memory_space<semaphore_mem>>
        %dma_start3A_136 = arith.constant 0 : i32
        %dma_start3A_137 = tpu.memref_slice %arg8[%add3A_71, %dma_start3A_136] : memref<80x64xi32, #tpu.memory_space<vmem>> -> memref<1x64xi32, #tpu.memory_space<vmem>>
        %dma_start3A_138 = tpu.memref_squeeze %dma_start3A_137 : memref<1x64xi32, #tpu.memory_space<vmem>> -> memref<64xi32, #tpu.memory_space<vmem>>
        %dma_start3A_139 = arith.constant 0 : i32
        %dma_start3A_140 = arith.constant 0 : i32
        %dma_start3A_141 = tpu.memref_slice %arg13[%dma_start3A_139, %dma_start3A_140] : memref<10240x128xf32, #tpu.memory_space<vmem_shared>> -> memref<10240x128xf32, #tpu.memory_space<vmem_shared>>
        tpu.enqueue_indirect_dma source(%arg9 : memref<64x128xf32, #tpu.memory_space<vmem>>) target(%dma_start3A_141 : memref<10240x128xf32, #tpu.memory_space<vmem_shared>>) offsets(%dma_start3A_138 : memref<64xi32, #tpu.memory_space<vmem>>) semaphore(%run_scoped3A : memref<!tpu.dma_semaphore, #tpu.memory_space<semaphore_mem>>) {add = true}
        %dma_wait3A_142 = arith.constant 0 : i32
        %dma_wait3A_143 = tpu.memref_slice %arg8[%add3A_71, %dma_wait3A_142] : memref<80x64xi32, #tpu.memory_space<vmem>> -> memref<1x64xi32, #tpu.memory_space<vmem>>
        %dma_wait3A_144 = tpu.memref_squeeze %dma_wait3A_143 : memref<1x64xi32, #tpu.memory_space<vmem>> -> memref<64xi32, #tpu.memory_space<vmem>>
        %dma_wait3A_145 = arith.constant 0 : i32
        %dma_wait3A_146 = arith.constant 0 : i32
        %dma_wait3A_147 = tpu.memref_slice %arg13[%dma_wait3A_145, %dma_wait3A_146] : memref<10240x128xf32, #tpu.memory_space<vmem_shared>> -> memref<10240x128xf32, #tpu.memory_space<vmem_shared>>
        tpu.wait_indirect_dma semaphore(%run_scoped3A : memref<!tpu.dma_semaphore, #tpu.memory_space<semaphore_mem>>) src(%arg9 : memref<64x128xf32, #tpu.memory_space<vmem>>) dst(%dma_wait3A_147 : memref<10240x128xf32, #tpu.memory_space<vmem_shared>>)
        tpu.yield
      }) : () -> ()
      %add3A_78 = arith.constant 4 : i32
      %add3A_79 = arith.addi %add3A_71, %add3A_78 : i32
      %lt3A = arith.constant 80 : i32
      %lt3A_80 = arith.cmpi slt, %add3A_79, %lt3A : i32
      %convert_element_type3A = arith.extui %lt3A_80 : i1 to i32
      %cond3A = arith.constant 0 : i32
      %cond3A_81 = arith.cmpi ne, %convert_element_type3A, %cond3A : i32
      scf.if %cond3A_81 {
        %mul3A_136 = arith.constant 64 : i32
        %mul3A_137 = arith.muli %add3A_79, %mul3A_136 : i32
        %multiple_of3A_138 = tpu.assume_multiple %mul3A_137, 8 : i32
        %dma_start3A_139 = tpu.memref_slice %arg7[%multiple_of3A_138] : memref<5120xi32, #tpu.memory_space<vmem>> -> memref<64xi32, #tpu.memory_space<vmem>>
        %dma_start3A_140 = arith.constant 0 : i32
        %dma_start3A_141 = arith.constant 0 : i32
        %dma_start3A_142 = tpu.memref_slice %arg2[%dma_start3A_140, %dma_start3A_141] : memref<10240x128xf32, #tpu.memory_space<hbm>> -> memref<10240x128xf32, #tpu.memory_space<hbm>>
        tpu.enqueue_indirect_dma source(%dma_start3A_142 : memref<10240x128xf32, #tpu.memory_space<hbm>>) target(%arg9 : memref<64x128xf32, #tpu.memory_space<vmem>>) offsets(%dma_start3A_139 : memref<64xi32, #tpu.memory_space<vmem>>) semaphore(%arg14 : memref<!tpu.dma_semaphore, #tpu.memory_space<semaphore_mem>>)
      } else {
      }
      %mul3A_82 = arith.constant 4 : i32
      %mul3A_83 = arith.muli %scan3A_67, %mul3A_82 : i32
      %add3A_84 = arith.constant 1 : i32
      %add3A_85 = arith.addi %mul3A_83, %add3A_84 : i32
      %mul3A_86 = arith.constant 64 : i32
      %mul3A_87 = arith.muli %add3A_85, %mul3A_86 : i32
      %multiple_of3A_88 = tpu.assume_multiple %mul3A_87, 8 : i32
      %dma_wait3A_89 = tpu.memref_slice %arg7[%multiple_of3A_88] : memref<5120xi32, #tpu.memory_space<vmem>> -> memref<64xi32, #tpu.memory_space<vmem>>
      %dma_wait3A_90 = arith.constant 0 : i32
      %dma_wait3A_91 = arith.constant 0 : i32
      %dma_wait3A_92 = tpu.memref_slice %arg2[%dma_wait3A_90, %dma_wait3A_91] : memref<10240x128xf32, #tpu.memory_space<hbm>> -> memref<10240x128xf32, #tpu.memory_space<hbm>>
      tpu.wait_indirect_dma semaphore(%arg15 : memref<!tpu.dma_semaphore, #tpu.memory_space<semaphore_mem>>) src(%dma_wait3A_92 : memref<10240x128xf32, #tpu.memory_space<hbm>>) dst(%arg10 : memref<64x128xf32, #tpu.memory_space<vmem>>)
      "tpu.region"() ({
        %run_scoped3A = tpu.sem_alloc : memref<!tpu.dma_semaphore, #tpu.memory_space<semaphore_mem>>
        %dma_start3A_136 = arith.constant 0 : i32
        %dma_start3A_137 = tpu.memref_slice %arg8[%add3A_85, %dma_start3A_136] : memref<80x64xi32, #tpu.memory_space<vmem>> -> memref<1x64xi32, #tpu.memory_space<vmem>>
        %dma_start3A_138 = tpu.memref_squeeze %dma_start3A_137 : memref<1x64xi32, #tpu.memory_space<vmem>> -> memref<64xi32, #tpu.memory_space<vmem>>
        %dma_start3A_139 = arith.constant 0 : i32
        %dma_start3A_140 = arith.constant 0 : i32
        %dma_start3A_141 = tpu.memref_slice %arg13[%dma_start3A_139, %dma_start3A_140] : memref<10240x128xf32, #tpu.memory_space<vmem_shared>> -> memref<10240x128xf32, #tpu.memory_space<vmem_shared>>
        tpu.enqueue_indirect_dma source(%arg10 : memref<64x128xf32, #tpu.memory_space<vmem>>) target(%dma_start3A_141 : memref<10240x128xf32, #tpu.memory_space<vmem_shared>>) offsets(%dma_start3A_138 : memref<64xi32, #tpu.memory_space<vmem>>) semaphore(%run_scoped3A : memref<!tpu.dma_semaphore, #tpu.memory_space<semaphore_mem>>) {add = true}
        %dma_wait3A_142 = arith.constant 0 : i32
        %dma_wait3A_143 = tpu.memref_slice %arg8[%add3A_85, %dma_wait3A_142] : memref<80x64xi32, #tpu.memory_space<vmem>> -> memref<1x64xi32, #tpu.memory_space<vmem>>
        %dma_wait3A_144 = tpu.memref_squeeze %dma_wait3A_143 : memref<1x64xi32, #tpu.memory_space<vmem>> -> memref<64xi32, #tpu.memory_space<vmem>>
        %dma_wait3A_145 = arith.constant 0 : i32
        %dma_wait3A_146 = arith.constant 0 : i32
        %dma_wait3A_147 = tpu.memref_slice %arg13[%dma_wait3A_145, %dma_wait3A_146] : memref<10240x128xf32, #tpu.memory_space<vmem_shared>> -> memref<10240x128xf32, #tpu.memory_space<vmem_shared>>
        tpu.wait_indirect_dma semaphore(%run_scoped3A : memref<!tpu.dma_semaphore, #tpu.memory_space<semaphore_mem>>) src(%arg10 : memref<64x128xf32, #tpu.memory_space<vmem>>) dst(%dma_wait3A_147 : memref<10240x128xf32, #tpu.memory_space<vmem_shared>>)
        tpu.yield
      }) : () -> ()
      %add3A_93 = arith.constant 4 : i32
      %add3A_94 = arith.addi %add3A_85, %add3A_93 : i32
      %lt3A_95 = arith.constant 80 : i32
      %lt3A_96 = arith.cmpi slt, %add3A_94, %lt3A_95 : i32
      %convert_element_type3A_97 = arith.extui %lt3A_96 : i1 to i32
      %cond3A_98 = arith.constant 0 : i32
      %cond3A_99 = arith.cmpi ne, %convert_element_type3A_97, %cond3A_98 : i32
      scf.if %cond3A_99 {
        %mul3A_136 = arith.constant 64 : i32
        %mul3A_137 = arith.muli %add3A_94, %mul3A_136 : i32
        %multiple_of3A_138 = tpu.assume_multiple %mul3A_137, 8 : i32
        %dma_start3A_139 = tpu.memref_slice %arg7[%multiple_of3A_138] : memref<5120xi32, #tpu.memory_space<vmem>> -> memref<64xi32, #tpu.memory_space<vmem>>
        %dma_start3A_140 = arith.constant 0 : i32
        %dma_start3A_141 = arith.constant 0 : i32
        %dma_start3A_142 = tpu.memref_slice %arg2[%dma_start3A_140, %dma_start3A_141] : memref<10240x128xf32, #tpu.memory_space<hbm>> -> memref<10240x128xf32, #tpu.memory_space<hbm>>
        tpu.enqueue_indirect_dma source(%dma_start3A_142 : memref<10240x128xf32, #tpu.memory_space<hbm>>) target(%arg10 : memref<64x128xf32, #tpu.memory_space<vmem>>) offsets(%dma_start3A_139 : memref<64xi32, #tpu.memory_space<vmem>>) semaphore(%arg15 : memref<!tpu.dma_semaphore, #tpu.memory_space<semaphore_mem>>)
      } else {
      }
      %mul3A_100 = arith.constant 4 : i32
      %mul3A_101 = arith.muli %scan3A_67, %mul3A_100 : i32
      %add3A_102 = arith.constant 2 : i32
      %add3A_103 = arith.addi %mul3A_101, %add3A_102 : i32
      %mul3A_104 = arith.constant 64 : i32
      %mul3A_105 = arith.muli %add3A_103, %mul3A_104 : i32
      %multiple_of3A_106 = tpu.assume_multiple %mul3A_105, 8 : i32
      %dma_wait3A_107 = tpu.memref_slice %arg7[%multiple_of3A_106] : memref<5120xi32, #tpu.memory_space<vmem>> -> memref<64xi32, #tpu.memory_space<vmem>>
      %dma_wait3A_108 = arith.constant 0 : i32
      %dma_wait3A_109 = arith.constant 0 : i32
      %dma_wait3A_110 = tpu.memref_slice %arg2[%dma_wait3A_108, %dma_wait3A_109] : memref<10240x128xf32, #tpu.memory_space<hbm>> -> memref<10240x128xf32, #tpu.memory_space<hbm>>
      tpu.wait_indirect_dma semaphore(%arg16 : memref<!tpu.dma_semaphore, #tpu.memory_space<semaphore_mem>>) src(%dma_wait3A_110 : memref<10240x128xf32, #tpu.memory_space<hbm>>) dst(%arg11 : memref<64x128xf32, #tpu.memory_space<vmem>>)
      "tpu.region"() ({
        %run_scoped3A = tpu.sem_alloc : memref<!tpu.dma_semaphore, #tpu.memory_space<semaphore_mem>>
        %dma_start3A_136 = arith.constant 0 : i32
        %dma_start3A_137 = tpu.memref_slice %arg8[%add3A_103, %dma_start3A_136] : memref<80x64xi32, #tpu.memory_space<vmem>> -> memref<1x64xi32, #tpu.memory_space<vmem>>
        %dma_start3A_138 = tpu.memref_squeeze %dma_start3A_137 : memref<1x64xi32, #tpu.memory_space<vmem>> -> memref<64xi32, #tpu.memory_space<vmem>>
        %dma_start3A_139 = arith.constant 0 : i32
        %dma_start3A_140 = arith.constant 0 : i32
        %dma_start3A_141 = tpu.memref_slice %arg13[%dma_start3A_139, %dma_start3A_140] : memref<10240x128xf32, #tpu.memory_space<vmem_shared>> -> memref<10240x128xf32, #tpu.memory_space<vmem_shared>>
        tpu.enqueue_indirect_dma source(%arg11 : memref<64x128xf32, #tpu.memory_space<vmem>>) target(%dma_start3A_141 : memref<10240x128xf32, #tpu.memory_space<vmem_shared>>) offsets(%dma_start3A_138 : memref<64xi32, #tpu.memory_space<vmem>>) semaphore(%run_scoped3A : memref<!tpu.dma_semaphore, #tpu.memory_space<semaphore_mem>>) {add = true}
        %dma_wait3A_142 = arith.constant 0 : i32
        %dma_wait3A_143 = tpu.memref_slice %arg8[%add3A_103, %dma_wait3A_142] : memref<80x64xi32, #tpu.memory_space<vmem>> -> memref<1x64xi32, #tpu.memory_space<vmem>>
        %dma_wait3A_144 = tpu.memref_squeeze %dma_wait3A_143 : memref<1x64xi32, #tpu.memory_space<vmem>> -> memref<64xi32, #tpu.memory_space<vmem>>
        %dma_wait3A_145 = arith.constant 0 : i32
        %dma_wait3A_146 = arith.constant 0 : i32
        %dma_wait3A_147 = tpu.memref_slice %arg13[%dma_wait3A_145, %dma_wait3A_146] : memref<10240x128xf32, #tpu.memory_space<vmem_shared>> -> memref<10240x128xf32, #tpu.memory_space<vmem_shared>>
        tpu.wait_indirect_dma semaphore(%run_scoped3A : memref<!tpu.dma_semaphore, #tpu.memory_space<semaphore_mem>>) src(%arg11 : memref<64x128xf32, #tpu.memory_space<vmem>>) dst(%dma_wait3A_147 : memref<10240x128xf32, #tpu.memory_space<vmem_shared>>)
        tpu.yield
      }) : () -> ()
      %add3A_111 = arith.constant 4 : i32
      %add3A_112 = arith.addi %add3A_103, %add3A_111 : i32
      %lt3A_113 = arith.constant 80 : i32
      %lt3A_114 = arith.cmpi slt, %add3A_112, %lt3A_113 : i32
      %convert_element_type3A_115 = arith.extui %lt3A_114 : i1 to i32
      %cond3A_116 = arith.constant 0 : i32
      %cond3A_117 = arith.cmpi ne, %convert_element_type3A_115, %cond3A_116 : i32
      scf.if %cond3A_117 {
        %mul3A_136 = arith.constant 64 : i32
        %mul3A_137 = arith.muli %add3A_112, %mul3A_136 : i32
        %multiple_of3A_138 = tpu.assume_multiple %mul3A_137, 8 : i32
        %dma_start3A_139 = tpu.memref_slice %arg7[%multiple_of3A_138] : memref<5120xi32, #tpu.memory_space<vmem>> -> memref<64xi32, #tpu.memory_space<vmem>>
        %dma_start3A_140 = arith.constant 0 : i32
        %dma_start3A_141 = arith.constant 0 : i32
        %dma_start3A_142 = tpu.memref_slice %arg2[%dma_start3A_140, %dma_start3A_141] : memref<10240x128xf32, #tpu.memory_space<hbm>> -> memref<10240x128xf32, #tpu.memory_space<hbm>>
        tpu.enqueue_indirect_dma source(%dma_start3A_142 : memref<10240x128xf32, #tpu.memory_space<hbm>>) target(%arg11 : memref<64x128xf32, #tpu.memory_space<vmem>>) offsets(%dma_start3A_139 : memref<64xi32, #tpu.memory_space<vmem>>) semaphore(%arg16 : memref<!tpu.dma_semaphore, #tpu.memory_space<semaphore_mem>>)
      } else {
      }
      %mul3A_118 = arith.constant 4 : i32
      %mul3A_119 = arith.muli %scan3A_67, %mul3A_118 : i32
      %add3A_120 = arith.constant 3 : i32
      %add3A_121 = arith.addi %mul3A_119, %add3A_120 : i32
      %mul3A_122 = arith.constant 64 : i32
      %mul3A_123 = arith.muli %add3A_121, %mul3A_122 : i32
      %multiple_of3A_124 = tpu.assume_multiple %mul3A_123, 8 : i32
      %dma_wait3A_125 = tpu.memref_slice %arg7[%multiple_of3A_124] : memref<5120xi32, #tpu.memory_space<vmem>> -> memref<64xi32, #tpu.memory_space<vmem>>
      %dma_wait3A_126 = arith.constant 0 : i32
      %dma_wait3A_127 = arith.constant 0 : i32
      %dma_wait3A_128 = tpu.memref_slice %arg2[%dma_wait3A_126, %dma_wait3A_127] : memref<10240x128xf32, #tpu.memory_space<hbm>> -> memref<10240x128xf32, #tpu.memory_space<hbm>>
      tpu.wait_indirect_dma semaphore(%arg17 : memref<!tpu.dma_semaphore, #tpu.memory_space<semaphore_mem>>) src(%dma_wait3A_128 : memref<10240x128xf32, #tpu.memory_space<hbm>>) dst(%arg12 : memref<64x128xf32, #tpu.memory_space<vmem>>)
      "tpu.region"() ({
        %run_scoped3A = tpu.sem_alloc : memref<!tpu.dma_semaphore, #tpu.memory_space<semaphore_mem>>
        %dma_start3A_136 = arith.constant 0 : i32
        %dma_start3A_137 = tpu.memref_slice %arg8[%add3A_121, %dma_start3A_136] : memref<80x64xi32, #tpu.memory_space<vmem>> -> memref<1x64xi32, #tpu.memory_space<vmem>>
        %dma_start3A_138 = tpu.memref_squeeze %dma_start3A_137 : memref<1x64xi32, #tpu.memory_space<vmem>> -> memref<64xi32, #tpu.memory_space<vmem>>
        %dma_start3A_139 = arith.constant 0 : i32
        %dma_start3A_140 = arith.constant 0 : i32
        %dma_start3A_141 = tpu.memref_slice %arg13[%dma_start3A_139, %dma_start3A_140] : memref<10240x128xf32, #tpu.memory_space<vmem_shared>> -> memref<10240x128xf32, #tpu.memory_space<vmem_shared>>
        tpu.enqueue_indirect_dma source(%arg12 : memref<64x128xf32, #tpu.memory_space<vmem>>) target(%dma_start3A_141 : memref<10240x128xf32, #tpu.memory_space<vmem_shared>>) offsets(%dma_start3A_138 : memref<64xi32, #tpu.memory_space<vmem>>) semaphore(%run_scoped3A : memref<!tpu.dma_semaphore, #tpu.memory_space<semaphore_mem>>) {add = true}
        %dma_wait3A_142 = arith.constant 0 : i32
        %dma_wait3A_143 = tpu.memref_slice %arg8[%add3A_121, %dma_wait3A_142] : memref<80x64xi32, #tpu.memory_space<vmem>> -> memref<1x64xi32, #tpu.memory_space<vmem>>
        %dma_wait3A_144 = tpu.memref_squeeze %dma_wait3A_143 : memref<1x64xi32, #tpu.memory_space<vmem>> -> memref<64xi32, #tpu.memory_space<vmem>>
        %dma_wait3A_145 = arith.constant 0 : i32
        %dma_wait3A_146 = arith.constant 0 : i32
        %dma_wait3A_147 = tpu.memref_slice %arg13[%dma_wait3A_145, %dma_wait3A_146] : memref<10240x128xf32, #tpu.memory_space<vmem_shared>> -> memref<10240x128xf32, #tpu.memory_space<vmem_shared>>
        tpu.wait_indirect_dma semaphore(%run_scoped3A : memref<!tpu.dma_semaphore, #tpu.memory_space<semaphore_mem>>) src(%arg12 : memref<64x128xf32, #tpu.memory_space<vmem>>) dst(%dma_wait3A_147 : memref<10240x128xf32, #tpu.memory_space<vmem_shared>>)
        tpu.yield
      }) : () -> ()
      %add3A_129 = arith.constant 4 : i32
      %add3A_130 = arith.addi %add3A_121, %add3A_129 : i32
      %lt3A_131 = arith.constant 80 : i32
      %lt3A_132 = arith.cmpi slt, %add3A_130, %lt3A_131 : i32
      %convert_element_type3A_133 = arith.extui %lt3A_132 : i1 to i32
      %cond3A_134 = arith.constant 0 : i32
      %cond3A_135 = arith.cmpi ne, %convert_element_type3A_133, %cond3A_134 : i32
      scf.if %cond3A_135 {
        %mul3A_136 = arith.constant 64 : i32
        %mul3A_137 = arith.muli %add3A_130, %mul3A_136 : i32
        %multiple_of3A_138 = tpu.assume_multiple %mul3A_137, 8 : i32
        %dma_start3A_139 = tpu.memref_slice %arg7[%multiple_of3A_138] : memref<5120xi32, #tpu.memory_space<vmem>> -> memref<64xi32, #tpu.memory_space<vmem>>
        %dma_start3A_140 = arith.constant 0 : i32
        %dma_start3A_141 = arith.constant 0 : i32
        %dma_start3A_142 = tpu.memref_slice %arg2[%dma_start3A_140, %dma_start3A_141] : memref<10240x128xf32, #tpu.memory_space<hbm>> -> memref<10240x128xf32, #tpu.memory_space<hbm>>
        tpu.enqueue_indirect_dma source(%dma_start3A_142 : memref<10240x128xf32, #tpu.memory_space<hbm>>) target(%arg12 : memref<64x128xf32, #tpu.memory_space<vmem>>) offsets(%dma_start3A_139 : memref<64xi32, #tpu.memory_space<vmem>>) semaphore(%arg17 : memref<!tpu.dma_semaphore, #tpu.memory_space<semaphore_mem>>)
      } else {
      }
    }
    %scan3A_31 = arith.constant 20 : i32
    "tpu.region"() ({
      %run_scoped3A = tpu.sem_alloc : memref<!tpu.dma_semaphore, #tpu.memory_space<semaphore_mem>>
      %dma_start3A_67 = arith.constant 5120 : i32
      %dma_start3A_68 = tpu.memref_slice %arg3[%add3A, %dma_start3A_67] : memref<32x10240xi32, #tpu.memory_space<hbm>> -> memref<1x5120xi32, #tpu.memory_space<hbm>>
      %dma_start3A_69 = tpu.memref_squeeze %dma_start3A_68 : memref<1x5120xi32, #tpu.memory_space<hbm>> -> memref<5120xi32, #tpu.memory_space<hbm>>
      %dma_start3A_70 = arith.constant 5120 : i32
      %dma_start3A_71 = tpu.memref_slice %arg3[%add3A, %dma_start3A_70] : memref<32x10240xi32, #tpu.memory_space<hbm>> -> memref<1x5120xi32, #tpu.memory_space<hbm>>
      %dma_start3A_72 = tpu.memref_squeeze %dma_start3A_71 : memref<1x5120xi32, #tpu.memory_space<hbm>> -> memref<5120xi32, #tpu.memory_space<hbm>>
      tpu.enqueue_dma source(%dma_start3A_72 : memref<5120xi32, #tpu.memory_space<hbm>>) target(%arg7 : memref<5120xi32, #tpu.memory_space<vmem>>) target_semaphore(%run_scoped3A : memref<!tpu.dma_semaphore, #tpu.memory_space<semaphore_mem>>)
      %dma_wait3A = arith.constant 5120 : i32
      %dma_wait3A_73 = tpu.memref_slice %arg3[%add3A, %dma_wait3A] : memref<32x10240xi32, #tpu.memory_space<hbm>> -> memref<1x5120xi32, #tpu.memory_space<hbm>>
      %dma_wait3A_74 = tpu.memref_squeeze %dma_wait3A_73 : memref<1x5120xi32, #tpu.memory_space<hbm>> -> memref<5120xi32, #tpu.memory_space<hbm>>
      %dma_wait3A_75 = arith.constant 5120 : i32
      %dma_wait3A_76 = tpu.memref_slice %arg3[%add3A, %dma_wait3A_75] : memref<32x10240xi32, #tpu.memory_space<hbm>> -> memref<1x5120xi32, #tpu.memory_space<hbm>>
      %dma_wait3A_77 = tpu.memref_squeeze %dma_wait3A_76 : memref<1x5120xi32, #tpu.memory_space<hbm>> -> memref<5120xi32, #tpu.memory_space<hbm>>
      tpu.wait_dma2 semaphore(%run_scoped3A : memref<!tpu.dma_semaphore, #tpu.memory_space<semaphore_mem>>) src(%dma_wait3A_77 : memref<5120xi32, #tpu.memory_space<hbm>>) dst(%arg7 : memref<5120xi32, #tpu.memory_space<vmem>>)
      tpu.yield
    }) : () -> ()
    "tpu.region"() ({
      %run_scoped3A = tpu.sem_alloc : memref<!tpu.dma_semaphore, #tpu.memory_space<semaphore_mem>>
      %dma_start3A_67 = arith.constant 80 : i32
      %dma_start3A_68 = arith.constant 0 : i32
      %dma_start3A_69 = tpu.memref_slice %arg4[%add3A, %dma_start3A_67, %dma_start3A_68] : memref<32x160x64xi32, #tpu.memory_space<hbm>> -> memref<1x80x64xi32, #tpu.memory_space<hbm>>
      %dma_start3A_70 = tpu.memref_squeeze %dma_start3A_69 : memref<1x80x64xi32, #tpu.memory_space<hbm>> -> memref<80x64xi32, #tpu.memory_space<hbm>>
      %dma_start3A_71 = arith.constant 80 : i32
      %dma_start3A_72 = arith.constant 0 : i32
      %dma_start3A_73 = tpu.memref_slice %arg4[%add3A, %dma_start3A_71, %dma_start3A_72] : memref<32x160x64xi32, #tpu.memory_space<hbm>> -> memref<1x80x64xi32, #tpu.memory_space<hbm>>
      %dma_start3A_74 = tpu.memref_squeeze %dma_start3A_73 : memref<1x80x64xi32, #tpu.memory_space<hbm>> -> memref<80x64xi32, #tpu.memory_space<hbm>>
      tpu.enqueue_dma source(%dma_start3A_74 : memref<80x64xi32, #tpu.memory_space<hbm>>) target(%arg8 : memref<80x64xi32, #tpu.memory_space<vmem>>) target_semaphore(%run_scoped3A : memref<!tpu.dma_semaphore, #tpu.memory_space<semaphore_mem>>)
      %dma_wait3A = arith.constant 80 : i32
      %dma_wait3A_75 = arith.constant 0 : i32
      %dma_wait3A_76 = tpu.memref_slice %arg4[%add3A, %dma_wait3A, %dma_wait3A_75] : memref<32x160x64xi32, #tpu.memory_space<hbm>> -> memref<1x80x64xi32, #tpu.memory_space<hbm>>
      %dma_wait3A_77 = tpu.memref_squeeze %dma_wait3A_76 : memref<1x80x64xi32, #tpu.memory_space<hbm>> -> memref<80x64xi32, #tpu.memory_space<hbm>>
      %dma_wait3A_78 = arith.constant 80 : i32
      %dma_wait3A_79 = arith.constant 0 : i32
      %dma_wait3A_80 = tpu.memref_slice %arg4[%add3A, %dma_wait3A_78, %dma_wait3A_79] : memref<32x160x64xi32, #tpu.memory_space<hbm>> -> memref<1x80x64xi32, #tpu.memory_space<hbm>>
      %dma_wait3A_81 = tpu.memref_squeeze %dma_wait3A_80 : memref<1x80x64xi32, #tpu.memory_space<hbm>> -> memref<80x64xi32, #tpu.memory_space<hbm>>
      tpu.wait_dma2 semaphore(%run_scoped3A : memref<!tpu.dma_semaphore, #tpu.memory_space<semaphore_mem>>) src(%dma_wait3A_81 : memref<80x64xi32, #tpu.memory_space<hbm>>) dst(%arg8 : memref<80x64xi32, #tpu.memory_space<vmem>>)
      tpu.yield
    }) : () -> ()
    %multiple_of3A_32 = arith.constant 0 : i32
    %multiple_of3A_33 = tpu.assume_multiple %multiple_of3A_32, 8 : i32
    %dma_start3A_34 = tpu.memref_slice %arg7[%multiple_of3A_33] : memref<5120xi32, #tpu.memory_space<vmem>> -> memref<64xi32, #tpu.memory_space<vmem>>
    %dma_start3A_35 = arith.constant 0 : i32
    %dma_start3A_36 = arith.constant 0 : i32
    %dma_start3A_37 = tpu.memref_slice %arg2[%dma_start3A_35, %dma_start3A_36] : memref<10240x128xf32, #tpu.memory_space<hbm>> -> memref<10240x128xf32, #tpu.memory_space<hbm>>
    tpu.enqueue_indirect_dma source(%dma_start3A_37 : memref<10240x128xf32, #tpu.memory_space<hbm>>) target(%arg9 : memref<64x128xf32, #tpu.memory_space<vmem>>) offsets(%dma_start3A_34 : memref<64xi32, #tpu.memory_space<vmem>>) semaphore(%arg14 : memref<!tpu.dma_semaphore, #tpu.memory_space<semaphore_mem>>)
    %multiple_of3A_38 = arith.constant 64 : i32
    %multiple_of3A_39 = tpu.assume_multiple %multiple_of3A_38, 8 : i32
    %dma_start3A_40 = tpu.memref_slice %arg7[%multiple_of3A_39] : memref<5120xi32, #tpu.memory_space<vmem>> -> memref<64xi32, #tpu.memory_space<vmem>>
    %dma_start3A_41 = arith.constant 0 : i32
    %dma_start3A_42 = arith.constant 0 : i32
    %dma_start3A_43 = tpu.memref_slice %arg2[%dma_start3A_41, %dma_start3A_42] : memref<10240x128xf32, #tpu.memory_space<hbm>> -> memref<10240x128xf32, #tpu.memory_space<hbm>>
    tpu.enqueue_indirect_dma source(%dma_start3A_43 : memref<10240x128xf32, #tpu.memory_space<hbm>>) target(%arg10 : memref<64x128xf32, #tpu.memory_space<vmem>>) offsets(%dma_start3A_40 : memref<64xi32, #tpu.memory_space<vmem>>) semaphore(%arg15 : memref<!tpu.dma_semaphore, #tpu.memory_space<semaphore_mem>>)
    %multiple_of3A_44 = arith.constant 128 : i32
    %multiple_of3A_45 = tpu.assume_multiple %multiple_of3A_44, 8 : i32
    %dma_start3A_46 = tpu.memref_slice %arg7[%multiple_of3A_45] : memref<5120xi32, #tpu.memory_space<vmem>> -> memref<64xi32, #tpu.memory_space<vmem>>
    %dma_start3A_47 = arith.constant 0 : i32
    %dma_start3A_48 = arith.constant 0 : i32
    %dma_start3A_49 = tpu.memref_slice %arg2[%dma_start3A_47, %dma_start3A_48] : memref<10240x128xf32, #tpu.memory_space<hbm>> -> memref<10240x128xf32, #tpu.memory_space<hbm>>
    tpu.enqueue_indirect_dma source(%dma_start3A_49 : memref<10240x128xf32, #tpu.memory_space<hbm>>) target(%arg11 : memref<64x128xf32, #tpu.memory_space<vmem>>) offsets(%dma_start3A_46 : memref<64xi32, #tpu.memory_space<vmem>>) semaphore(%arg16 : memref<!tpu.dma_semaphore, #tpu.memory_space<semaphore_mem>>)
    %multiple_of3A_50 = arith.constant 192 : i32
    %multiple_of3A_51 = tpu.assume_multiple %multiple_of3A_50, 8 : i32
    %dma_start3A_52 = tpu.memref_slice %arg7[%multiple_of3A_51] : memref<5120xi32, #tpu.memory_space<vmem>> -> memref<64xi32, #tpu.memory_space<vmem>>
    %dma_start3A_53 = arith.constant 0 : i32
    %dma_start3A_54 = arith.constant 0 : i32
    %dma_start3A_55 = tpu.memref_slice %arg2[%dma_start3A_53, %dma_start3A_54] : memref<10240x128xf32, #tpu.memory_space<hbm>> -> memref<10240x128xf32, #tpu.memory_space<hbm>>
    tpu.enqueue_indirect_dma source(%dma_start3A_55 : memref<10240x128xf32, #tpu.memory_space<hbm>>) target(%arg12 : memref<64x128xf32, #tpu.memory_space<vmem>>) offsets(%dma_start3A_52 : memref<64xi32, #tpu.memory_space<vmem>>) semaphore(%arg17 : memref<!tpu.dma_semaphore, #tpu.memory_space<semaphore_mem>>)
    %scan3A_56 = arith.constant 0 : i32
    %scan3A_57 = arith.constant 0 : i32
    %scan3A_58 = arith.constant 20 : i32
    %scan3A_59 = arith.addi %scan3A_57, %scan3A_58 : i32
    %scan3A_60 = arith.constant 1 : i32
    scf.for %scan3A_67 = %scan3A_57 to %scan3A_59 step %scan3A_60  : i32 {
      %mul3A_68 = arith.constant 4 : i32
      %mul3A_69 = arith.muli %scan3A_67, %mul3A_68 : i32
      %add3A_70 = arith.constant 0 : i32
      %add3A_71 = arith.addi %mul3A_69, %add3A_70 : i32
      %mul3A_72 = arith.constant 64 : i32
      %mul3A_73 = arith.muli %add3A_71, %mul3A_72 : i32
      %multiple_of3A_74 = tpu.assume_multiple %mul3A_73, 8 : i32
      %dma_wait3A = tpu.memref_slice %arg7[%multiple_of3A_74] : memref<5120xi32, #tpu.memory_space<vmem>> -> memref<64xi32, #tpu.memory_space<vmem>>
      %dma_wait3A_75 = arith.constant 0 : i32
      %dma_wait3A_76 = arith.constant 0 : i32
      %dma_wait3A_77 = tpu.memref_slice %arg2[%dma_wait3A_75, %dma_wait3A_76] : memref<10240x128xf32, #tpu.memory_space<hbm>> -> memref<10240x128xf32, #tpu.memory_space<hbm>>
      tpu.wait_indirect_dma semaphore(%arg14 : memref<!tpu.dma_semaphore, #tpu.memory_space<semaphore_mem>>) src(%dma_wait3A_77 : memref<10240x128xf32, #tpu.memory_space<hbm>>) dst(%arg9 : memref<64x128xf32, #tpu.memory_space<vmem>>)
      "tpu.region"() ({
        %run_scoped3A = tpu.sem_alloc : memref<!tpu.dma_semaphore, #tpu.memory_space<semaphore_mem>>
        %dma_start3A_136 = arith.constant 0 : i32
        %dma_start3A_137 = tpu.memref_slice %arg8[%add3A_71, %dma_start3A_136] : memref<80x64xi32, #tpu.memory_space<vmem>> -> memref<1x64xi32, #tpu.memory_space<vmem>>
        %dma_start3A_138 = tpu.memref_squeeze %dma_start3A_137 : memref<1x64xi32, #tpu.memory_space<vmem>> -> memref<64xi32, #tpu.memory_space<vmem>>
        %dma_start3A_139 = arith.constant 0 : i32
        %dma_start3A_140 = arith.constant 0 : i32
        %dma_start3A_141 = tpu.memref_slice %arg13[%dma_start3A_139, %dma_start3A_140] : memref<10240x128xf32, #tpu.memory_space<vmem_shared>> -> memref<10240x128xf32, #tpu.memory_space<vmem_shared>>
        tpu.enqueue_indirect_dma source(%arg9 : memref<64x128xf32, #tpu.memory_space<vmem>>) target(%dma_start3A_141 : memref<10240x128xf32, #tpu.memory_space<vmem_shared>>) offsets(%dma_start3A_138 : memref<64xi32, #tpu.memory_space<vmem>>) semaphore(%run_scoped3A : memref<!tpu.dma_semaphore, #tpu.memory_space<semaphore_mem>>) {add = true}
        %dma_wait3A_142 = arith.constant 0 : i32
        %dma_wait3A_143 = tpu.memref_slice %arg8[%add3A_71, %dma_wait3A_142] : memref<80x64xi32, #tpu.memory_space<vmem>> -> memref<1x64xi32, #tpu.memory_space<vmem>>
        %dma_wait3A_144 = tpu.memref_squeeze %dma_wait3A_143 : memref<1x64xi32, #tpu.memory_space<vmem>> -> memref<64xi32, #tpu.memory_space<vmem>>
        %dma_wait3A_145 = arith.constant 0 : i32
        %dma_wait3A_146 = arith.constant 0 : i32
        %dma_wait3A_147 = tpu.memref_slice %arg13[%dma_wait3A_145, %dma_wait3A_146] : memref<10240x128xf32, #tpu.memory_space<vmem_shared>> -> memref<10240x128xf32, #tpu.memory_space<vmem_shared>>
        tpu.wait_indirect_dma semaphore(%run_scoped3A : memref<!tpu.dma_semaphore, #tpu.memory_space<semaphore_mem>>) src(%arg9 : memref<64x128xf32, #tpu.memory_space<vmem>>) dst(%dma_wait3A_147 : memref<10240x128xf32, #tpu.memory_space<vmem_shared>>)
        tpu.yield
      }) : () -> ()
      %add3A_78 = arith.constant 4 : i32
      %add3A_79 = arith.addi %add3A_71, %add3A_78 : i32
      %lt3A = arith.constant 80 : i32
      %lt3A_80 = arith.cmpi slt, %add3A_79, %lt3A : i32
      %convert_element_type3A = arith.extui %lt3A_80 : i1 to i32
      %cond3A = arith.constant 0 : i32
      %cond3A_81 = arith.cmpi ne, %convert_element_type3A, %cond3A : i32
      scf.if %cond3A_81 {
        %mul3A_136 = arith.constant 64 : i32
        %mul3A_137 = arith.muli %add3A_79, %mul3A_136 : i32
        %multiple_of3A_138 = tpu.assume_multiple %mul3A_137, 8 : i32
        %dma_start3A_139 = tpu.memref_slice %arg7[%multiple_of3A_138] : memref<5120xi32, #tpu.memory_space<vmem>> -> memref<64xi32, #tpu.memory_space<vmem>>
        %dma_start3A_140 = arith.constant 0 : i32
        %dma_start3A_141 = arith.constant 0 : i32
        %dma_start3A_142 = tpu.memref_slice %arg2[%dma_start3A_140, %dma_start3A_141] : memref<10240x128xf32, #tpu.memory_space<hbm>> -> memref<10240x128xf32, #tpu.memory_space<hbm>>
        tpu.enqueue_indirect_dma source(%dma_start3A_142 : memref<10240x128xf32, #tpu.memory_space<hbm>>) target(%arg9 : memref<64x128xf32, #tpu.memory_space<vmem>>) offsets(%dma_start3A_139 : memref<64xi32, #tpu.memory_space<vmem>>) semaphore(%arg14 : memref<!tpu.dma_semaphore, #tpu.memory_space<semaphore_mem>>)
      } else {
      }
      %mul3A_82 = arith.constant 4 : i32
      %mul3A_83 = arith.muli %scan3A_67, %mul3A_82 : i32
      %add3A_84 = arith.constant 1 : i32
      %add3A_85 = arith.addi %mul3A_83, %add3A_84 : i32
      %mul3A_86 = arith.constant 64 : i32
      %mul3A_87 = arith.muli %add3A_85, %mul3A_86 : i32
      %multiple_of3A_88 = tpu.assume_multiple %mul3A_87, 8 : i32
      %dma_wait3A_89 = tpu.memref_slice %arg7[%multiple_of3A_88] : memref<5120xi32, #tpu.memory_space<vmem>> -> memref<64xi32, #tpu.memory_space<vmem>>
      %dma_wait3A_90 = arith.constant 0 : i32
      %dma_wait3A_91 = arith.constant 0 : i32
      %dma_wait3A_92 = tpu.memref_slice %arg2[%dma_wait3A_90, %dma_wait3A_91] : memref<10240x128xf32, #tpu.memory_space<hbm>> -> memref<10240x128xf32, #tpu.memory_space<hbm>>
      tpu.wait_indirect_dma semaphore(%arg15 : memref<!tpu.dma_semaphore, #tpu.memory_space<semaphore_mem>>) src(%dma_wait3A_92 : memref<10240x128xf32, #tpu.memory_space<hbm>>) dst(%arg10 : memref<64x128xf32, #tpu.memory_space<vmem>>)
      "tpu.region"() ({
        %run_scoped3A = tpu.sem_alloc : memref<!tpu.dma_semaphore, #tpu.memory_space<semaphore_mem>>
        %dma_start3A_136 = arith.constant 0 : i32
        %dma_start3A_137 = tpu.memref_slice %arg8[%add3A_85, %dma_start3A_136] : memref<80x64xi32, #tpu.memory_space<vmem>> -> memref<1x64xi32, #tpu.memory_space<vmem>>
        %dma_start3A_138 = tpu.memref_squeeze %dma_start3A_137 : memref<1x64xi32, #tpu.memory_space<vmem>> -> memref<64xi32, #tpu.memory_space<vmem>>
        %dma_start3A_139 = arith.constant 0 : i32
        %dma_start3A_140 = arith.constant 0 : i32
        %dma_start3A_141 = tpu.memref_slice %arg13[%dma_start3A_139, %dma_start3A_140] : memref<10240x128xf32, #tpu.memory_space<vmem_shared>> -> memref<10240x128xf32, #tpu.memory_space<vmem_shared>>
        tpu.enqueue_indirect_dma source(%arg10 : memref<64x128xf32, #tpu.memory_space<vmem>>) target(%dma_start3A_141 : memref<10240x128xf32, #tpu.memory_space<vmem_shared>>) offsets(%dma_start3A_138 : memref<64xi32, #tpu.memory_space<vmem>>) semaphore(%run_scoped3A : memref<!tpu.dma_semaphore, #tpu.memory_space<semaphore_mem>>) {add = true}
        %dma_wait3A_142 = arith.constant 0 : i32
        %dma_wait3A_143 = tpu.memref_slice %arg8[%add3A_85, %dma_wait3A_142] : memref<80x64xi32, #tpu.memory_space<vmem>> -> memref<1x64xi32, #tpu.memory_space<vmem>>
        %dma_wait3A_144 = tpu.memref_squeeze %dma_wait3A_143 : memref<1x64xi32, #tpu.memory_space<vmem>> -> memref<64xi32, #tpu.memory_space<vmem>>
        %dma_wait3A_145 = arith.constant 0 : i32
        %dma_wait3A_146 = arith.constant 0 : i32
        %dma_wait3A_147 = tpu.memref_slice %arg13[%dma_wait3A_145, %dma_wait3A_146] : memref<10240x128xf32, #tpu.memory_space<vmem_shared>> -> memref<10240x128xf32, #tpu.memory_space<vmem_shared>>
        tpu.wait_indirect_dma semaphore(%run_scoped3A : memref<!tpu.dma_semaphore, #tpu.memory_space<semaphore_mem>>) src(%arg10 : memref<64x128xf32, #tpu.memory_space<vmem>>) dst(%dma_wait3A_147 : memref<10240x128xf32, #tpu.memory_space<vmem_shared>>)
        tpu.yield
      }) : () -> ()
      %add3A_93 = arith.constant 4 : i32
      %add3A_94 = arith.addi %add3A_85, %add3A_93 : i32
      %lt3A_95 = arith.constant 80 : i32
      %lt3A_96 = arith.cmpi slt, %add3A_94, %lt3A_95 : i32
      %convert_element_type3A_97 = arith.extui %lt3A_96 : i1 to i32
      %cond3A_98 = arith.constant 0 : i32
      %cond3A_99 = arith.cmpi ne, %convert_element_type3A_97, %cond3A_98 : i32
      scf.if %cond3A_99 {
        %mul3A_136 = arith.constant 64 : i32
        %mul3A_137 = arith.muli %add3A_94, %mul3A_136 : i32
        %multiple_of3A_138 = tpu.assume_multiple %mul3A_137, 8 : i32
        %dma_start3A_139 = tpu.memref_slice %arg7[%multiple_of3A_138] : memref<5120xi32, #tpu.memory_space<vmem>> -> memref<64xi32, #tpu.memory_space<vmem>>
        %dma_start3A_140 = arith.constant 0 : i32
        %dma_start3A_141 = arith.constant 0 : i32
        %dma_start3A_142 = tpu.memref_slice %arg2[%dma_start3A_140, %dma_start3A_141] : memref<10240x128xf32, #tpu.memory_space<hbm>> -> memref<10240x128xf32, #tpu.memory_space<hbm>>
        tpu.enqueue_indirect_dma source(%dma_start3A_142 : memref<10240x128xf32, #tpu.memory_space<hbm>>) target(%arg10 : memref<64x128xf32, #tpu.memory_space<vmem>>) offsets(%dma_start3A_139 : memref<64xi32, #tpu.memory_space<vmem>>) semaphore(%arg15 : memref<!tpu.dma_semaphore, #tpu.memory_space<semaphore_mem>>)
      } else {
      }
      %mul3A_100 = arith.constant 4 : i32
      %mul3A_101 = arith.muli %scan3A_67, %mul3A_100 : i32
      %add3A_102 = arith.constant 2 : i32
      %add3A_103 = arith.addi %mul3A_101, %add3A_102 : i32
      %mul3A_104 = arith.constant 64 : i32
      %mul3A_105 = arith.muli %add3A_103, %mul3A_104 : i32
      %multiple_of3A_106 = tpu.assume_multiple %mul3A_105, 8 : i32
      %dma_wait3A_107 = tpu.memref_slice %arg7[%multiple_of3A_106] : memref<5120xi32, #tpu.memory_space<vmem>> -> memref<64xi32, #tpu.memory_space<vmem>>
      %dma_wait3A_108 = arith.constant 0 : i32
      %dma_wait3A_109 = arith.constant 0 : i32
      %dma_wait3A_110 = tpu.memref_slice %arg2[%dma_wait3A_108, %dma_wait3A_109] : memref<10240x128xf32, #tpu.memory_space<hbm>> -> memref<10240x128xf32, #tpu.memory_space<hbm>>
      tpu.wait_indirect_dma semaphore(%arg16 : memref<!tpu.dma_semaphore, #tpu.memory_space<semaphore_mem>>) src(%dma_wait3A_110 : memref<10240x128xf32, #tpu.memory_space<hbm>>) dst(%arg11 : memref<64x128xf32, #tpu.memory_space<vmem>>)
      "tpu.region"() ({
        %run_scoped3A = tpu.sem_alloc : memref<!tpu.dma_semaphore, #tpu.memory_space<semaphore_mem>>
        %dma_start3A_136 = arith.constant 0 : i32
        %dma_start3A_137 = tpu.memref_slice %arg8[%add3A_103, %dma_start3A_136] : memref<80x64xi32, #tpu.memory_space<vmem>> -> memref<1x64xi32, #tpu.memory_space<vmem>>
        %dma_start3A_138 = tpu.memref_squeeze %dma_start3A_137 : memref<1x64xi32, #tpu.memory_space<vmem>> -> memref<64xi32, #tpu.memory_space<vmem>>
        %dma_start3A_139 = arith.constant 0 : i32
        %dma_start3A_140 = arith.constant 0 : i32
        %dma_start3A_141 = tpu.memref_slice %arg13[%dma_start3A_139, %dma_start3A_140] : memref<10240x128xf32, #tpu.memory_space<vmem_shared>> -> memref<10240x128xf32, #tpu.memory_space<vmem_shared>>
        tpu.enqueue_indirect_dma source(%arg11 : memref<64x128xf32, #tpu.memory_space<vmem>>) target(%dma_start3A_141 : memref<10240x128xf32, #tpu.memory_space<vmem_shared>>) offsets(%dma_start3A_138 : memref<64xi32, #tpu.memory_space<vmem>>) semaphore(%run_scoped3A : memref<!tpu.dma_semaphore, #tpu.memory_space<semaphore_mem>>) {add = true}
        %dma_wait3A_142 = arith.constant 0 : i32
        %dma_wait3A_143 = tpu.memref_slice %arg8[%add3A_103, %dma_wait3A_142] : memref<80x64xi32, #tpu.memory_space<vmem>> -> memref<1x64xi32, #tpu.memory_space<vmem>>
        %dma_wait3A_144 = tpu.memref_squeeze %dma_wait3A_143 : memref<1x64xi32, #tpu.memory_space<vmem>> -> memref<64xi32, #tpu.memory_space<vmem>>
        %dma_wait3A_145 = arith.constant 0 : i32
        %dma_wait3A_146 = arith.constant 0 : i32
        %dma_wait3A_147 = tpu.memref_slice %arg13[%dma_wait3A_145, %dma_wait3A_146] : memref<10240x128xf32, #tpu.memory_space<vmem_shared>> -> memref<10240x128xf32, #tpu.memory_space<vmem_shared>>
        tpu.wait_indirect_dma semaphore(%run_scoped3A : memref<!tpu.dma_semaphore, #tpu.memory_space<semaphore_mem>>) src(%arg11 : memref<64x128xf32, #tpu.memory_space<vmem>>) dst(%dma_wait3A_147 : memref<10240x128xf32, #tpu.memory_space<vmem_shared>>)
        tpu.yield
      }) : () -> ()
      %add3A_111 = arith.constant 4 : i32
      %add3A_112 = arith.addi %add3A_103, %add3A_111 : i32
      %lt3A_113 = arith.constant 80 : i32
      %lt3A_114 = arith.cmpi slt, %add3A_112, %lt3A_113 : i32
      %convert_element_type3A_115 = arith.extui %lt3A_114 : i1 to i32
      %cond3A_116 = arith.constant 0 : i32
      %cond3A_117 = arith.cmpi ne, %convert_element_type3A_115, %cond3A_116 : i32
      scf.if %cond3A_117 {
        %mul3A_136 = arith.constant 64 : i32
        %mul3A_137 = arith.muli %add3A_112, %mul3A_136 : i32
        %multiple_of3A_138 = tpu.assume_multiple %mul3A_137, 8 : i32
        %dma_start3A_139 = tpu.memref_slice %arg7[%multiple_of3A_138] : memref<5120xi32, #tpu.memory_space<vmem>> -> memref<64xi32, #tpu.memory_space<vmem>>
        %dma_start3A_140 = arith.constant 0 : i32
        %dma_start3A_141 = arith.constant 0 : i32
        %dma_start3A_142 = tpu.memref_slice %arg2[%dma_start3A_140, %dma_start3A_141] : memref<10240x128xf32, #tpu.memory_space<hbm>> -> memref<10240x128xf32, #tpu.memory_space<hbm>>
        tpu.enqueue_indirect_dma source(%dma_start3A_142 : memref<10240x128xf32, #tpu.memory_space<hbm>>) target(%arg11 : memref<64x128xf32, #tpu.memory_space<vmem>>) offsets(%dma_start3A_139 : memref<64xi32, #tpu.memory_space<vmem>>) semaphore(%arg16 : memref<!tpu.dma_semaphore, #tpu.memory_space<semaphore_mem>>)
      } else {
      }
      %mul3A_118 = arith.constant 4 : i32
      %mul3A_119 = arith.muli %scan3A_67, %mul3A_118 : i32
      %add3A_120 = arith.constant 3 : i32
      %add3A_121 = arith.addi %mul3A_119, %add3A_120 : i32
      %mul3A_122 = arith.constant 64 : i32
      %mul3A_123 = arith.muli %add3A_121, %mul3A_122 : i32
      %multiple_of3A_124 = tpu.assume_multiple %mul3A_123, 8 : i32
      %dma_wait3A_125 = tpu.memref_slice %arg7[%multiple_of3A_124] : memref<5120xi32, #tpu.memory_space<vmem>> -> memref<64xi32, #tpu.memory_space<vmem>>
      %dma_wait3A_126 = arith.constant 0 : i32
      %dma_wait3A_127 = arith.constant 0 : i32
      %dma_wait3A_128 = tpu.memref_slice %arg2[%dma_wait3A_126, %dma_wait3A_127] : memref<10240x128xf32, #tpu.memory_space<hbm>> -> memref<10240x128xf32, #tpu.memory_space<hbm>>
      tpu.wait_indirect_dma semaphore(%arg17 : memref<!tpu.dma_semaphore, #tpu.memory_space<semaphore_mem>>) src(%dma_wait3A_128 : memref<10240x128xf32, #tpu.memory_space<hbm>>) dst(%arg12 : memref<64x128xf32, #tpu.memory_space<vmem>>)
      "tpu.region"() ({
        %run_scoped3A = tpu.sem_alloc : memref<!tpu.dma_semaphore, #tpu.memory_space<semaphore_mem>>
        %dma_start3A_136 = arith.constant 0 : i32
        %dma_start3A_137 = tpu.memref_slice %arg8[%add3A_121, %dma_start3A_136] : memref<80x64xi32, #tpu.memory_space<vmem>> -> memref<1x64xi32, #tpu.memory_space<vmem>>
        %dma_start3A_138 = tpu.memref_squeeze %dma_start3A_137 : memref<1x64xi32, #tpu.memory_space<vmem>> -> memref<64xi32, #tpu.memory_space<vmem>>
        %dma_start3A_139 = arith.constant 0 : i32
        %dma_start3A_140 = arith.constant 0 : i32
        %dma_start3A_141 = tpu.memref_slice %arg13[%dma_start3A_139, %dma_start3A_140] : memref<10240x128xf32, #tpu.memory_space<vmem_shared>> -> memref<10240x128xf32, #tpu.memory_space<vmem_shared>>
        tpu.enqueue_indirect_dma source(%arg12 : memref<64x128xf32, #tpu.memory_space<vmem>>) target(%dma_start3A_141 : memref<10240x128xf32, #tpu.memory_space<vmem_shared>>) offsets(%dma_start3A_138 : memref<64xi32, #tpu.memory_space<vmem>>) semaphore(%run_scoped3A : memref<!tpu.dma_semaphore, #tpu.memory_space<semaphore_mem>>) {add = true}
        %dma_wait3A_142 = arith.constant 0 : i32
        %dma_wait3A_143 = tpu.memref_slice %arg8[%add3A_121, %dma_wait3A_142] : memref<80x64xi32, #tpu.memory_space<vmem>> -> memref<1x64xi32, #tpu.memory_space<vmem>>
        %dma_wait3A_144 = tpu.memref_squeeze %dma_wait3A_143 : memref<1x64xi32, #tpu.memory_space<vmem>> -> memref<64xi32, #tpu.memory_space<vmem>>
        %dma_wait3A_145 = arith.constant 0 : i32
        %dma_wait3A_146 = arith.constant 0 : i32
        %dma_wait3A_147 = tpu.memref_slice %arg13[%dma_wait3A_145, %dma_wait3A_146] : memref<10240x128xf32, #tpu.memory_space<vmem_shared>> -> memref<10240x128xf32, #tpu.memory_space<vmem_shared>>
        tpu.wait_indirect_dma semaphore(%run_scoped3A : memref<!tpu.dma_semaphore, #tpu.memory_space<semaphore_mem>>) src(%arg12 : memref<64x128xf32, #tpu.memory_space<vmem>>) dst(%dma_wait3A_147 : memref<10240x128xf32, #tpu.memory_space<vmem_shared>>)
        tpu.yield
      }) : () -> ()
      %add3A_129 = arith.constant 4 : i32
      %add3A_130 = arith.addi %add3A_121, %add3A_129 : i32
      %lt3A_131 = arith.constant 80 : i32
      %lt3A_132 = arith.cmpi slt, %add3A_130, %lt3A_131 : i32
      %convert_element_type3A_133 = arith.extui %lt3A_132 : i1 to i32
      %cond3A_134 = arith.constant 0 : i32
      %cond3A_135 = arith.cmpi ne, %convert_element_type3A_133, %cond3A_134 : i32
      scf.if %cond3A_135 {
        %mul3A_136 = arith.constant 64 : i32
        %mul3A_137 = arith.muli %add3A_130, %mul3A_136 : i32
        %multiple_of3A_138 = tpu.assume_multiple %mul3A_137, 8 : i32
        %dma_start3A_139 = tpu.memref_slice %arg7[%multiple_of3A_138] : memref<5120xi32, #tpu.memory_space<vmem>> -> memref<64xi32, #tpu.memory_space<vmem>>
        %dma_start3A_140 = arith.constant 0 : i32
        %dma_start3A_141 = arith.constant 0 : i32
        %dma_start3A_142 = tpu.memref_slice %arg2[%dma_start3A_140, %dma_start3A_141] : memref<10240x128xf32, #tpu.memory_space<hbm>> -> memref<10240x128xf32, #tpu.memory_space<hbm>>
        tpu.enqueue_indirect_dma source(%dma_start3A_142 : memref<10240x128xf32, #tpu.memory_space<hbm>>) target(%arg12 : memref<64x128xf32, #tpu.memory_space<vmem>>) offsets(%dma_start3A_139 : memref<64xi32, #tpu.memory_space<vmem>>) semaphore(%arg17 : memref<!tpu.dma_semaphore, #tpu.memory_space<semaphore_mem>>)
      } else {
      }
    }
    %scan3A_61 = arith.constant 20 : i32
    %barrier3A_62 = arith.constant 0 : index
    tpu.barrier barrier_id(%barrier3A_62)
    %mul3A_63 = arith.constant 640 : i32
    %mul3A_64 = arith.muli %arg1, %mul3A_63 : i32
    %mul3A_65 = arith.constant 640 : i32
    %mul3A_66 = arith.muli %arg1, %mul3A_65 : i32
    "tpu.region"() ({
      %run_scoped3A = tpu.sem_alloc : memref<!tpu.dma_semaphore, #tpu.memory_space<semaphore_mem>>
      %dma_start3A_67 = arith.constant 0 : i32
      %dma_start3A_68 = tpu.memref_slice %arg6[%arg0, %mul3A_66, %dma_start3A_67] : memref<2x10240x128xf32, #tpu.memory_space<hbm>> -> memref<1x640x128xf32, #tpu.memory_space<hbm>>
      %dma_start3A_69 = tpu.memref_squeeze %dma_start3A_68 : memref<1x640x128xf32, #tpu.memory_space<hbm>> -> memref<640x128xf32, #tpu.memory_space<hbm>>
      %dma_start3A_70 = arith.constant 0 : i32
      %dma_start3A_71 = tpu.memref_slice %arg13[%mul3A_64, %dma_start3A_70] : memref<10240x128xf32, #tpu.memory_space<vmem_shared>> -> memref<640x128xf32, #tpu.memory_space<vmem_shared>>
      tpu.enqueue_dma source(%dma_start3A_71 : memref<640x128xf32, #tpu.memory_space<vmem_shared>>) target(%dma_start3A_69 : memref<640x128xf32, #tpu.memory_space<hbm>>) target_semaphore(%run_scoped3A : memref<!tpu.dma_semaphore, #tpu.memory_space<semaphore_mem>>)
      %dma_wait3A = arith.constant 0 : i32
      %dma_wait3A_72 = tpu.memref_slice %arg6[%arg0, %mul3A_66, %dma_wait3A] : memref<2x10240x128xf32, #tpu.memory_space<hbm>> -> memref<1x640x128xf32, #tpu.memory_space<hbm>>
      %dma_wait3A_73 = tpu.memref_squeeze %dma_wait3A_72 : memref<1x640x128xf32, #tpu.memory_space<hbm>> -> memref<640x128xf32, #tpu.memory_space<hbm>>
      %dma_wait3A_74 = arith.constant 0 : i32
      %dma_wait3A_75 = tpu.memref_slice %arg13[%mul3A_64, %dma_wait3A_74] : memref<10240x128xf32, #tpu.memory_space<vmem_shared>> -> memref<640x128xf32, #tpu.memory_space<vmem_shared>>
      tpu.wait_dma2 semaphore(%run_scoped3A : memref<!tpu.dma_semaphore, #tpu.memory_space<semaphore_mem>>) src(%dma_wait3A_75 : memref<640x128xf32, #tpu.memory_space<vmem_shared>>) dst(%dma_wait3A_73 : memref<640x128xf32, #tpu.memory_space<hbm>>)
      tpu.yield
    }) : () -> ()
    return
  }
}

#map = affine_map<(d0, d1) -> (0, 0, 0)>
#map1 = affine_map<(d0, d1) -> (0)>
module attributes {stable_mosaic.version = 14 : i64} {
  func.func @_sc_degree(%arg0: i32, %arg1: i32, %arg2: memref<32x80x128xi32, #tpu.memory_space<hbm>>, %arg3: memref<10240xf32, #tpu.memory_space<hbm>>, %arg4: memref<128xf32, #tpu.memory_space<hbm>>, %arg5: memref<20480xf32, #tpu.memory_space<hbm>>, %arg6: memref<80x128xi32, #tpu.memory_space<vmem>>, %arg7: memref<128xf32, #tpu.memory_space<vmem>>, %arg8: memref<640xf32, #tpu.memory_space<vmem>>, %arg9: memref<10240xf32, #tpu.memory_space<vmem_shared>>) attributes {dimension_semantics = [#tpu.dimension_semantics<core_parallel>, #tpu.dimension_semantics<subcore_parallel>], iteration_bounds = array<i64: 2, 16>, scalar_prefetch = 0 : i64, scratch_operands = 4 : i64, tpu.core_type = #tpu.core_type<sc_vector_subcore>, window_params = [{transform_indices = #map}, {transform_indices = #map1}, {transform_indices = #map1}, {transform_indices = #map1}]} {
    %mul3A = arith.constant 16 : i32
    %mul3A_0 = arith.muli %arg0, %mul3A : i32
    %add3A = arith.addi %mul3A_0, %arg1 : i32
    %mul3A_1 = arith.constant 640 : i32
    %mul3A_2 = arith.muli %arg1, %mul3A_1 : i32
    "tpu.region"() ({
      %run_scoped3A = tpu.sem_alloc : memref<!tpu.dma_semaphore, #tpu.memory_space<semaphore_mem>>
      %dma_start3A = tpu.memref_slice %arg3[%mul3A_2] : memref<10240xf32, #tpu.memory_space<hbm>> -> memref<640xf32, #tpu.memory_space<hbm>>
      %dma_start3A_18 = tpu.memref_slice %arg3[%mul3A_2] : memref<10240xf32, #tpu.memory_space<hbm>> -> memref<640xf32, #tpu.memory_space<hbm>>
      tpu.enqueue_dma source(%dma_start3A_18 : memref<640xf32, #tpu.memory_space<hbm>>) target(%arg8 : memref<640xf32, #tpu.memory_space<vmem>>) target_semaphore(%run_scoped3A : memref<!tpu.dma_semaphore, #tpu.memory_space<semaphore_mem>>)
      %dma_wait3A = tpu.memref_slice %arg3[%mul3A_2] : memref<10240xf32, #tpu.memory_space<hbm>> -> memref<640xf32, #tpu.memory_space<hbm>>
      %dma_wait3A_19 = tpu.memref_slice %arg3[%mul3A_2] : memref<10240xf32, #tpu.memory_space<hbm>> -> memref<640xf32, #tpu.memory_space<hbm>>
      tpu.wait_dma2 semaphore(%run_scoped3A : memref<!tpu.dma_semaphore, #tpu.memory_space<semaphore_mem>>) src(%dma_wait3A_19 : memref<640xf32, #tpu.memory_space<hbm>>) dst(%arg8 : memref<640xf32, #tpu.memory_space<vmem>>)
      tpu.yield
    }) : () -> ()
    %mul3A_3 = arith.constant 640 : i32
    %mul3A_4 = arith.muli %arg1, %mul3A_3 : i32
    "tpu.region"() ({
      %run_scoped3A = tpu.sem_alloc : memref<!tpu.dma_semaphore, #tpu.memory_space<semaphore_mem>>
      %dma_start3A = tpu.memref_slice %arg9[%mul3A_4] : memref<10240xf32, #tpu.memory_space<vmem_shared>> -> memref<640xf32, #tpu.memory_space<vmem_shared>>
      %dma_start3A_18 = tpu.memref_slice %arg9[%mul3A_4] : memref<10240xf32, #tpu.memory_space<vmem_shared>> -> memref<640xf32, #tpu.memory_space<vmem_shared>>
      tpu.enqueue_dma source(%arg8 : memref<640xf32, #tpu.memory_space<vmem>>) target(%dma_start3A_18 : memref<640xf32, #tpu.memory_space<vmem_shared>>) target_semaphore(%run_scoped3A : memref<!tpu.dma_semaphore, #tpu.memory_space<semaphore_mem>>)
      %dma_wait3A = tpu.memref_slice %arg9[%mul3A_4] : memref<10240xf32, #tpu.memory_space<vmem_shared>> -> memref<640xf32, #tpu.memory_space<vmem_shared>>
      %dma_wait3A_19 = tpu.memref_slice %arg9[%mul3A_4] : memref<10240xf32, #tpu.memory_space<vmem_shared>> -> memref<640xf32, #tpu.memory_space<vmem_shared>>
      tpu.wait_dma2 semaphore(%run_scoped3A : memref<!tpu.dma_semaphore, #tpu.memory_space<semaphore_mem>>) src(%arg8 : memref<640xf32, #tpu.memory_space<vmem>>) dst(%dma_wait3A_19 : memref<640xf32, #tpu.memory_space<vmem_shared>>)
      tpu.yield
    }) : () -> ()
    "tpu.region"() ({
      %run_scoped3A = tpu.sem_alloc : memref<!tpu.dma_semaphore, #tpu.memory_space<semaphore_mem>>
      tpu.enqueue_dma source(%arg4 : memref<128xf32, #tpu.memory_space<hbm>>) target(%arg7 : memref<128xf32, #tpu.memory_space<vmem>>) target_semaphore(%run_scoped3A : memref<!tpu.dma_semaphore, #tpu.memory_space<semaphore_mem>>)
      tpu.wait_dma2 semaphore(%run_scoped3A : memref<!tpu.dma_semaphore, #tpu.memory_space<semaphore_mem>>) src(%arg4 : memref<128xf32, #tpu.memory_space<hbm>>) dst(%arg7 : memref<128xf32, #tpu.memory_space<vmem>>)
      tpu.yield
    }) : () -> ()
    "tpu.region"() ({
      %run_scoped3A = tpu.sem_alloc : memref<!tpu.dma_semaphore, #tpu.memory_space<semaphore_mem>>
      %dma_start3A = arith.constant 0 : i32
      %dma_start3A_18 = arith.constant 0 : i32
      %dma_start3A_19 = tpu.memref_slice %arg2[%add3A, %dma_start3A, %dma_start3A_18] : memref<32x80x128xi32, #tpu.memory_space<hbm>> -> memref<1x80x128xi32, #tpu.memory_space<hbm>>
      %dma_start3A_20 = tpu.memref_squeeze %dma_start3A_19 : memref<1x80x128xi32, #tpu.memory_space<hbm>> -> memref<80x128xi32, #tpu.memory_space<hbm>>
      %dma_start3A_21 = arith.constant 0 : i32
      %dma_start3A_22 = arith.constant 0 : i32
      %dma_start3A_23 = tpu.memref_slice %arg2[%add3A, %dma_start3A_21, %dma_start3A_22] : memref<32x80x128xi32, #tpu.memory_space<hbm>> -> memref<1x80x128xi32, #tpu.memory_space<hbm>>
      %dma_start3A_24 = tpu.memref_squeeze %dma_start3A_23 : memref<1x80x128xi32, #tpu.memory_space<hbm>> -> memref<80x128xi32, #tpu.memory_space<hbm>>
      tpu.enqueue_dma source(%dma_start3A_24 : memref<80x128xi32, #tpu.memory_space<hbm>>) target(%arg6 : memref<80x128xi32, #tpu.memory_space<vmem>>) target_semaphore(%run_scoped3A : memref<!tpu.dma_semaphore, #tpu.memory_space<semaphore_mem>>)
      %dma_wait3A = arith.constant 0 : i32
      %dma_wait3A_25 = arith.constant 0 : i32
      %dma_wait3A_26 = tpu.memref_slice %arg2[%add3A, %dma_wait3A, %dma_wait3A_25] : memref<32x80x128xi32, #tpu.memory_space<hbm>> -> memref<1x80x128xi32, #tpu.memory_space<hbm>>
      %dma_wait3A_27 = tpu.memref_squeeze %dma_wait3A_26 : memref<1x80x128xi32, #tpu.memory_space<hbm>> -> memref<80x128xi32, #tpu.memory_space<hbm>>
      %dma_wait3A_28 = arith.constant 0 : i32
      %dma_wait3A_29 = arith.constant 0 : i32
      %dma_wait3A_30 = tpu.memref_slice %arg2[%add3A, %dma_wait3A_28, %dma_wait3A_29] : memref<32x80x128xi32, #tpu.memory_space<hbm>> -> memref<1x80x128xi32, #tpu.memory_space<hbm>>
      %dma_wait3A_31 = tpu.memref_squeeze %dma_wait3A_30 : memref<1x80x128xi32, #tpu.memory_space<hbm>> -> memref<80x128xi32, #tpu.memory_space<hbm>>
      tpu.wait_dma2 semaphore(%run_scoped3A : memref<!tpu.dma_semaphore, #tpu.memory_space<semaphore_mem>>) src(%dma_wait3A_31 : memref<80x128xi32, #tpu.memory_space<hbm>>) dst(%arg6 : memref<80x128xi32, #tpu.memory_space<vmem>>)
      tpu.yield
    }) : () -> ()
    %barrier3A = arith.constant 0 : index
    tpu.barrier barrier_id(%barrier3A)
    %scan3A = arith.constant 0 : i32
    %scan3A_5 = arith.constant 0 : i32
    %scan3A_6 = arith.constant 80 : i32
    %scan3A_7 = arith.addi %scan3A_5, %scan3A_6 : i32
    %scan3A_8 = arith.constant 1 : i32
    scf.for %scan3A_18 = %scan3A_5 to %scan3A_7 step %scan3A_8  : i32 {
      "tpu.region"() ({
        %run_scoped3A = tpu.sem_alloc : memref<!tpu.dma_semaphore, #tpu.memory_space<semaphore_mem>>
        %dma_start3A = arith.constant 0 : i32
        %dma_start3A_19 = tpu.memref_slice %arg6[%scan3A_18, %dma_start3A] : memref<80x128xi32, #tpu.memory_space<vmem>> -> memref<1x128xi32, #tpu.memory_space<vmem>>
        %dma_start3A_20 = tpu.memref_squeeze %dma_start3A_19 : memref<1x128xi32, #tpu.memory_space<vmem>> -> memref<128xi32, #tpu.memory_space<vmem>>
        %dma_start3A_21 = arith.constant 0 : i32
        %dma_start3A_22 = tpu.memref_slice %arg9[%dma_start3A_21] : memref<10240xf32, #tpu.memory_space<vmem_shared>> -> memref<10240xf32, #tpu.memory_space<vmem_shared>>
        tpu.enqueue_indirect_dma source(%arg7 : memref<128xf32, #tpu.memory_space<vmem>>) target(%dma_start3A_22 : memref<10240xf32, #tpu.memory_space<vmem_shared>>) offsets(%dma_start3A_20 : memref<128xi32, #tpu.memory_space<vmem>>) semaphore(%run_scoped3A : memref<!tpu.dma_semaphore, #tpu.memory_space<semaphore_mem>>) {add = true}
        %dma_wait3A = arith.constant 0 : i32
        %dma_wait3A_23 = tpu.memref_slice %arg6[%scan3A_18, %dma_wait3A] : memref<80x128xi32, #tpu.memory_space<vmem>> -> memref<1x128xi32, #tpu.memory_space<vmem>>
        %dma_wait3A_24 = tpu.memref_squeeze %dma_wait3A_23 : memref<1x128xi32, #tpu.memory_space<vmem>> -> memref<128xi32, #tpu.memory_space<vmem>>
        %dma_wait3A_25 = arith.constant 0 : i32
        %dma_wait3A_26 = tpu.memref_slice %arg9[%dma_wait3A_25] : memref<10240xf32, #tpu.memory_space<vmem_shared>> -> memref<10240xf32, #tpu.memory_space<vmem_shared>>
        tpu.wait_indirect_dma semaphore(%run_scoped3A : memref<!tpu.dma_semaphore, #tpu.memory_space<semaphore_mem>>) src(%arg7 : memref<128xf32, #tpu.memory_space<vmem>>) dst(%dma_wait3A_26 : memref<10240xf32, #tpu.memory_space<vmem_shared>>)
        tpu.yield
      }) : () -> ()
    }
    %scan3A_9 = arith.constant 80 : i32
    %barrier3A_10 = arith.constant 0 : index
    tpu.barrier barrier_id(%barrier3A_10)
    %mul3A_11 = arith.constant 640 : i32
    %mul3A_12 = arith.muli %arg1, %mul3A_11 : i32
    "tpu.region"() ({
      %run_scoped3A = tpu.sem_alloc : memref<!tpu.dma_semaphore, #tpu.memory_space<semaphore_mem>>
      %dma_start3A = tpu.memref_slice %arg9[%mul3A_12] : memref<10240xf32, #tpu.memory_space<vmem_shared>> -> memref<640xf32, #tpu.memory_space<vmem_shared>>
      %dma_start3A_18 = tpu.memref_slice %arg9[%mul3A_12] : memref<10240xf32, #tpu.memory_space<vmem_shared>> -> memref<640xf32, #tpu.memory_space<vmem_shared>>
      tpu.enqueue_dma source(%dma_start3A_18 : memref<640xf32, #tpu.memory_space<vmem_shared>>) target(%arg8 : memref<640xf32, #tpu.memory_space<vmem>>) target_semaphore(%run_scoped3A : memref<!tpu.dma_semaphore, #tpu.memory_space<semaphore_mem>>)
      %dma_wait3A = tpu.memref_slice %arg9[%mul3A_12] : memref<10240xf32, #tpu.memory_space<vmem_shared>> -> memref<640xf32, #tpu.memory_space<vmem_shared>>
      %dma_wait3A_19 = tpu.memref_slice %arg9[%mul3A_12] : memref<10240xf32, #tpu.memory_space<vmem_shared>> -> memref<640xf32, #tpu.memory_space<vmem_shared>>
      tpu.wait_dma2 semaphore(%run_scoped3A : memref<!tpu.dma_semaphore, #tpu.memory_space<semaphore_mem>>) src(%dma_wait3A_19 : memref<640xf32, #tpu.memory_space<vmem_shared>>) dst(%arg8 : memref<640xf32, #tpu.memory_space<vmem>>)
      tpu.yield
    }) : () -> ()
    %mul3A_13 = arith.constant 10240 : i32
    %mul3A_14 = arith.muli %arg0, %mul3A_13 : i32
    %mul3A_15 = arith.constant 640 : i32
    %mul3A_16 = arith.muli %arg1, %mul3A_15 : i32
    %add3A_17 = arith.addi %mul3A_14, %mul3A_16 : i32
    %multiple_of3A = tpu.assume_multiple %add3A_17, 8 : i32
    "tpu.region"() ({
      %run_scoped3A = tpu.sem_alloc : memref<!tpu.dma_semaphore, #tpu.memory_space<semaphore_mem>>
      %dma_start3A = tpu.memref_slice %arg5[%multiple_of3A] : memref<20480xf32, #tpu.memory_space<hbm>> -> memref<640xf32, #tpu.memory_space<hbm>>
      %dma_start3A_18 = tpu.memref_slice %arg5[%multiple_of3A] : memref<20480xf32, #tpu.memory_space<hbm>> -> memref<640xf32, #tpu.memory_space<hbm>>
      tpu.enqueue_dma source(%arg8 : memref<640xf32, #tpu.memory_space<vmem>>) target(%dma_start3A_18 : memref<640xf32, #tpu.memory_space<hbm>>) target_semaphore(%run_scoped3A : memref<!tpu.dma_semaphore, #tpu.memory_space<semaphore_mem>>)
      %dma_wait3A = tpu.memref_slice %arg5[%multiple_of3A] : memref<20480xf32, #tpu.memory_space<hbm>> -> memref<640xf32, #tpu.memory_space<hbm>>
      %dma_wait3A_19 = tpu.memref_slice %arg5[%multiple_of3A] : memref<20480xf32, #tpu.memory_space<hbm>> -> memref<640xf32, #tpu.memory_space<hbm>>
      tpu.wait_dma2 semaphore(%run_scoped3A : memref<!tpu.dma_semaphore, #tpu.memory_space<semaphore_mem>>) src(%arg8 : memref<640xf32, #tpu.memory_space<vmem>>) dst(%dma_wait3A_19 : memref<640xf32, #tpu.memory_space<hbm>>)
      tpu.yield
    }) : () -> ()
    return
  }
}

#map = affine_map<(d0, d1) -> (0, 0)>
#map1 = affine_map<(d0, d1) -> (0, 0, 0)>
module attributes {stable_mosaic.version = 14 : i64} {
  func.func @_sc_agg(%arg0: i32, %arg1: i32, %arg2: memref<10240x128xf32, #tpu.memory_space<hbm>>, %arg3: memref<32x10240xi32, #tpu.memory_space<hbm>>, %arg4: memref<32x160x64xi32, #tpu.memory_space<hbm>>, %arg5: memref<10240x128xf32, #tpu.memory_space<hbm>>, %arg6: memref<2x10240x128xf32, #tpu.memory_space<hbm>>, %arg7: memref<5120xi32, #tpu.memory_space<vmem>>, %arg8: memref<80x64xi32, #tpu.memory_space<vmem>>, %arg9: memref<64x128xf32, #tpu.memory_space<vmem>>, %arg10: memref<64x128xf32, #tpu.memory_space<vmem>>, %arg11: memref<64x128xf32, #tpu.memory_space<vmem>>, %arg12: memref<64x128xf32, #tpu.memory_space<vmem>>, %arg13: memref<10240x128xf32, #tpu.memory_space<vmem_shared>>, %arg14: memref<!tpu.dma_semaphore, #tpu.memory_space<semaphore_mem>>, %arg15: memref<!tpu.dma_semaphore, #tpu.memory_space<semaphore_mem>>, %arg16: memref<!tpu.dma_semaphore, #tpu.memory_space<semaphore_mem>>, %arg17: memref<!tpu.dma_semaphore, #tpu.memory_space<semaphore_mem>>) attributes {dimension_semantics = [#tpu.dimension_semantics<core_parallel>, #tpu.dimension_semantics<subcore_parallel>], iteration_bounds = array<i64: 2, 16>, scalar_prefetch = 0 : i64, scratch_operands = 11 : i64, tpu.core_type = #tpu.core_type<sc_vector_subcore>, window_params = [{transform_indices = #map}, {transform_indices = #map}, {transform_indices = #map1}, {transform_indices = #map}, {transform_indices = #map1}]} {
    %mul3A = arith.constant 16 : i32
    %mul3A_0 = arith.muli %arg0, %mul3A : i32
    %add3A = arith.addi %mul3A_0, %arg1 : i32
    %mul3A_1 = arith.constant 640 : i32
    %mul3A_2 = arith.muli %arg1, %mul3A_1 : i32
    %mul3A_3 = arith.constant 640 : i32
    %mul3A_4 = arith.muli %arg1, %mul3A_3 : i32
    "tpu.region"() ({
      %run_scoped3A = tpu.sem_alloc : memref<!tpu.dma_semaphore, #tpu.memory_space<semaphore_mem>>
      %dma_start3A_67 = arith.constant 0 : i32
      %dma_start3A_68 = tpu.memref_slice %arg13[%mul3A_4, %dma_start3A_67] : memref<10240x128xf32, #tpu.memory_space<vmem_shared>> -> memref<640x128xf32, #tpu.memory_space<vmem_shared>>
      %dma_start3A_69 = arith.constant 0 : i32
      %dma_start3A_70 = tpu.memref_slice %arg5[%mul3A_2, %dma_start3A_69] : memref<10240x128xf32, #tpu.memory_space<hbm>> -> memref<640x128xf32, #tpu.memory_space<hbm>>
      tpu.enqueue_dma source(%dma_start3A_70 : memref<640x128xf32, #tpu.memory_space<hbm>>) target(%dma_start3A_68 : memref<640x128xf32, #tpu.memory_space<vmem_shared>>) target_semaphore(%run_scoped3A : memref<!tpu.dma_semaphore, #tpu.memory_space<semaphore_mem>>)
      %dma_wait3A = arith.constant 0 : i32
      %dma_wait3A_71 = tpu.memref_slice %arg13[%mul3A_4, %dma_wait3A] : memref<10240x128xf32, #tpu.memory_space<vmem_shared>> -> memref<640x128xf32, #tpu.memory_space<vmem_shared>>
      %dma_wait3A_72 = arith.constant 0 : i32
      %dma_wait3A_73 = tpu.memref_slice %arg5[%mul3A_2, %dma_wait3A_72] : memref<10240x128xf32, #tpu.memory_space<hbm>> -> memref<640x128xf32, #tpu.memory_space<hbm>>
      tpu.wait_dma2 semaphore(%run_scoped3A : memref<!tpu.dma_semaphore, #tpu.memory_space<semaphore_mem>>) src(%dma_wait3A_73 : memref<640x128xf32, #tpu.memory_space<hbm>>) dst(%dma_wait3A_71 : memref<640x128xf32, #tpu.memory_space<vmem_shared>>)
      tpu.yield
    }) : () -> ()
    "tpu.region"() ({
      %run_scoped3A = tpu.sem_alloc : memref<!tpu.dma_semaphore, #tpu.memory_space<semaphore_mem>>
      %dma_start3A_67 = arith.constant 0 : i32
      %dma_start3A_68 = tpu.memref_slice %arg3[%add3A, %dma_start3A_67] : memref<32x10240xi32, #tpu.memory_space<hbm>> -> memref<1x5120xi32, #tpu.memory_space<hbm>>
      %dma_start3A_69 = tpu.memref_squeeze %dma_start3A_68 : memref<1x5120xi32, #tpu.memory_space<hbm>> -> memref<5120xi32, #tpu.memory_space<hbm>>
      %dma_start3A_70 = arith.constant 0 : i32
      %dma_start3A_71 = tpu.memref_slice %arg3[%add3A, %dma_start3A_70] : memref<32x10240xi32, #tpu.memory_space<hbm>> -> memref<1x5120xi32, #tpu.memory_space<hbm>>
      %dma_start3A_72 = tpu.memref_squeeze %dma_start3A_71 : memref<1x5120xi32, #tpu.memory_space<hbm>> -> memref<5120xi32, #tpu.memory_space<hbm>>
      tpu.enqueue_dma source(%dma_start3A_72 : memref<5120xi32, #tpu.memory_space<hbm>>) target(%arg7 : memref<5120xi32, #tpu.memory_space<vmem>>) target_semaphore(%run_scoped3A : memref<!tpu.dma_semaphore, #tpu.memory_space<semaphore_mem>>)
      %dma_wait3A = arith.constant 0 : i32
      %dma_wait3A_73 = tpu.memref_slice %arg3[%add3A, %dma_wait3A] : memref<32x10240xi32, #tpu.memory_space<hbm>> -> memref<1x5120xi32, #tpu.memory_space<hbm>>
      %dma_wait3A_74 = tpu.memref_squeeze %dma_wait3A_73 : memref<1x5120xi32, #tpu.memory_space<hbm>> -> memref<5120xi32, #tpu.memory_space<hbm>>
      %dma_wait3A_75 = arith.constant 0 : i32
      %dma_wait3A_76 = tpu.memref_slice %arg3[%add3A, %dma_wait3A_75] : memref<32x10240xi32, #tpu.memory_space<hbm>> -> memref<1x5120xi32, #tpu.memory_space<hbm>>
      %dma_wait3A_77 = tpu.memref_squeeze %dma_wait3A_76 : memref<1x5120xi32, #tpu.memory_space<hbm>> -> memref<5120xi32, #tpu.memory_space<hbm>>
      tpu.wait_dma2 semaphore(%run_scoped3A : memref<!tpu.dma_semaphore, #tpu.memory_space<semaphore_mem>>) src(%dma_wait3A_77 : memref<5120xi32, #tpu.memory_space<hbm>>) dst(%arg7 : memref<5120xi32, #tpu.memory_space<vmem>>)
      tpu.yield
    }) : () -> ()
    "tpu.region"() ({
      %run_scoped3A = tpu.sem_alloc : memref<!tpu.dma_semaphore, #tpu.memory_space<semaphore_mem>>
      %dma_start3A_67 = arith.constant 0 : i32
      %dma_start3A_68 = arith.constant 0 : i32
      %dma_start3A_69 = tpu.memref_slice %arg4[%add3A, %dma_start3A_67, %dma_start3A_68] : memref<32x160x64xi32, #tpu.memory_space<hbm>> -> memref<1x80x64xi32, #tpu.memory_space<hbm>>
      %dma_start3A_70 = tpu.memref_squeeze %dma_start3A_69 : memref<1x80x64xi32, #tpu.memory_space<hbm>> -> memref<80x64xi32, #tpu.memory_space<hbm>>
      %dma_start3A_71 = arith.constant 0 : i32
      %dma_start3A_72 = arith.constant 0 : i32
      %dma_start3A_73 = tpu.memref_slice %arg4[%add3A, %dma_start3A_71, %dma_start3A_72] : memref<32x160x64xi32, #tpu.memory_space<hbm>> -> memref<1x80x64xi32, #tpu.memory_space<hbm>>
      %dma_start3A_74 = tpu.memref_squeeze %dma_start3A_73 : memref<1x80x64xi32, #tpu.memory_space<hbm>> -> memref<80x64xi32, #tpu.memory_space<hbm>>
      tpu.enqueue_dma source(%dma_start3A_74 : memref<80x64xi32, #tpu.memory_space<hbm>>) target(%arg8 : memref<80x64xi32, #tpu.memory_space<vmem>>) target_semaphore(%run_scoped3A : memref<!tpu.dma_semaphore, #tpu.memory_space<semaphore_mem>>)
      %dma_wait3A = arith.constant 0 : i32
      %dma_wait3A_75 = arith.constant 0 : i32
      %dma_wait3A_76 = tpu.memref_slice %arg4[%add3A, %dma_wait3A, %dma_wait3A_75] : memref<32x160x64xi32, #tpu.memory_space<hbm>> -> memref<1x80x64xi32, #tpu.memory_space<hbm>>
      %dma_wait3A_77 = tpu.memref_squeeze %dma_wait3A_76 : memref<1x80x64xi32, #tpu.memory_space<hbm>> -> memref<80x64xi32, #tpu.memory_space<hbm>>
      %dma_wait3A_78 = arith.constant 0 : i32
      %dma_wait3A_79 = arith.constant 0 : i32
      %dma_wait3A_80 = tpu.memref_slice %arg4[%add3A, %dma_wait3A_78, %dma_wait3A_79] : memref<32x160x64xi32, #tpu.memory_space<hbm>> -> memref<1x80x64xi32, #tpu.memory_space<hbm>>
      %dma_wait3A_81 = tpu.memref_squeeze %dma_wait3A_80 : memref<1x80x64xi32, #tpu.memory_space<hbm>> -> memref<80x64xi32, #tpu.memory_space<hbm>>
      tpu.wait_dma2 semaphore(%run_scoped3A : memref<!tpu.dma_semaphore, #tpu.memory_space<semaphore_mem>>) src(%dma_wait3A_81 : memref<80x64xi32, #tpu.memory_space<hbm>>) dst(%arg8 : memref<80x64xi32, #tpu.memory_space<vmem>>)
      tpu.yield
    }) : () -> ()
    %multiple_of3A = arith.constant 0 : i32
    %multiple_of3A_5 = tpu.assume_multiple %multiple_of3A, 8 : i32
    %dma_start3A = tpu.memref_slice %arg7[%multiple_of3A_5] : memref<5120xi32, #tpu.memory_space<vmem>> -> memref<64xi32, #tpu.memory_space<vmem>>
    %dma_start3A_6 = arith.constant 0 : i32
    %dma_start3A_7 = arith.constant 0 : i32
    %dma_start3A_8 = tpu.memref_slice %arg2[%dma_start3A_6, %dma_start3A_7] : memref<10240x128xf32, #tpu.memory_space<hbm>> -> memref<10240x128xf32, #tpu.memory_space<hbm>>
    tpu.enqueue_indirect_dma source(%dma_start3A_8 : memref<10240x128xf32, #tpu.memory_space<hbm>>) target(%arg9 : memref<64x128xf32, #tpu.memory_space<vmem>>) offsets(%dma_start3A : memref<64xi32, #tpu.memory_space<vmem>>) semaphore(%arg14 : memref<!tpu.dma_semaphore, #tpu.memory_space<semaphore_mem>>)
    %multiple_of3A_9 = arith.constant 64 : i32
    %multiple_of3A_10 = tpu.assume_multiple %multiple_of3A_9, 8 : i32
    %dma_start3A_11 = tpu.memref_slice %arg7[%multiple_of3A_10] : memref<5120xi32, #tpu.memory_space<vmem>> -> memref<64xi32, #tpu.memory_space<vmem>>
    %dma_start3A_12 = arith.constant 0 : i32
    %dma_start3A_13 = arith.constant 0 : i32
    %dma_start3A_14 = tpu.memref_slice %arg2[%dma_start3A_12, %dma_start3A_13] : memref<10240x128xf32, #tpu.memory_space<hbm>> -> memref<10240x128xf32, #tpu.memory_space<hbm>>
    tpu.enqueue_indirect_dma source(%dma_start3A_14 : memref<10240x128xf32, #tpu.memory_space<hbm>>) target(%arg10 : memref<64x128xf32, #tpu.memory_space<vmem>>) offsets(%dma_start3A_11 : memref<64xi32, #tpu.memory_space<vmem>>) semaphore(%arg15 : memref<!tpu.dma_semaphore, #tpu.memory_space<semaphore_mem>>)
    %multiple_of3A_15 = arith.constant 128 : i32
    %multiple_of3A_16 = tpu.assume_multiple %multiple_of3A_15, 8 : i32
    %dma_start3A_17 = tpu.memref_slice %arg7[%multiple_of3A_16] : memref<5120xi32, #tpu.memory_space<vmem>> -> memref<64xi32, #tpu.memory_space<vmem>>
    %dma_start3A_18 = arith.constant 0 : i32
    %dma_start3A_19 = arith.constant 0 : i32
    %dma_start3A_20 = tpu.memref_slice %arg2[%dma_start3A_18, %dma_start3A_19] : memref<10240x128xf32, #tpu.memory_space<hbm>> -> memref<10240x128xf32, #tpu.memory_space<hbm>>
    tpu.enqueue_indirect_dma source(%dma_start3A_20 : memref<10240x128xf32, #tpu.memory_space<hbm>>) target(%arg11 : memref<64x128xf32, #tpu.memory_space<vmem>>) offsets(%dma_start3A_17 : memref<64xi32, #tpu.memory_space<vmem>>) semaphore(%arg16 : memref<!tpu.dma_semaphore, #tpu.memory_space<semaphore_mem>>)
    %multiple_of3A_21 = arith.constant 192 : i32
    %multiple_of3A_22 = tpu.assume_multiple %multiple_of3A_21, 8 : i32
    %dma_start3A_23 = tpu.memref_slice %arg7[%multiple_of3A_22] : memref<5120xi32, #tpu.memory_space<vmem>> -> memref<64xi32, #tpu.memory_space<vmem>>
    %dma_start3A_24 = arith.constant 0 : i32
    %dma_start3A_25 = arith.constant 0 : i32
    %dma_start3A_26 = tpu.memref_slice %arg2[%dma_start3A_24, %dma_start3A_25] : memref<10240x128xf32, #tpu.memory_space<hbm>> -> memref<10240x128xf32, #tpu.memory_space<hbm>>
    tpu.enqueue_indirect_dma source(%dma_start3A_26 : memref<10240x128xf32, #tpu.memory_space<hbm>>) target(%arg12 : memref<64x128xf32, #tpu.memory_space<vmem>>) offsets(%dma_start3A_23 : memref<64xi32, #tpu.memory_space<vmem>>) semaphore(%arg17 : memref<!tpu.dma_semaphore, #tpu.memory_space<semaphore_mem>>)
    %barrier3A = arith.constant 0 : index
    tpu.barrier barrier_id(%barrier3A)
    %scan3A = arith.constant 0 : i32
    %scan3A_27 = arith.constant 0 : i32
    %scan3A_28 = arith.constant 20 : i32
    %scan3A_29 = arith.addi %scan3A_27, %scan3A_28 : i32
    %scan3A_30 = arith.constant 1 : i32
    scf.for %scan3A_67 = %scan3A_27 to %scan3A_29 step %scan3A_30  : i32 {
      %mul3A_68 = arith.constant 4 : i32
      %mul3A_69 = arith.muli %scan3A_67, %mul3A_68 : i32
      %add3A_70 = arith.constant 0 : i32
      %add3A_71 = arith.addi %mul3A_69, %add3A_70 : i32
      %mul3A_72 = arith.constant 64 : i32
      %mul3A_73 = arith.muli %add3A_71, %mul3A_72 : i32
      %multiple_of3A_74 = tpu.assume_multiple %mul3A_73, 8 : i32
      %dma_wait3A = tpu.memref_slice %arg7[%multiple_of3A_74] : memref<5120xi32, #tpu.memory_space<vmem>> -> memref<64xi32, #tpu.memory_space<vmem>>
      %dma_wait3A_75 = arith.constant 0 : i32
      %dma_wait3A_76 = arith.constant 0 : i32
      %dma_wait3A_77 = tpu.memref_slice %arg2[%dma_wait3A_75, %dma_wait3A_76] : memref<10240x128xf32, #tpu.memory_space<hbm>> -> memref<10240x128xf32, #tpu.memory_space<hbm>>
      tpu.wait_indirect_dma semaphore(%arg14 : memref<!tpu.dma_semaphore, #tpu.memory_space<semaphore_mem>>) src(%dma_wait3A_77 : memref<10240x128xf32, #tpu.memory_space<hbm>>) dst(%arg9 : memref<64x128xf32, #tpu.memory_space<vmem>>)
      "tpu.region"() ({
        %run_scoped3A = tpu.sem_alloc : memref<!tpu.dma_semaphore, #tpu.memory_space<semaphore_mem>>
        %dma_start3A_136 = arith.constant 0 : i32
        %dma_start3A_137 = tpu.memref_slice %arg8[%add3A_71, %dma_start3A_136] : memref<80x64xi32, #tpu.memory_space<vmem>> -> memref<1x64xi32, #tpu.memory_space<vmem>>
        %dma_start3A_138 = tpu.memref_squeeze %dma_start3A_137 : memref<1x64xi32, #tpu.memory_space<vmem>> -> memref<64xi32, #tpu.memory_space<vmem>>
        %dma_start3A_139 = arith.constant 0 : i32
        %dma_start3A_140 = arith.constant 0 : i32
        %dma_start3A_141 = tpu.memref_slice %arg13[%dma_start3A_139, %dma_start3A_140] : memref<10240x128xf32, #tpu.memory_space<vmem_shared>> -> memref<10240x128xf32, #tpu.memory_space<vmem_shared>>
        tpu.enqueue_indirect_dma source(%arg9 : memref<64x128xf32, #tpu.memory_space<vmem>>) target(%dma_start3A_141 : memref<10240x128xf32, #tpu.memory_space<vmem_shared>>) offsets(%dma_start3A_138 : memref<64xi32, #tpu.memory_space<vmem>>) semaphore(%run_scoped3A : memref<!tpu.dma_semaphore, #tpu.memory_space<semaphore_mem>>) {add = true}
        %dma_wait3A_142 = arith.constant 0 : i32
        %dma_wait3A_143 = tpu.memref_slice %arg8[%add3A_71, %dma_wait3A_142] : memref<80x64xi32, #tpu.memory_space<vmem>> -> memref<1x64xi32, #tpu.memory_space<vmem>>
        %dma_wait3A_144 = tpu.memref_squeeze %dma_wait3A_143 : memref<1x64xi32, #tpu.memory_space<vmem>> -> memref<64xi32, #tpu.memory_space<vmem>>
        %dma_wait3A_145 = arith.constant 0 : i32
        %dma_wait3A_146 = arith.constant 0 : i32
        %dma_wait3A_147 = tpu.memref_slice %arg13[%dma_wait3A_145, %dma_wait3A_146] : memref<10240x128xf32, #tpu.memory_space<vmem_shared>> -> memref<10240x128xf32, #tpu.memory_space<vmem_shared>>
        tpu.wait_indirect_dma semaphore(%run_scoped3A : memref<!tpu.dma_semaphore, #tpu.memory_space<semaphore_mem>>) src(%arg9 : memref<64x128xf32, #tpu.memory_space<vmem>>) dst(%dma_wait3A_147 : memref<10240x128xf32, #tpu.memory_space<vmem_shared>>)
        tpu.yield
      }) : () -> ()
      %add3A_78 = arith.constant 4 : i32
      %add3A_79 = arith.addi %add3A_71, %add3A_78 : i32
      %lt3A = arith.constant 80 : i32
      %lt3A_80 = arith.cmpi slt, %add3A_79, %lt3A : i32
      %convert_element_type3A = arith.extui %lt3A_80 : i1 to i32
      %cond3A = arith.constant 0 : i32
      %cond3A_81 = arith.cmpi ne, %convert_element_type3A, %cond3A : i32
      scf.if %cond3A_81 {
        %mul3A_136 = arith.constant 64 : i32
        %mul3A_137 = arith.muli %add3A_79, %mul3A_136 : i32
        %multiple_of3A_138 = tpu.assume_multiple %mul3A_137, 8 : i32
        %dma_start3A_139 = tpu.memref_slice %arg7[%multiple_of3A_138] : memref<5120xi32, #tpu.memory_space<vmem>> -> memref<64xi32, #tpu.memory_space<vmem>>
        %dma_start3A_140 = arith.constant 0 : i32
        %dma_start3A_141 = arith.constant 0 : i32
        %dma_start3A_142 = tpu.memref_slice %arg2[%dma_start3A_140, %dma_start3A_141] : memref<10240x128xf32, #tpu.memory_space<hbm>> -> memref<10240x128xf32, #tpu.memory_space<hbm>>
        tpu.enqueue_indirect_dma source(%dma_start3A_142 : memref<10240x128xf32, #tpu.memory_space<hbm>>) target(%arg9 : memref<64x128xf32, #tpu.memory_space<vmem>>) offsets(%dma_start3A_139 : memref<64xi32, #tpu.memory_space<vmem>>) semaphore(%arg14 : memref<!tpu.dma_semaphore, #tpu.memory_space<semaphore_mem>>)
      } else {
      }
      %mul3A_82 = arith.constant 4 : i32
      %mul3A_83 = arith.muli %scan3A_67, %mul3A_82 : i32
      %add3A_84 = arith.constant 1 : i32
      %add3A_85 = arith.addi %mul3A_83, %add3A_84 : i32
      %mul3A_86 = arith.constant 64 : i32
      %mul3A_87 = arith.muli %add3A_85, %mul3A_86 : i32
      %multiple_of3A_88 = tpu.assume_multiple %mul3A_87, 8 : i32
      %dma_wait3A_89 = tpu.memref_slice %arg7[%multiple_of3A_88] : memref<5120xi32, #tpu.memory_space<vmem>> -> memref<64xi32, #tpu.memory_space<vmem>>
      %dma_wait3A_90 = arith.constant 0 : i32
      %dma_wait3A_91 = arith.constant 0 : i32
      %dma_wait3A_92 = tpu.memref_slice %arg2[%dma_wait3A_90, %dma_wait3A_91] : memref<10240x128xf32, #tpu.memory_space<hbm>> -> memref<10240x128xf32, #tpu.memory_space<hbm>>
      tpu.wait_indirect_dma semaphore(%arg15 : memref<!tpu.dma_semaphore, #tpu.memory_space<semaphore_mem>>) src(%dma_wait3A_92 : memref<10240x128xf32, #tpu.memory_space<hbm>>) dst(%arg10 : memref<64x128xf32, #tpu.memory_space<vmem>>)
      "tpu.region"() ({
        %run_scoped3A = tpu.sem_alloc : memref<!tpu.dma_semaphore, #tpu.memory_space<semaphore_mem>>
        %dma_start3A_136 = arith.constant 0 : i32
        %dma_start3A_137 = tpu.memref_slice %arg8[%add3A_85, %dma_start3A_136] : memref<80x64xi32, #tpu.memory_space<vmem>> -> memref<1x64xi32, #tpu.memory_space<vmem>>
        %dma_start3A_138 = tpu.memref_squeeze %dma_start3A_137 : memref<1x64xi32, #tpu.memory_space<vmem>> -> memref<64xi32, #tpu.memory_space<vmem>>
        %dma_start3A_139 = arith.constant 0 : i32
        %dma_start3A_140 = arith.constant 0 : i32
        %dma_start3A_141 = tpu.memref_slice %arg13[%dma_start3A_139, %dma_start3A_140] : memref<10240x128xf32, #tpu.memory_space<vmem_shared>> -> memref<10240x128xf32, #tpu.memory_space<vmem_shared>>
        tpu.enqueue_indirect_dma source(%arg10 : memref<64x128xf32, #tpu.memory_space<vmem>>) target(%dma_start3A_141 : memref<10240x128xf32, #tpu.memory_space<vmem_shared>>) offsets(%dma_start3A_138 : memref<64xi32, #tpu.memory_space<vmem>>) semaphore(%run_scoped3A : memref<!tpu.dma_semaphore, #tpu.memory_space<semaphore_mem>>) {add = true}
        %dma_wait3A_142 = arith.constant 0 : i32
        %dma_wait3A_143 = tpu.memref_slice %arg8[%add3A_85, %dma_wait3A_142] : memref<80x64xi32, #tpu.memory_space<vmem>> -> memref<1x64xi32, #tpu.memory_space<vmem>>
        %dma_wait3A_144 = tpu.memref_squeeze %dma_wait3A_143 : memref<1x64xi32, #tpu.memory_space<vmem>> -> memref<64xi32, #tpu.memory_space<vmem>>
        %dma_wait3A_145 = arith.constant 0 : i32
        %dma_wait3A_146 = arith.constant 0 : i32
        %dma_wait3A_147 = tpu.memref_slice %arg13[%dma_wait3A_145, %dma_wait3A_146] : memref<10240x128xf32, #tpu.memory_space<vmem_shared>> -> memref<10240x128xf32, #tpu.memory_space<vmem_shared>>
        tpu.wait_indirect_dma semaphore(%run_scoped3A : memref<!tpu.dma_semaphore, #tpu.memory_space<semaphore_mem>>) src(%arg10 : memref<64x128xf32, #tpu.memory_space<vmem>>) dst(%dma_wait3A_147 : memref<10240x128xf32, #tpu.memory_space<vmem_shared>>)
        tpu.yield
      }) : () -> ()
      %add3A_93 = arith.constant 4 : i32
      %add3A_94 = arith.addi %add3A_85, %add3A_93 : i32
      %lt3A_95 = arith.constant 80 : i32
      %lt3A_96 = arith.cmpi slt, %add3A_94, %lt3A_95 : i32
      %convert_element_type3A_97 = arith.extui %lt3A_96 : i1 to i32
      %cond3A_98 = arith.constant 0 : i32
      %cond3A_99 = arith.cmpi ne, %convert_element_type3A_97, %cond3A_98 : i32
      scf.if %cond3A_99 {
        %mul3A_136 = arith.constant 64 : i32
        %mul3A_137 = arith.muli %add3A_94, %mul3A_136 : i32
        %multiple_of3A_138 = tpu.assume_multiple %mul3A_137, 8 : i32
        %dma_start3A_139 = tpu.memref_slice %arg7[%multiple_of3A_138] : memref<5120xi32, #tpu.memory_space<vmem>> -> memref<64xi32, #tpu.memory_space<vmem>>
        %dma_start3A_140 = arith.constant 0 : i32
        %dma_start3A_141 = arith.constant 0 : i32
        %dma_start3A_142 = tpu.memref_slice %arg2[%dma_start3A_140, %dma_start3A_141] : memref<10240x128xf32, #tpu.memory_space<hbm>> -> memref<10240x128xf32, #tpu.memory_space<hbm>>
        tpu.enqueue_indirect_dma source(%dma_start3A_142 : memref<10240x128xf32, #tpu.memory_space<hbm>>) target(%arg10 : memref<64x128xf32, #tpu.memory_space<vmem>>) offsets(%dma_start3A_139 : memref<64xi32, #tpu.memory_space<vmem>>) semaphore(%arg15 : memref<!tpu.dma_semaphore, #tpu.memory_space<semaphore_mem>>)
      } else {
      }
      %mul3A_100 = arith.constant 4 : i32
      %mul3A_101 = arith.muli %scan3A_67, %mul3A_100 : i32
      %add3A_102 = arith.constant 2 : i32
      %add3A_103 = arith.addi %mul3A_101, %add3A_102 : i32
      %mul3A_104 = arith.constant 64 : i32
      %mul3A_105 = arith.muli %add3A_103, %mul3A_104 : i32
      %multiple_of3A_106 = tpu.assume_multiple %mul3A_105, 8 : i32
      %dma_wait3A_107 = tpu.memref_slice %arg7[%multiple_of3A_106] : memref<5120xi32, #tpu.memory_space<vmem>> -> memref<64xi32, #tpu.memory_space<vmem>>
      %dma_wait3A_108 = arith.constant 0 : i32
      %dma_wait3A_109 = arith.constant 0 : i32
      %dma_wait3A_110 = tpu.memref_slice %arg2[%dma_wait3A_108, %dma_wait3A_109] : memref<10240x128xf32, #tpu.memory_space<hbm>> -> memref<10240x128xf32, #tpu.memory_space<hbm>>
      tpu.wait_indirect_dma semaphore(%arg16 : memref<!tpu.dma_semaphore, #tpu.memory_space<semaphore_mem>>) src(%dma_wait3A_110 : memref<10240x128xf32, #tpu.memory_space<hbm>>) dst(%arg11 : memref<64x128xf32, #tpu.memory_space<vmem>>)
      "tpu.region"() ({
        %run_scoped3A = tpu.sem_alloc : memref<!tpu.dma_semaphore, #tpu.memory_space<semaphore_mem>>
        %dma_start3A_136 = arith.constant 0 : i32
        %dma_start3A_137 = tpu.memref_slice %arg8[%add3A_103, %dma_start3A_136] : memref<80x64xi32, #tpu.memory_space<vmem>> -> memref<1x64xi32, #tpu.memory_space<vmem>>
        %dma_start3A_138 = tpu.memref_squeeze %dma_start3A_137 : memref<1x64xi32, #tpu.memory_space<vmem>> -> memref<64xi32, #tpu.memory_space<vmem>>
        %dma_start3A_139 = arith.constant 0 : i32
        %dma_start3A_140 = arith.constant 0 : i32
        %dma_start3A_141 = tpu.memref_slice %arg13[%dma_start3A_139, %dma_start3A_140] : memref<10240x128xf32, #tpu.memory_space<vmem_shared>> -> memref<10240x128xf32, #tpu.memory_space<vmem_shared>>
        tpu.enqueue_indirect_dma source(%arg11 : memref<64x128xf32, #tpu.memory_space<vmem>>) target(%dma_start3A_141 : memref<10240x128xf32, #tpu.memory_space<vmem_shared>>) offsets(%dma_start3A_138 : memref<64xi32, #tpu.memory_space<vmem>>) semaphore(%run_scoped3A : memref<!tpu.dma_semaphore, #tpu.memory_space<semaphore_mem>>) {add = true}
        %dma_wait3A_142 = arith.constant 0 : i32
        %dma_wait3A_143 = tpu.memref_slice %arg8[%add3A_103, %dma_wait3A_142] : memref<80x64xi32, #tpu.memory_space<vmem>> -> memref<1x64xi32, #tpu.memory_space<vmem>>
        %dma_wait3A_144 = tpu.memref_squeeze %dma_wait3A_143 : memref<1x64xi32, #tpu.memory_space<vmem>> -> memref<64xi32, #tpu.memory_space<vmem>>
        %dma_wait3A_145 = arith.constant 0 : i32
        %dma_wait3A_146 = arith.constant 0 : i32
        %dma_wait3A_147 = tpu.memref_slice %arg13[%dma_wait3A_145, %dma_wait3A_146] : memref<10240x128xf32, #tpu.memory_space<vmem_shared>> -> memref<10240x128xf32, #tpu.memory_space<vmem_shared>>
        tpu.wait_indirect_dma semaphore(%run_scoped3A : memref<!tpu.dma_semaphore, #tpu.memory_space<semaphore_mem>>) src(%arg11 : memref<64x128xf32, #tpu.memory_space<vmem>>) dst(%dma_wait3A_147 : memref<10240x128xf32, #tpu.memory_space<vmem_shared>>)
        tpu.yield
      }) : () -> ()
      %add3A_111 = arith.constant 4 : i32
      %add3A_112 = arith.addi %add3A_103, %add3A_111 : i32
      %lt3A_113 = arith.constant 80 : i32
      %lt3A_114 = arith.cmpi slt, %add3A_112, %lt3A_113 : i32
      %convert_element_type3A_115 = arith.extui %lt3A_114 : i1 to i32
      %cond3A_116 = arith.constant 0 : i32
      %cond3A_117 = arith.cmpi ne, %convert_element_type3A_115, %cond3A_116 : i32
      scf.if %cond3A_117 {
        %mul3A_136 = arith.constant 64 : i32
        %mul3A_137 = arith.muli %add3A_112, %mul3A_136 : i32
        %multiple_of3A_138 = tpu.assume_multiple %mul3A_137, 8 : i32
        %dma_start3A_139 = tpu.memref_slice %arg7[%multiple_of3A_138] : memref<5120xi32, #tpu.memory_space<vmem>> -> memref<64xi32, #tpu.memory_space<vmem>>
        %dma_start3A_140 = arith.constant 0 : i32
        %dma_start3A_141 = arith.constant 0 : i32
        %dma_start3A_142 = tpu.memref_slice %arg2[%dma_start3A_140, %dma_start3A_141] : memref<10240x128xf32, #tpu.memory_space<hbm>> -> memref<10240x128xf32, #tpu.memory_space<hbm>>
        tpu.enqueue_indirect_dma source(%dma_start3A_142 : memref<10240x128xf32, #tpu.memory_space<hbm>>) target(%arg11 : memref<64x128xf32, #tpu.memory_space<vmem>>) offsets(%dma_start3A_139 : memref<64xi32, #tpu.memory_space<vmem>>) semaphore(%arg16 : memref<!tpu.dma_semaphore, #tpu.memory_space<semaphore_mem>>)
      } else {
      }
      %mul3A_118 = arith.constant 4 : i32
      %mul3A_119 = arith.muli %scan3A_67, %mul3A_118 : i32
      %add3A_120 = arith.constant 3 : i32
      %add3A_121 = arith.addi %mul3A_119, %add3A_120 : i32
      %mul3A_122 = arith.constant 64 : i32
      %mul3A_123 = arith.muli %add3A_121, %mul3A_122 : i32
      %multiple_of3A_124 = tpu.assume_multiple %mul3A_123, 8 : i32
      %dma_wait3A_125 = tpu.memref_slice %arg7[%multiple_of3A_124] : memref<5120xi32, #tpu.memory_space<vmem>> -> memref<64xi32, #tpu.memory_space<vmem>>
      %dma_wait3A_126 = arith.constant 0 : i32
      %dma_wait3A_127 = arith.constant 0 : i32
      %dma_wait3A_128 = tpu.memref_slice %arg2[%dma_wait3A_126, %dma_wait3A_127] : memref<10240x128xf32, #tpu.memory_space<hbm>> -> memref<10240x128xf32, #tpu.memory_space<hbm>>
      tpu.wait_indirect_dma semaphore(%arg17 : memref<!tpu.dma_semaphore, #tpu.memory_space<semaphore_mem>>) src(%dma_wait3A_128 : memref<10240x128xf32, #tpu.memory_space<hbm>>) dst(%arg12 : memref<64x128xf32, #tpu.memory_space<vmem>>)
      "tpu.region"() ({
        %run_scoped3A = tpu.sem_alloc : memref<!tpu.dma_semaphore, #tpu.memory_space<semaphore_mem>>
        %dma_start3A_136 = arith.constant 0 : i32
        %dma_start3A_137 = tpu.memref_slice %arg8[%add3A_121, %dma_start3A_136] : memref<80x64xi32, #tpu.memory_space<vmem>> -> memref<1x64xi32, #tpu.memory_space<vmem>>
        %dma_start3A_138 = tpu.memref_squeeze %dma_start3A_137 : memref<1x64xi32, #tpu.memory_space<vmem>> -> memref<64xi32, #tpu.memory_space<vmem>>
        %dma_start3A_139 = arith.constant 0 : i32
        %dma_start3A_140 = arith.constant 0 : i32
        %dma_start3A_141 = tpu.memref_slice %arg13[%dma_start3A_139, %dma_start3A_140] : memref<10240x128xf32, #tpu.memory_space<vmem_shared>> -> memref<10240x128xf32, #tpu.memory_space<vmem_shared>>
        tpu.enqueue_indirect_dma source(%arg12 : memref<64x128xf32, #tpu.memory_space<vmem>>) target(%dma_start3A_141 : memref<10240x128xf32, #tpu.memory_space<vmem_shared>>) offsets(%dma_start3A_138 : memref<64xi32, #tpu.memory_space<vmem>>) semaphore(%run_scoped3A : memref<!tpu.dma_semaphore, #tpu.memory_space<semaphore_mem>>) {add = true}
        %dma_wait3A_142 = arith.constant 0 : i32
        %dma_wait3A_143 = tpu.memref_slice %arg8[%add3A_121, %dma_wait3A_142] : memref<80x64xi32, #tpu.memory_space<vmem>> -> memref<1x64xi32, #tpu.memory_space<vmem>>
        %dma_wait3A_144 = tpu.memref_squeeze %dma_wait3A_143 : memref<1x64xi32, #tpu.memory_space<vmem>> -> memref<64xi32, #tpu.memory_space<vmem>>
        %dma_wait3A_145 = arith.constant 0 : i32
        %dma_wait3A_146 = arith.constant 0 : i32
        %dma_wait3A_147 = tpu.memref_slice %arg13[%dma_wait3A_145, %dma_wait3A_146] : memref<10240x128xf32, #tpu.memory_space<vmem_shared>> -> memref<10240x128xf32, #tpu.memory_space<vmem_shared>>
        tpu.wait_indirect_dma semaphore(%run_scoped3A : memref<!tpu.dma_semaphore, #tpu.memory_space<semaphore_mem>>) src(%arg12 : memref<64x128xf32, #tpu.memory_space<vmem>>) dst(%dma_wait3A_147 : memref<10240x128xf32, #tpu.memory_space<vmem_shared>>)
        tpu.yield
      }) : () -> ()
      %add3A_129 = arith.constant 4 : i32
      %add3A_130 = arith.addi %add3A_121, %add3A_129 : i32
      %lt3A_131 = arith.constant 80 : i32
      %lt3A_132 = arith.cmpi slt, %add3A_130, %lt3A_131 : i32
      %convert_element_type3A_133 = arith.extui %lt3A_132 : i1 to i32
      %cond3A_134 = arith.constant 0 : i32
      %cond3A_135 = arith.cmpi ne, %convert_element_type3A_133, %cond3A_134 : i32
      scf.if %cond3A_135 {
        %mul3A_136 = arith.constant 64 : i32
        %mul3A_137 = arith.muli %add3A_130, %mul3A_136 : i32
        %multiple_of3A_138 = tpu.assume_multiple %mul3A_137, 8 : i32
        %dma_start3A_139 = tpu.memref_slice %arg7[%multiple_of3A_138] : memref<5120xi32, #tpu.memory_space<vmem>> -> memref<64xi32, #tpu.memory_space<vmem>>
        %dma_start3A_140 = arith.constant 0 : i32
        %dma_start3A_141 = arith.constant 0 : i32
        %dma_start3A_142 = tpu.memref_slice %arg2[%dma_start3A_140, %dma_start3A_141] : memref<10240x128xf32, #tpu.memory_space<hbm>> -> memref<10240x128xf32, #tpu.memory_space<hbm>>
        tpu.enqueue_indirect_dma source(%dma_start3A_142 : memref<10240x128xf32, #tpu.memory_space<hbm>>) target(%arg12 : memref<64x128xf32, #tpu.memory_space<vmem>>) offsets(%dma_start3A_139 : memref<64xi32, #tpu.memory_space<vmem>>) semaphore(%arg17 : memref<!tpu.dma_semaphore, #tpu.memory_space<semaphore_mem>>)
      } else {
      }
    }
    %scan3A_31 = arith.constant 20 : i32
    "tpu.region"() ({
      %run_scoped3A = tpu.sem_alloc : memref<!tpu.dma_semaphore, #tpu.memory_space<semaphore_mem>>
      %dma_start3A_67 = arith.constant 5120 : i32
      %dma_start3A_68 = tpu.memref_slice %arg3[%add3A, %dma_start3A_67] : memref<32x10240xi32, #tpu.memory_space<hbm>> -> memref<1x5120xi32, #tpu.memory_space<hbm>>
      %dma_start3A_69 = tpu.memref_squeeze %dma_start3A_68 : memref<1x5120xi32, #tpu.memory_space<hbm>> -> memref<5120xi32, #tpu.memory_space<hbm>>
      %dma_start3A_70 = arith.constant 5120 : i32
      %dma_start3A_71 = tpu.memref_slice %arg3[%add3A, %dma_start3A_70] : memref<32x10240xi32, #tpu.memory_space<hbm>> -> memref<1x5120xi32, #tpu.memory_space<hbm>>
      %dma_start3A_72 = tpu.memref_squeeze %dma_start3A_71 : memref<1x5120xi32, #tpu.memory_space<hbm>> -> memref<5120xi32, #tpu.memory_space<hbm>>
      tpu.enqueue_dma source(%dma_start3A_72 : memref<5120xi32, #tpu.memory_space<hbm>>) target(%arg7 : memref<5120xi32, #tpu.memory_space<vmem>>) target_semaphore(%run_scoped3A : memref<!tpu.dma_semaphore, #tpu.memory_space<semaphore_mem>>)
      %dma_wait3A = arith.constant 5120 : i32
      %dma_wait3A_73 = tpu.memref_slice %arg3[%add3A, %dma_wait3A] : memref<32x10240xi32, #tpu.memory_space<hbm>> -> memref<1x5120xi32, #tpu.memory_space<hbm>>
      %dma_wait3A_74 = tpu.memref_squeeze %dma_wait3A_73 : memref<1x5120xi32, #tpu.memory_space<hbm>> -> memref<5120xi32, #tpu.memory_space<hbm>>
      %dma_wait3A_75 = arith.constant 5120 : i32
      %dma_wait3A_76 = tpu.memref_slice %arg3[%add3A, %dma_wait3A_75] : memref<32x10240xi32, #tpu.memory_space<hbm>> -> memref<1x5120xi32, #tpu.memory_space<hbm>>
      %dma_wait3A_77 = tpu.memref_squeeze %dma_wait3A_76 : memref<1x5120xi32, #tpu.memory_space<hbm>> -> memref<5120xi32, #tpu.memory_space<hbm>>
      tpu.wait_dma2 semaphore(%run_scoped3A : memref<!tpu.dma_semaphore, #tpu.memory_space<semaphore_mem>>) src(%dma_wait3A_77 : memref<5120xi32, #tpu.memory_space<hbm>>) dst(%arg7 : memref<5120xi32, #tpu.memory_space<vmem>>)
      tpu.yield
    }) : () -> ()
    "tpu.region"() ({
      %run_scoped3A = tpu.sem_alloc : memref<!tpu.dma_semaphore, #tpu.memory_space<semaphore_mem>>
      %dma_start3A_67 = arith.constant 80 : i32
      %dma_start3A_68 = arith.constant 0 : i32
      %dma_start3A_69 = tpu.memref_slice %arg4[%add3A, %dma_start3A_67, %dma_start3A_68] : memref<32x160x64xi32, #tpu.memory_space<hbm>> -> memref<1x80x64xi32, #tpu.memory_space<hbm>>
      %dma_start3A_70 = tpu.memref_squeeze %dma_start3A_69 : memref<1x80x64xi32, #tpu.memory_space<hbm>> -> memref<80x64xi32, #tpu.memory_space<hbm>>
      %dma_start3A_71 = arith.constant 80 : i32
      %dma_start3A_72 = arith.constant 0 : i32
      %dma_start3A_73 = tpu.memref_slice %arg4[%add3A, %dma_start3A_71, %dma_start3A_72] : memref<32x160x64xi32, #tpu.memory_space<hbm>> -> memref<1x80x64xi32, #tpu.memory_space<hbm>>
      %dma_start3A_74 = tpu.memref_squeeze %dma_start3A_73 : memref<1x80x64xi32, #tpu.memory_space<hbm>> -> memref<80x64xi32, #tpu.memory_space<hbm>>
      tpu.enqueue_dma source(%dma_start3A_74 : memref<80x64xi32, #tpu.memory_space<hbm>>) target(%arg8 : memref<80x64xi32, #tpu.memory_space<vmem>>) target_semaphore(%run_scoped3A : memref<!tpu.dma_semaphore, #tpu.memory_space<semaphore_mem>>)
      %dma_wait3A = arith.constant 80 : i32
      %dma_wait3A_75 = arith.constant 0 : i32
      %dma_wait3A_76 = tpu.memref_slice %arg4[%add3A, %dma_wait3A, %dma_wait3A_75] : memref<32x160x64xi32, #tpu.memory_space<hbm>> -> memref<1x80x64xi32, #tpu.memory_space<hbm>>
      %dma_wait3A_77 = tpu.memref_squeeze %dma_wait3A_76 : memref<1x80x64xi32, #tpu.memory_space<hbm>> -> memref<80x64xi32, #tpu.memory_space<hbm>>
      %dma_wait3A_78 = arith.constant 80 : i32
      %dma_wait3A_79 = arith.constant 0 : i32
      %dma_wait3A_80 = tpu.memref_slice %arg4[%add3A, %dma_wait3A_78, %dma_wait3A_79] : memref<32x160x64xi32, #tpu.memory_space<hbm>> -> memref<1x80x64xi32, #tpu.memory_space<hbm>>
      %dma_wait3A_81 = tpu.memref_squeeze %dma_wait3A_80 : memref<1x80x64xi32, #tpu.memory_space<hbm>> -> memref<80x64xi32, #tpu.memory_space<hbm>>
      tpu.wait_dma2 semaphore(%run_scoped3A : memref<!tpu.dma_semaphore, #tpu.memory_space<semaphore_mem>>) src(%dma_wait3A_81 : memref<80x64xi32, #tpu.memory_space<hbm>>) dst(%arg8 : memref<80x64xi32, #tpu.memory_space<vmem>>)
      tpu.yield
    }) : () -> ()
    %multiple_of3A_32 = arith.constant 0 : i32
    %multiple_of3A_33 = tpu.assume_multiple %multiple_of3A_32, 8 : i32
    %dma_start3A_34 = tpu.memref_slice %arg7[%multiple_of3A_33] : memref<5120xi32, #tpu.memory_space<vmem>> -> memref<64xi32, #tpu.memory_space<vmem>>
    %dma_start3A_35 = arith.constant 0 : i32
    %dma_start3A_36 = arith.constant 0 : i32
    %dma_start3A_37 = tpu.memref_slice %arg2[%dma_start3A_35, %dma_start3A_36] : memref<10240x128xf32, #tpu.memory_space<hbm>> -> memref<10240x128xf32, #tpu.memory_space<hbm>>
    tpu.enqueue_indirect_dma source(%dma_start3A_37 : memref<10240x128xf32, #tpu.memory_space<hbm>>) target(%arg9 : memref<64x128xf32, #tpu.memory_space<vmem>>) offsets(%dma_start3A_34 : memref<64xi32, #tpu.memory_space<vmem>>) semaphore(%arg14 : memref<!tpu.dma_semaphore, #tpu.memory_space<semaphore_mem>>)
    %multiple_of3A_38 = arith.constant 64 : i32
    %multiple_of3A_39 = tpu.assume_multiple %multiple_of3A_38, 8 : i32
    %dma_start3A_40 = tpu.memref_slice %arg7[%multiple_of3A_39] : memref<5120xi32, #tpu.memory_space<vmem>> -> memref<64xi32, #tpu.memory_space<vmem>>
    %dma_start3A_41 = arith.constant 0 : i32
    %dma_start3A_42 = arith.constant 0 : i32
    %dma_start3A_43 = tpu.memref_slice %arg2[%dma_start3A_41, %dma_start3A_42] : memref<10240x128xf32, #tpu.memory_space<hbm>> -> memref<10240x128xf32, #tpu.memory_space<hbm>>
    tpu.enqueue_indirect_dma source(%dma_start3A_43 : memref<10240x128xf32, #tpu.memory_space<hbm>>) target(%arg10 : memref<64x128xf32, #tpu.memory_space<vmem>>) offsets(%dma_start3A_40 : memref<64xi32, #tpu.memory_space<vmem>>) semaphore(%arg15 : memref<!tpu.dma_semaphore, #tpu.memory_space<semaphore_mem>>)
    %multiple_of3A_44 = arith.constant 128 : i32
    %multiple_of3A_45 = tpu.assume_multiple %multiple_of3A_44, 8 : i32
    %dma_start3A_46 = tpu.memref_slice %arg7[%multiple_of3A_45] : memref<5120xi32, #tpu.memory_space<vmem>> -> memref<64xi32, #tpu.memory_space<vmem>>
    %dma_start3A_47 = arith.constant 0 : i32
    %dma_start3A_48 = arith.constant 0 : i32
    %dma_start3A_49 = tpu.memref_slice %arg2[%dma_start3A_47, %dma_start3A_48] : memref<10240x128xf32, #tpu.memory_space<hbm>> -> memref<10240x128xf32, #tpu.memory_space<hbm>>
    tpu.enqueue_indirect_dma source(%dma_start3A_49 : memref<10240x128xf32, #tpu.memory_space<hbm>>) target(%arg11 : memref<64x128xf32, #tpu.memory_space<vmem>>) offsets(%dma_start3A_46 : memref<64xi32, #tpu.memory_space<vmem>>) semaphore(%arg16 : memref<!tpu.dma_semaphore, #tpu.memory_space<semaphore_mem>>)
    %multiple_of3A_50 = arith.constant 192 : i32
    %multiple_of3A_51 = tpu.assume_multiple %multiple_of3A_50, 8 : i32
    %dma_start3A_52 = tpu.memref_slice %arg7[%multiple_of3A_51] : memref<5120xi32, #tpu.memory_space<vmem>> -> memref<64xi32, #tpu.memory_space<vmem>>
    %dma_start3A_53 = arith.constant 0 : i32
    %dma_start3A_54 = arith.constant 0 : i32
    %dma_start3A_55 = tpu.memref_slice %arg2[%dma_start3A_53, %dma_start3A_54] : memref<10240x128xf32, #tpu.memory_space<hbm>> -> memref<10240x128xf32, #tpu.memory_space<hbm>>
    tpu.enqueue_indirect_dma source(%dma_start3A_55 : memref<10240x128xf32, #tpu.memory_space<hbm>>) target(%arg12 : memref<64x128xf32, #tpu.memory_space<vmem>>) offsets(%dma_start3A_52 : memref<64xi32, #tpu.memory_space<vmem>>) semaphore(%arg17 : memref<!tpu.dma_semaphore, #tpu.memory_space<semaphore_mem>>)
    %scan3A_56 = arith.constant 0 : i32
    %scan3A_57 = arith.constant 0 : i32
    %scan3A_58 = arith.constant 20 : i32
    %scan3A_59 = arith.addi %scan3A_57, %scan3A_58 : i32
    %scan3A_60 = arith.constant 1 : i32
    scf.for %scan3A_67 = %scan3A_57 to %scan3A_59 step %scan3A_60  : i32 {
      %mul3A_68 = arith.constant 4 : i32
      %mul3A_69 = arith.muli %scan3A_67, %mul3A_68 : i32
      %add3A_70 = arith.constant 0 : i32
      %add3A_71 = arith.addi %mul3A_69, %add3A_70 : i32
      %mul3A_72 = arith.constant 64 : i32
      %mul3A_73 = arith.muli %add3A_71, %mul3A_72 : i32
      %multiple_of3A_74 = tpu.assume_multiple %mul3A_73, 8 : i32
      %dma_wait3A = tpu.memref_slice %arg7[%multiple_of3A_74] : memref<5120xi32, #tpu.memory_space<vmem>> -> memref<64xi32, #tpu.memory_space<vmem>>
      %dma_wait3A_75 = arith.constant 0 : i32
      %dma_wait3A_76 = arith.constant 0 : i32
      %dma_wait3A_77 = tpu.memref_slice %arg2[%dma_wait3A_75, %dma_wait3A_76] : memref<10240x128xf32, #tpu.memory_space<hbm>> -> memref<10240x128xf32, #tpu.memory_space<hbm>>
      tpu.wait_indirect_dma semaphore(%arg14 : memref<!tpu.dma_semaphore, #tpu.memory_space<semaphore_mem>>) src(%dma_wait3A_77 : memref<10240x128xf32, #tpu.memory_space<hbm>>) dst(%arg9 : memref<64x128xf32, #tpu.memory_space<vmem>>)
      "tpu.region"() ({
        %run_scoped3A = tpu.sem_alloc : memref<!tpu.dma_semaphore, #tpu.memory_space<semaphore_mem>>
        %dma_start3A_136 = arith.constant 0 : i32
        %dma_start3A_137 = tpu.memref_slice %arg8[%add3A_71, %dma_start3A_136] : memref<80x64xi32, #tpu.memory_space<vmem>> -> memref<1x64xi32, #tpu.memory_space<vmem>>
        %dma_start3A_138 = tpu.memref_squeeze %dma_start3A_137 : memref<1x64xi32, #tpu.memory_space<vmem>> -> memref<64xi32, #tpu.memory_space<vmem>>
        %dma_start3A_139 = arith.constant 0 : i32
        %dma_start3A_140 = arith.constant 0 : i32
        %dma_start3A_141 = tpu.memref_slice %arg13[%dma_start3A_139, %dma_start3A_140] : memref<10240x128xf32, #tpu.memory_space<vmem_shared>> -> memref<10240x128xf32, #tpu.memory_space<vmem_shared>>
        tpu.enqueue_indirect_dma source(%arg9 : memref<64x128xf32, #tpu.memory_space<vmem>>) target(%dma_start3A_141 : memref<10240x128xf32, #tpu.memory_space<vmem_shared>>) offsets(%dma_start3A_138 : memref<64xi32, #tpu.memory_space<vmem>>) semaphore(%run_scoped3A : memref<!tpu.dma_semaphore, #tpu.memory_space<semaphore_mem>>) {add = true}
        %dma_wait3A_142 = arith.constant 0 : i32
        %dma_wait3A_143 = tpu.memref_slice %arg8[%add3A_71, %dma_wait3A_142] : memref<80x64xi32, #tpu.memory_space<vmem>> -> memref<1x64xi32, #tpu.memory_space<vmem>>
        %dma_wait3A_144 = tpu.memref_squeeze %dma_wait3A_143 : memref<1x64xi32, #tpu.memory_space<vmem>> -> memref<64xi32, #tpu.memory_space<vmem>>
        %dma_wait3A_145 = arith.constant 0 : i32
        %dma_wait3A_146 = arith.constant 0 : i32
        %dma_wait3A_147 = tpu.memref_slice %arg13[%dma_wait3A_145, %dma_wait3A_146] : memref<10240x128xf32, #tpu.memory_space<vmem_shared>> -> memref<10240x128xf32, #tpu.memory_space<vmem_shared>>
        tpu.wait_indirect_dma semaphore(%run_scoped3A : memref<!tpu.dma_semaphore, #tpu.memory_space<semaphore_mem>>) src(%arg9 : memref<64x128xf32, #tpu.memory_space<vmem>>) dst(%dma_wait3A_147 : memref<10240x128xf32, #tpu.memory_space<vmem_shared>>)
        tpu.yield
      }) : () -> ()
      %add3A_78 = arith.constant 4 : i32
      %add3A_79 = arith.addi %add3A_71, %add3A_78 : i32
      %lt3A = arith.constant 80 : i32
      %lt3A_80 = arith.cmpi slt, %add3A_79, %lt3A : i32
      %convert_element_type3A = arith.extui %lt3A_80 : i1 to i32
      %cond3A = arith.constant 0 : i32
      %cond3A_81 = arith.cmpi ne, %convert_element_type3A, %cond3A : i32
      scf.if %cond3A_81 {
        %mul3A_136 = arith.constant 64 : i32
        %mul3A_137 = arith.muli %add3A_79, %mul3A_136 : i32
        %multiple_of3A_138 = tpu.assume_multiple %mul3A_137, 8 : i32
        %dma_start3A_139 = tpu.memref_slice %arg7[%multiple_of3A_138] : memref<5120xi32, #tpu.memory_space<vmem>> -> memref<64xi32, #tpu.memory_space<vmem>>
        %dma_start3A_140 = arith.constant 0 : i32
        %dma_start3A_141 = arith.constant 0 : i32
        %dma_start3A_142 = tpu.memref_slice %arg2[%dma_start3A_140, %dma_start3A_141] : memref<10240x128xf32, #tpu.memory_space<hbm>> -> memref<10240x128xf32, #tpu.memory_space<hbm>>
        tpu.enqueue_indirect_dma source(%dma_start3A_142 : memref<10240x128xf32, #tpu.memory_space<hbm>>) target(%arg9 : memref<64x128xf32, #tpu.memory_space<vmem>>) offsets(%dma_start3A_139 : memref<64xi32, #tpu.memory_space<vmem>>) semaphore(%arg14 : memref<!tpu.dma_semaphore, #tpu.memory_space<semaphore_mem>>)
      } else {
      }
      %mul3A_82 = arith.constant 4 : i32
      %mul3A_83 = arith.muli %scan3A_67, %mul3A_82 : i32
      %add3A_84 = arith.constant 1 : i32
      %add3A_85 = arith.addi %mul3A_83, %add3A_84 : i32
      %mul3A_86 = arith.constant 64 : i32
      %mul3A_87 = arith.muli %add3A_85, %mul3A_86 : i32
      %multiple_of3A_88 = tpu.assume_multiple %mul3A_87, 8 : i32
      %dma_wait3A_89 = tpu.memref_slice %arg7[%multiple_of3A_88] : memref<5120xi32, #tpu.memory_space<vmem>> -> memref<64xi32, #tpu.memory_space<vmem>>
      %dma_wait3A_90 = arith.constant 0 : i32
      %dma_wait3A_91 = arith.constant 0 : i32
      %dma_wait3A_92 = tpu.memref_slice %arg2[%dma_wait3A_90, %dma_wait3A_91] : memref<10240x128xf32, #tpu.memory_space<hbm>> -> memref<10240x128xf32, #tpu.memory_space<hbm>>
      tpu.wait_indirect_dma semaphore(%arg15 : memref<!tpu.dma_semaphore, #tpu.memory_space<semaphore_mem>>) src(%dma_wait3A_92 : memref<10240x128xf32, #tpu.memory_space<hbm>>) dst(%arg10 : memref<64x128xf32, #tpu.memory_space<vmem>>)
      "tpu.region"() ({
        %run_scoped3A = tpu.sem_alloc : memref<!tpu.dma_semaphore, #tpu.memory_space<semaphore_mem>>
        %dma_start3A_136 = arith.constant 0 : i32
        %dma_start3A_137 = tpu.memref_slice %arg8[%add3A_85, %dma_start3A_136] : memref<80x64xi32, #tpu.memory_space<vmem>> -> memref<1x64xi32, #tpu.memory_space<vmem>>
        %dma_start3A_138 = tpu.memref_squeeze %dma_start3A_137 : memref<1x64xi32, #tpu.memory_space<vmem>> -> memref<64xi32, #tpu.memory_space<vmem>>
        %dma_start3A_139 = arith.constant 0 : i32
        %dma_start3A_140 = arith.constant 0 : i32
        %dma_start3A_141 = tpu.memref_slice %arg13[%dma_start3A_139, %dma_start3A_140] : memref<10240x128xf32, #tpu.memory_space<vmem_shared>> -> memref<10240x128xf32, #tpu.memory_space<vmem_shared>>
        tpu.enqueue_indirect_dma source(%arg10 : memref<64x128xf32, #tpu.memory_space<vmem>>) target(%dma_start3A_141 : memref<10240x128xf32, #tpu.memory_space<vmem_shared>>) offsets(%dma_start3A_138 : memref<64xi32, #tpu.memory_space<vmem>>) semaphore(%run_scoped3A : memref<!tpu.dma_semaphore, #tpu.memory_space<semaphore_mem>>) {add = true}
        %dma_wait3A_142 = arith.constant 0 : i32
        %dma_wait3A_143 = tpu.memref_slice %arg8[%add3A_85, %dma_wait3A_142] : memref<80x64xi32, #tpu.memory_space<vmem>> -> memref<1x64xi32, #tpu.memory_space<vmem>>
        %dma_wait3A_144 = tpu.memref_squeeze %dma_wait3A_143 : memref<1x64xi32, #tpu.memory_space<vmem>> -> memref<64xi32, #tpu.memory_space<vmem>>
        %dma_wait3A_145 = arith.constant 0 : i32
        %dma_wait3A_146 = arith.constant 0 : i32
        %dma_wait3A_147 = tpu.memref_slice %arg13[%dma_wait3A_145, %dma_wait3A_146] : memref<10240x128xf32, #tpu.memory_space<vmem_shared>> -> memref<10240x128xf32, #tpu.memory_space<vmem_shared>>
        tpu.wait_indirect_dma semaphore(%run_scoped3A : memref<!tpu.dma_semaphore, #tpu.memory_space<semaphore_mem>>) src(%arg10 : memref<64x128xf32, #tpu.memory_space<vmem>>) dst(%dma_wait3A_147 : memref<10240x128xf32, #tpu.memory_space<vmem_shared>>)
        tpu.yield
      }) : () -> ()
      %add3A_93 = arith.constant 4 : i32
      %add3A_94 = arith.addi %add3A_85, %add3A_93 : i32
      %lt3A_95 = arith.constant 80 : i32
      %lt3A_96 = arith.cmpi slt, %add3A_94, %lt3A_95 : i32
      %convert_element_type3A_97 = arith.extui %lt3A_96 : i1 to i32
      %cond3A_98 = arith.constant 0 : i32
      %cond3A_99 = arith.cmpi ne, %convert_element_type3A_97, %cond3A_98 : i32
      scf.if %cond3A_99 {
        %mul3A_136 = arith.constant 64 : i32
        %mul3A_137 = arith.muli %add3A_94, %mul3A_136 : i32
        %multiple_of3A_138 = tpu.assume_multiple %mul3A_137, 8 : i32
        %dma_start3A_139 = tpu.memref_slice %arg7[%multiple_of3A_138] : memref<5120xi32, #tpu.memory_space<vmem>> -> memref<64xi32, #tpu.memory_space<vmem>>
        %dma_start3A_140 = arith.constant 0 : i32
        %dma_start3A_141 = arith.constant 0 : i32
        %dma_start3A_142 = tpu.memref_slice %arg2[%dma_start3A_140, %dma_start3A_141] : memref<10240x128xf32, #tpu.memory_space<hbm>> -> memref<10240x128xf32, #tpu.memory_space<hbm>>
        tpu.enqueue_indirect_dma source(%dma_start3A_142 : memref<10240x128xf32, #tpu.memory_space<hbm>>) target(%arg10 : memref<64x128xf32, #tpu.memory_space<vmem>>) offsets(%dma_start3A_139 : memref<64xi32, #tpu.memory_space<vmem>>) semaphore(%arg15 : memref<!tpu.dma_semaphore, #tpu.memory_space<semaphore_mem>>)
      } else {
      }
      %mul3A_100 = arith.constant 4 : i32
      %mul3A_101 = arith.muli %scan3A_67, %mul3A_100 : i32
      %add3A_102 = arith.constant 2 : i32
      %add3A_103 = arith.addi %mul3A_101, %add3A_102 : i32
      %mul3A_104 = arith.constant 64 : i32
      %mul3A_105 = arith.muli %add3A_103, %mul3A_104 : i32
      %multiple_of3A_106 = tpu.assume_multiple %mul3A_105, 8 : i32
      %dma_wait3A_107 = tpu.memref_slice %arg7[%multiple_of3A_106] : memref<5120xi32, #tpu.memory_space<vmem>> -> memref<64xi32, #tpu.memory_space<vmem>>
      %dma_wait3A_108 = arith.constant 0 : i32
      %dma_wait3A_109 = arith.constant 0 : i32
      %dma_wait3A_110 = tpu.memref_slice %arg2[%dma_wait3A_108, %dma_wait3A_109] : memref<10240x128xf32, #tpu.memory_space<hbm>> -> memref<10240x128xf32, #tpu.memory_space<hbm>>
      tpu.wait_indirect_dma semaphore(%arg16 : memref<!tpu.dma_semaphore, #tpu.memory_space<semaphore_mem>>) src(%dma_wait3A_110 : memref<10240x128xf32, #tpu.memory_space<hbm>>) dst(%arg11 : memref<64x128xf32, #tpu.memory_space<vmem>>)
      "tpu.region"() ({
        %run_scoped3A = tpu.sem_alloc : memref<!tpu.dma_semaphore, #tpu.memory_space<semaphore_mem>>
        %dma_start3A_136 = arith.constant 0 : i32
        %dma_start3A_137 = tpu.memref_slice %arg8[%add3A_103, %dma_start3A_136] : memref<80x64xi32, #tpu.memory_space<vmem>> -> memref<1x64xi32, #tpu.memory_space<vmem>>
        %dma_start3A_138 = tpu.memref_squeeze %dma_start3A_137 : memref<1x64xi32, #tpu.memory_space<vmem>> -> memref<64xi32, #tpu.memory_space<vmem>>
        %dma_start3A_139 = arith.constant 0 : i32
        %dma_start3A_140 = arith.constant 0 : i32
        %dma_start3A_141 = tpu.memref_slice %arg13[%dma_start3A_139, %dma_start3A_140] : memref<10240x128xf32, #tpu.memory_space<vmem_shared>> -> memref<10240x128xf32, #tpu.memory_space<vmem_shared>>
        tpu.enqueue_indirect_dma source(%arg11 : memref<64x128xf32, #tpu.memory_space<vmem>>) target(%dma_start3A_141 : memref<10240x128xf32, #tpu.memory_space<vmem_shared>>) offsets(%dma_start3A_138 : memref<64xi32, #tpu.memory_space<vmem>>) semaphore(%run_scoped3A : memref<!tpu.dma_semaphore, #tpu.memory_space<semaphore_mem>>) {add = true}
        %dma_wait3A_142 = arith.constant 0 : i32
        %dma_wait3A_143 = tpu.memref_slice %arg8[%add3A_103, %dma_wait3A_142] : memref<80x64xi32, #tpu.memory_space<vmem>> -> memref<1x64xi32, #tpu.memory_space<vmem>>
        %dma_wait3A_144 = tpu.memref_squeeze %dma_wait3A_143 : memref<1x64xi32, #tpu.memory_space<vmem>> -> memref<64xi32, #tpu.memory_space<vmem>>
        %dma_wait3A_145 = arith.constant 0 : i32
        %dma_wait3A_146 = arith.constant 0 : i32
        %dma_wait3A_147 = tpu.memref_slice %arg13[%dma_wait3A_145, %dma_wait3A_146] : memref<10240x128xf32, #tpu.memory_space<vmem_shared>> -> memref<10240x128xf32, #tpu.memory_space<vmem_shared>>
        tpu.wait_indirect_dma semaphore(%run_scoped3A : memref<!tpu.dma_semaphore, #tpu.memory_space<semaphore_mem>>) src(%arg11 : memref<64x128xf32, #tpu.memory_space<vmem>>) dst(%dma_wait3A_147 : memref<10240x128xf32, #tpu.memory_space<vmem_shared>>)
        tpu.yield
      }) : () -> ()
      %add3A_111 = arith.constant 4 : i32
      %add3A_112 = arith.addi %add3A_103, %add3A_111 : i32
      %lt3A_113 = arith.constant 80 : i32
      %lt3A_114 = arith.cmpi slt, %add3A_112, %lt3A_113 : i32
      %convert_element_type3A_115 = arith.extui %lt3A_114 : i1 to i32
      %cond3A_116 = arith.constant 0 : i32
      %cond3A_117 = arith.cmpi ne, %convert_element_type3A_115, %cond3A_116 : i32
      scf.if %cond3A_117 {
        %mul3A_136 = arith.constant 64 : i32
        %mul3A_137 = arith.muli %add3A_112, %mul3A_136 : i32
        %multiple_of3A_138 = tpu.assume_multiple %mul3A_137, 8 : i32
        %dma_start3A_139 = tpu.memref_slice %arg7[%multiple_of3A_138] : memref<5120xi32, #tpu.memory_space<vmem>> -> memref<64xi32, #tpu.memory_space<vmem>>
        %dma_start3A_140 = arith.constant 0 : i32
        %dma_start3A_141 = arith.constant 0 : i32
        %dma_start3A_142 = tpu.memref_slice %arg2[%dma_start3A_140, %dma_start3A_141] : memref<10240x128xf32, #tpu.memory_space<hbm>> -> memref<10240x128xf32, #tpu.memory_space<hbm>>
        tpu.enqueue_indirect_dma source(%dma_start3A_142 : memref<10240x128xf32, #tpu.memory_space<hbm>>) target(%arg11 : memref<64x128xf32, #tpu.memory_space<vmem>>) offsets(%dma_start3A_139 : memref<64xi32, #tpu.memory_space<vmem>>) semaphore(%arg16 : memref<!tpu.dma_semaphore, #tpu.memory_space<semaphore_mem>>)
      } else {
      }
      %mul3A_118 = arith.constant 4 : i32
      %mul3A_119 = arith.muli %scan3A_67, %mul3A_118 : i32
      %add3A_120 = arith.constant 3 : i32
      %add3A_121 = arith.addi %mul3A_119, %add3A_120 : i32
      %mul3A_122 = arith.constant 64 : i32
      %mul3A_123 = arith.muli %add3A_121, %mul3A_122 : i32
      %multiple_of3A_124 = tpu.assume_multiple %mul3A_123, 8 : i32
      %dma_wait3A_125 = tpu.memref_slice %arg7[%multiple_of3A_124] : memref<5120xi32, #tpu.memory_space<vmem>> -> memref<64xi32, #tpu.memory_space<vmem>>
      %dma_wait3A_126 = arith.constant 0 : i32
      %dma_wait3A_127 = arith.constant 0 : i32
      %dma_wait3A_128 = tpu.memref_slice %arg2[%dma_wait3A_126, %dma_wait3A_127] : memref<10240x128xf32, #tpu.memory_space<hbm>> -> memref<10240x128xf32, #tpu.memory_space<hbm>>
      tpu.wait_indirect_dma semaphore(%arg17 : memref<!tpu.dma_semaphore, #tpu.memory_space<semaphore_mem>>) src(%dma_wait3A_128 : memref<10240x128xf32, #tpu.memory_space<hbm>>) dst(%arg12 : memref<64x128xf32, #tpu.memory_space<vmem>>)
      "tpu.region"() ({
        %run_scoped3A = tpu.sem_alloc : memref<!tpu.dma_semaphore, #tpu.memory_space<semaphore_mem>>
        %dma_start3A_136 = arith.constant 0 : i32
        %dma_start3A_137 = tpu.memref_slice %arg8[%add3A_121, %dma_start3A_136] : memref<80x64xi32, #tpu.memory_space<vmem>> -> memref<1x64xi32, #tpu.memory_space<vmem>>
        %dma_start3A_138 = tpu.memref_squeeze %dma_start3A_137 : memref<1x64xi32, #tpu.memory_space<vmem>> -> memref<64xi32, #tpu.memory_space<vmem>>
        %dma_start3A_139 = arith.constant 0 : i32
        %dma_start3A_140 = arith.constant 0 : i32
        %dma_start3A_141 = tpu.memref_slice %arg13[%dma_start3A_139, %dma_start3A_140] : memref<10240x128xf32, #tpu.memory_space<vmem_shared>> -> memref<10240x128xf32, #tpu.memory_space<vmem_shared>>
        tpu.enqueue_indirect_dma source(%arg12 : memref<64x128xf32, #tpu.memory_space<vmem>>) target(%dma_start3A_141 : memref<10240x128xf32, #tpu.memory_space<vmem_shared>>) offsets(%dma_start3A_138 : memref<64xi32, #tpu.memory_space<vmem>>) semaphore(%run_scoped3A : memref<!tpu.dma_semaphore, #tpu.memory_space<semaphore_mem>>) {add = true}
        %dma_wait3A_142 = arith.constant 0 : i32
        %dma_wait3A_143 = tpu.memref_slice %arg8[%add3A_121, %dma_wait3A_142] : memref<80x64xi32, #tpu.memory_space<vmem>> -> memref<1x64xi32, #tpu.memory_space<vmem>>
        %dma_wait3A_144 = tpu.memref_squeeze %dma_wait3A_143 : memref<1x64xi32, #tpu.memory_space<vmem>> -> memref<64xi32, #tpu.memory_space<vmem>>
        %dma_wait3A_145 = arith.constant 0 : i32
        %dma_wait3A_146 = arith.constant 0 : i32
        %dma_wait3A_147 = tpu.memref_slice %arg13[%dma_wait3A_145, %dma_wait3A_146] : memref<10240x128xf32, #tpu.memory_space<vmem_shared>> -> memref<10240x128xf32, #tpu.memory_space<vmem_shared>>
        tpu.wait_indirect_dma semaphore(%run_scoped3A : memref<!tpu.dma_semaphore, #tpu.memory_space<semaphore_mem>>) src(%arg12 : memref<64x128xf32, #tpu.memory_space<vmem>>) dst(%dma_wait3A_147 : memref<10240x128xf32, #tpu.memory_space<vmem_shared>>)
        tpu.yield
      }) : () -> ()
      %add3A_129 = arith.constant 4 : i32
      %add3A_130 = arith.addi %add3A_121, %add3A_129 : i32
      %lt3A_131 = arith.constant 80 : i32
      %lt3A_132 = arith.cmpi slt, %add3A_130, %lt3A_131 : i32
      %convert_element_type3A_133 = arith.extui %lt3A_132 : i1 to i32
      %cond3A_134 = arith.constant 0 : i32
      %cond3A_135 = arith.cmpi ne, %convert_element_type3A_133, %cond3A_134 : i32
      scf.if %cond3A_135 {
        %mul3A_136 = arith.constant 64 : i32
        %mul3A_137 = arith.muli %add3A_130, %mul3A_136 : i32
        %multiple_of3A_138 = tpu.assume_multiple %mul3A_137, 8 : i32
        %dma_start3A_139 = tpu.memref_slice %arg7[%multiple_of3A_138] : memref<5120xi32, #tpu.memory_space<vmem>> -> memref<64xi32, #tpu.memory_space<vmem>>
        %dma_start3A_140 = arith.constant 0 : i32
        %dma_start3A_141 = arith.constant 0 : i32
        %dma_start3A_142 = tpu.memref_slice %arg2[%dma_start3A_140, %dma_start3A_141] : memref<10240x128xf32, #tpu.memory_space<hbm>> -> memref<10240x128xf32, #tpu.memory_space<hbm>>
        tpu.enqueue_indirect_dma source(%dma_start3A_142 : memref<10240x128xf32, #tpu.memory_space<hbm>>) target(%arg12 : memref<64x128xf32, #tpu.memory_space<vmem>>) offsets(%dma_start3A_139 : memref<64xi32, #tpu.memory_space<vmem>>) semaphore(%arg17 : memref<!tpu.dma_semaphore, #tpu.memory_space<semaphore_mem>>)
      } else {
      }
    }
    %scan3A_61 = arith.constant 20 : i32
    %barrier3A_62 = arith.constant 0 : index
    tpu.barrier barrier_id(%barrier3A_62)
    %mul3A_63 = arith.constant 640 : i32
    %mul3A_64 = arith.muli %arg1, %mul3A_63 : i32
    %mul3A_65 = arith.constant 640 : i32
    %mul3A_66 = arith.muli %arg1, %mul3A_65 : i32
    "tpu.region"() ({
      %run_scoped3A = tpu.sem_alloc : memref<!tpu.dma_semaphore, #tpu.memory_space<semaphore_mem>>
      %dma_start3A_67 = arith.constant 0 : i32
      %dma_start3A_68 = tpu.memref_slice %arg6[%arg0, %mul3A_66, %dma_start3A_67] : memref<2x10240x128xf32, #tpu.memory_space<hbm>> -> memref<1x640x128xf32, #tpu.memory_space<hbm>>
      %dma_start3A_69 = tpu.memref_squeeze %dma_start3A_68 : memref<1x640x128xf32, #tpu.memory_space<hbm>> -> memref<640x128xf32, #tpu.memory_space<hbm>>
      %dma_start3A_70 = arith.constant 0 : i32
      %dma_start3A_71 = tpu.memref_slice %arg13[%mul3A_64, %dma_start3A_70] : memref<10240x128xf32, #tpu.memory_space<vmem_shared>> -> memref<640x128xf32, #tpu.memory_space<vmem_shared>>
      tpu.enqueue_dma source(%dma_start3A_71 : memref<640x128xf32, #tpu.memory_space<vmem_shared>>) target(%dma_start3A_69 : memref<640x128xf32, #tpu.memory_space<hbm>>) target_semaphore(%run_scoped3A : memref<!tpu.dma_semaphore, #tpu.memory_space<semaphore_mem>>)
      %dma_wait3A = arith.constant 0 : i32
      %dma_wait3A_72 = tpu.memref_slice %arg6[%arg0, %mul3A_66, %dma_wait3A] : memref<2x10240x128xf32, #tpu.memory_space<hbm>> -> memref<1x640x128xf32, #tpu.memory_space<hbm>>
      %dma_wait3A_73 = tpu.memref_squeeze %dma_wait3A_72 : memref<1x640x128xf32, #tpu.memory_space<hbm>> -> memref<640x128xf32, #tpu.memory_space<hbm>>
      %dma_wait3A_74 = arith.constant 0 : i32
      %dma_wait3A_75 = tpu.memref_slice %arg13[%mul3A_64, %dma_wait3A_74] : memref<10240x128xf32, #tpu.memory_space<vmem_shared>> -> memref<640x128xf32, #tpu.memory_space<vmem_shared>>
      tpu.wait_dma2 semaphore(%run_scoped3A : memref<!tpu.dma_semaphore, #tpu.memory_space<semaphore_mem>>) src(%dma_wait3A_75 : memref<640x128xf32, #tpu.memory_space<vmem_shared>>) dst(%dma_wait3A_73 : memref<640x128xf32, #tpu.memory_space<hbm>>)
      tpu.yield
    }) : () -> ()
    return
  }
}

module attributes {stable_mosaic.version = 14 : i64} {
  func.func @_tc_scale_mm_body(%arg0: i32, %arg1: memref<2x1024x1xf32, #tpu.memory_space<vmem>>, %arg2: memref<1024x128xf32, #tpu.memory_space<vmem>>, %arg3: memref<128x128xf32, #tpu.memory_space<vmem>>, %arg4: memref<1024x128xf32, #tpu.memory_space<vmem>>) attributes {dimension_semantics = [#tpu.dimension_semantics<arbitrary>], iteration_bounds = array<i64: 10>, scalar_prefetch = 0 : i64, scratch_operands = 0 : i64, tpu.core_type = #tpu.core_type<tc>, window_params = [{transform_indices = @transform_0, window_bounds = array<i64: 2, 1024, 1>}, {transform_indices = @transform_1, window_bounds = array<i64: 1024, 128>}, {pipeline_mode = #tpu.pipeline_mode<synchronous>, transform_indices = @transform_2, window_bounds = array<i64: 128, 128>}, {transform_indices = @transform_3, window_bounds = array<i64: 1024, 128>}]} {
    %get3A = arith.constant 0 : index
    %get3A_0 = arith.constant 0 : index
    %get3A_1 = vector.load %arg2[%get3A, %get3A_0] : memref<1024x128xf32, #tpu.memory_space<vmem>>, vector<1024x128xf32>
    %get3A_2 = arith.constant 0 : index
    %get3A_3 = arith.constant 0 : index
    %get3A_4 = vector.load %arg3[%get3A_2, %get3A_3] : memref<128x128xf32, #tpu.memory_space<vmem>>, vector<128x128xf32>
    %dot_general3A = arith.constant dense<0.000000e+00> : vector<1024x128xf32>
    %dot_general3A_5 = tpu.matmul %get3A_1, %get3A_4, %dot_general3A {dimension_numbers = #tpu.dot_dimension_numbers<[1], [0], [0], [1], [0, 0, 1, 1], [], []>, transpose_lhs_hint = false} : vector<1024x128xf32>, vector<128x128xf32>, vector<1024x128xf32> -> vector<1024x128xf32>
    %get3A_6 = arith.constant 0 : index
    %get3A_7 = arith.constant 0 : index
    %get3A_8 = arith.constant 0 : index
    %get3A_9 = vector.load %arg1[%get3A_6, %get3A_7, %get3A_8] : memref<2x1024x1xf32, #tpu.memory_space<vmem>>, vector<1x1024x1xf32>
    %get3A_10 = vector.shape_cast %get3A_9 : vector<1x1024x1xf32> to vector<1024x1xf32>
    %get3A_11 = arith.constant 1 : index
    %get3A_12 = arith.constant 0 : index
    %get3A_13 = arith.constant 0 : index
    %get3A_14 = vector.load %arg1[%get3A_11, %get3A_12, %get3A_13] : memref<2x1024x1xf32, #tpu.memory_space<vmem>>, vector<1x1024x1xf32>
    %get3A_15 = vector.shape_cast %get3A_14 : vector<1x1024x1xf32> to vector<1024x1xf32>
    %add3A = arith.addf %get3A_10, %get3A_15 : vector<1024x1xf32>
    %add3A_16 = arith.constant 1.000000e+00 : f32
    %add3A_17 = vector.broadcast %add3A_16 : f32 to vector<1024x1xf32>
    %add3A_18 = arith.addf %add3A, %add3A_17 : vector<1024x1xf32>
    %rsqrt3A = math.rsqrt %add3A_18 : vector<1024x1xf32>
    %mul3A = vector.broadcast %rsqrt3A : vector<1024x1xf32> to vector<1024x128xf32>
    %mul3A_19 = arith.mulf %dot_general3A_5, %mul3A : vector<1024x128xf32>
    %swap3A = arith.constant 0 : index
    %swap3A_20 = arith.constant 0 : index
    %swap3A_21 = vector.load %arg4[%swap3A, %swap3A_20] : memref<1024x128xf32, #tpu.memory_space<vmem>>, vector<1024x128xf32>
    tpu.vector_store %arg4[%swap3A, %swap3A_20], %mul3A_19 {strides = array<i32>} : memref<1024x128xf32, #tpu.memory_space<vmem>>, vector<1024x128xf32>,
    return
  }
  func.func @transform_0(%arg0: i32) -> (i32, i32, i32) {
    %c0_i32 = arith.constant 0 : i32
    %c0_i32_0 = arith.constant 0 : i32
    %c0_i32_1 = arith.constant 0 : i32
    return %c0_i32, %arg0, %c0_i32_0 : i32, i32, i32
  }
  func.func @transform_1(%arg0: i32) -> (i32, i32) {
    %c0_i32 = arith.constant 0 : i32
    %c0_i32_0 = arith.constant 0 : i32
    return %arg0, %c0_i32 : i32, i32
  }
  func.func @transform_2(%arg0: i32) -> (i32, i32) {
    %c0_i32 = arith.constant 0 : i32
    %c0_i32_0 = arith.constant 0 : i32
    %c0_i32_1 = arith.constant 0 : i32
    return %c0_i32, %c0_i32_0 : i32, i32
  }
  func.func @transform_3(%arg0: i32) -> (i32, i32) {
    %c0_i32 = arith.constant 0 : i32
    %c0_i32_0 = arith.constant 0 : i32
    return %arg0, %c0_i32 : i32, i32
  }
}

module attributes {stable_mosaic.version = 14 : i64} {
  func.func @_tc_mid_body(%arg0: i32, %arg1: memref<2x1024x1xf32, #tpu.memory_space<vmem>>, %arg2: memref<2x1024x128xf32, #tpu.memory_space<vmem>>, %arg3: memref<1024x128xf32, #tpu.memory_space<vmem>>, %arg4: memref<1x128xf32, #tpu.memory_space<vmem>>, %arg5: memref<128x128xf32, #tpu.memory_space<vmem>>, %arg6: memref<1024x128xf32, #tpu.memory_space<vmem>>) attributes {dimension_semantics = [#tpu.dimension_semantics<arbitrary>], iteration_bounds = array<i64: 10>, scalar_prefetch = 0 : i64, scratch_operands = 0 : i64, tpu.core_type = #tpu.core_type<tc>, window_params = [{transform_indices = @transform_0, window_bounds = array<i64: 2, 1024, 1>}, {transform_indices = @transform_1, window_bounds = array<i64: 2, 1024, 128>}, {transform_indices = @transform_2, window_bounds = array<i64: 1024, 128>}, {pipeline_mode = #tpu.pipeline_mode<synchronous>, transform_indices = @transform_3, window_bounds = array<i64: 1, 128>}, {pipeline_mode = #tpu.pipeline_mode<synchronous>, transform_indices = @transform_4, window_bounds = array<i64: 128, 128>}, {transform_indices = @transform_5, window_bounds = array<i64: 1024, 128>}]} {
    %get3A = arith.constant 0 : index
    %get3A_0 = arith.constant 0 : index
    %get3A_1 = arith.constant 0 : index
    %get3A_2 = vector.load %arg1[%get3A, %get3A_0, %get3A_1] : memref<2x1024x1xf32, #tpu.memory_space<vmem>>, vector<1x1024x1xf32>
    %get3A_3 = vector.shape_cast %get3A_2 : vector<1x1024x1xf32> to vector<1024x1xf32>
    %get3A_4 = arith.constant 1 : index
    %get3A_5 = arith.constant 0 : index
    %get3A_6 = arith.constant 0 : index
    %get3A_7 = vector.load %arg1[%get3A_4, %get3A_5, %get3A_6] : memref<2x1024x1xf32, #tpu.memory_space<vmem>>, vector<1x1024x1xf32>
    %get3A_8 = vector.shape_cast %get3A_7 : vector<1x1024x1xf32> to vector<1024x1xf32>
    %add3A = arith.addf %get3A_3, %get3A_8 : vector<1024x1xf32>
    %add3A_9 = arith.constant 1.000000e+00 : f32
    %add3A_10 = vector.broadcast %add3A_9 : f32 to vector<1024x1xf32>
    %add3A_11 = arith.addf %add3A, %add3A_10 : vector<1024x1xf32>
    %rsqrt3A = math.rsqrt %add3A_11 : vector<1024x1xf32>
    %get3A_12 = arith.constant 0 : index
    %get3A_13 = arith.constant 0 : index
    %get3A_14 = arith.constant 0 : index
    %get3A_15 = vector.load %arg2[%get3A_12, %get3A_13, %get3A_14] : memref<2x1024x128xf32, #tpu.memory_space<vmem>>, vector<1x1024x128xf32>
    %get3A_16 = vector.shape_cast %get3A_15 : vector<1x1024x128xf32> to vector<1024x128xf32>
    %get3A_17 = arith.constant 1 : index
    %get3A_18 = arith.constant 0 : index
    %get3A_19 = arith.constant 0 : index
    %get3A_20 = vector.load %arg2[%get3A_17, %get3A_18, %get3A_19] : memref<2x1024x128xf32, #tpu.memory_space<vmem>>, vector<1x1024x128xf32>
    %get3A_21 = vector.shape_cast %get3A_20 : vector<1x1024x128xf32> to vector<1024x128xf32>
    %add3A_22 = arith.addf %get3A_16, %get3A_21 : vector<1024x128xf32>
    %get3A_23 = arith.constant 0 : index
    %get3A_24 = arith.constant 0 : index
    %get3A_25 = vector.load %arg3[%get3A_23, %get3A_24] : memref<1024x128xf32, #tpu.memory_space<vmem>>, vector<1024x128xf32>
    %add3A_26 = arith.addf %add3A_22, %get3A_25 : vector<1024x128xf32>
    %mul3A = vector.broadcast %rsqrt3A : vector<1024x1xf32> to vector<1024x128xf32>
    %mul3A_27 = arith.mulf %add3A_26, %mul3A : vector<1024x128xf32>
    %get3A_28 = arith.constant 0 : index
    %get3A_29 = arith.constant 0 : index
    %get3A_30 = vector.load %arg4[%get3A_28, %get3A_29] : memref<1x128xf32, #tpu.memory_space<vmem>>, vector<1x128xf32>
    %add3A_31 = vector.broadcast %get3A_30 : vector<1x128xf32> to vector<1024x128xf32>
    %add3A_32 = arith.addf %mul3A_27, %add3A_31 : vector<1024x128xf32>
    %ge3A = arith.constant 0.000000e+00 : f32
    %ge3A_33 = vector.broadcast %ge3A : f32 to vector<1024x128xf32>
    %ge3A_34 = arith.cmpf oge, %add3A_32, %ge3A_33 : vector<1024x128xf32>
    %mul3A_35 = arith.constant 0.00999999977 : f32
    %mul3A_36 = vector.broadcast %mul3A_35 : f32 to vector<1024x128xf32>
    %mul3A_37 = arith.mulf %mul3A_36, %add3A_32 : vector<1024x128xf32>
    %select_n3A = arith.select %ge3A_34, %add3A_32, %mul3A_37 : vector<1024x128xi1>, vector<1024x128xf32>
    %get3A_38 = arith.constant 0 : index
    %get3A_39 = arith.constant 0 : index
    %get3A_40 = vector.load %arg5[%get3A_38, %get3A_39] : memref<128x128xf32, #tpu.memory_space<vmem>>, vector<128x128xf32>
    %dot_general3A = arith.constant dense<0.000000e+00> : vector<1024x128xf32>
    %dot_general3A_41 = tpu.matmul %select_n3A, %get3A_40, %dot_general3A {dimension_numbers = #tpu.dot_dimension_numbers<[1], [0], [0], [1], [0, 0, 1, 1], [], []>, transpose_lhs_hint = false} : vector<1024x128xf32>, vector<128x128xf32>, vector<1024x128xf32> -> vector<1024x128xf32>
    %mul3A_42 = vector.broadcast %rsqrt3A : vector<1024x1xf32> to vector<1024x128xf32>
    %mul3A_43 = arith.mulf %dot_general3A_41, %mul3A_42 : vector<1024x128xf32>
    %swap3A = arith.constant 0 : index
    %swap3A_44 = arith.constant 0 : index
    %swap3A_45 = vector.load %arg6[%swap3A, %swap3A_44] : memref<1024x128xf32, #tpu.memory_space<vmem>>, vector<1024x128xf32>
    tpu.vector_store %arg6[%swap3A, %swap3A_44], %mul3A_43 {strides = array<i32>} : memref<1024x128xf32, #tpu.memory_space<vmem>>, vector<1024x128xf32>,
    return
  }
  func.func @transform_0(%arg0: i32) -> (i32, i32, i32) {
    %c0_i32 = arith.constant 0 : i32
    %c0_i32_0 = arith.constant 0 : i32
    %c0_i32_1 = arith.constant 0 : i32
    return %c0_i32, %arg0, %c0_i32_0 : i32, i32, i32
  }
  func.func @transform_1(%arg0: i32) -> (i32, i32, i32) {
    %c0_i32 = arith.constant 0 : i32
    %c0_i32_0 = arith.constant 0 : i32
    %c0_i32_1 = arith.constant 0 : i32
    return %c0_i32, %arg0, %c0_i32_0 : i32, i32, i32
  }
  func.func @transform_2(%arg0: i32) -> (i32, i32) {
    %c0_i32 = arith.constant 0 : i32
    %c0_i32_0 = arith.constant 0 : i32
    return %arg0, %c0_i32 : i32, i32
  }
  func.func @transform_3(%arg0: i32) -> (i32, i32) {
    %c0_i32 = arith.constant 0 : i32
    %c0_i32_0 = arith.constant 0 : i32
    %c0_i32_1 = arith.constant 0 : i32
    return %c0_i32, %c0_i32_0 : i32, i32
  }
  func.func @transform_4(%arg0: i32) -> (i32, i32) {
    %c0_i32 = arith.constant 0 : i32
    %c0_i32_0 = arith.constant 0 : i32
    %c0_i32_1 = arith.constant 0 : i32
    return %c0_i32, %c0_i32_0 : i32, i32
  }
  func.func @transform_5(%arg0: i32) -> (i32, i32) {
    %c0_i32 = arith.constant 0 : i32
    %c0_i32_0 = arith.constant 0 : i32
    return %arg0, %c0_i32 : i32, i32
  }
}

module attributes {stable_mosaic.version = 14 : i64} {
  func.func @_tc_out_body(%arg0: i32, %arg1: memref<2x1024x1xf32, #tpu.memory_space<vmem>>, %arg2: memref<2x1024x128xf32, #tpu.memory_space<vmem>>, %arg3: memref<1024x128xf32, #tpu.memory_space<vmem>>, %arg4: memref<1x128xf32, #tpu.memory_space<vmem>>, %arg5: memref<1024x128xf32, #tpu.memory_space<vmem>>) attributes {dimension_semantics = [#tpu.dimension_semantics<arbitrary>], iteration_bounds = array<i64: 10>, scalar_prefetch = 0 : i64, scratch_operands = 0 : i64, tpu.core_type = #tpu.core_type<tc>, window_params = [{transform_indices = @transform_0, window_bounds = array<i64: 2, 1024, 1>}, {transform_indices = @transform_1, window_bounds = array<i64: 2, 1024, 128>}, {transform_indices = @transform_2, window_bounds = array<i64: 1024, 128>}, {pipeline_mode = #tpu.pipeline_mode<synchronous>, transform_indices = @transform_3, window_bounds = array<i64: 1, 128>}, {transform_indices = @transform_4, window_bounds = array<i64: 1024, 128>}]} {
    %get3A = arith.constant 0 : index
    %get3A_0 = arith.constant 0 : index
    %get3A_1 = arith.constant 0 : index
    %get3A_2 = vector.load %arg1[%get3A, %get3A_0, %get3A_1] : memref<2x1024x1xf32, #tpu.memory_space<vmem>>, vector<1x1024x1xf32>
    %get3A_3 = vector.shape_cast %get3A_2 : vector<1x1024x1xf32> to vector<1024x1xf32>
    %get3A_4 = arith.constant 1 : index
    %get3A_5 = arith.constant 0 : index
    %get3A_6 = arith.constant 0 : index
    %get3A_7 = vector.load %arg1[%get3A_4, %get3A_5, %get3A_6] : memref<2x1024x1xf32, #tpu.memory_space<vmem>>, vector<1x1024x1xf32>
    %get3A_8 = vector.shape_cast %get3A_7 : vector<1x1024x1xf32> to vector<1024x1xf32>
    %add3A = arith.addf %get3A_3, %get3A_8 : vector<1024x1xf32>
    %add3A_9 = arith.constant 1.000000e+00 : f32
    %add3A_10 = vector.broadcast %add3A_9 : f32 to vector<1024x1xf32>
    %add3A_11 = arith.addf %add3A, %add3A_10 : vector<1024x1xf32>
    %rsqrt3A = math.rsqrt %add3A_11 : vector<1024x1xf32>
    %get3A_12 = arith.constant 0 : index
    %get3A_13 = arith.constant 0 : index
    %get3A_14 = arith.constant 0 : index
    %get3A_15 = vector.load %arg2[%get3A_12, %get3A_13, %get3A_14] : memref<2x1024x128xf32, #tpu.memory_space<vmem>>, vector<1x1024x128xf32>
    %get3A_16 = vector.shape_cast %get3A_15 : vector<1x1024x128xf32> to vector<1024x128xf32>
    %get3A_17 = arith.constant 1 : index
    %get3A_18 = arith.constant 0 : index
    %get3A_19 = arith.constant 0 : index
    %get3A_20 = vector.load %arg2[%get3A_17, %get3A_18, %get3A_19] : memref<2x1024x128xf32, #tpu.memory_space<vmem>>, vector<1x1024x128xf32>
    %get3A_21 = vector.shape_cast %get3A_20 : vector<1x1024x128xf32> to vector<1024x128xf32>
    %add3A_22 = arith.addf %get3A_16, %get3A_21 : vector<1024x128xf32>
    %get3A_23 = arith.constant 0 : index
    %get3A_24 = arith.constant 0 : index
    %get3A_25 = vector.load %arg3[%get3A_23, %get3A_24] : memref<1024x128xf32, #tpu.memory_space<vmem>>, vector<1024x128xf32>
    %add3A_26 = arith.addf %add3A_22, %get3A_25 : vector<1024x128xf32>
    %mul3A = vector.broadcast %rsqrt3A : vector<1024x1xf32> to vector<1024x128xf32>
    %mul3A_27 = arith.mulf %add3A_26, %mul3A : vector<1024x128xf32>
    %get3A_28 = arith.constant 0 : index
    %get3A_29 = arith.constant 0 : index
    %get3A_30 = vector.load %arg4[%get3A_28, %get3A_29] : memref<1x128xf32, #tpu.memory_space<vmem>>, vector<1x128xf32>
    %add3A_31 = vector.broadcast %get3A_30 : vector<1x128xf32> to vector<1024x128xf32>
    %add3A_32 = arith.addf %mul3A_27, %add3A_31 : vector<1024x128xf32>
    %swap3A = arith.constant 0 : index
    %swap3A_33 = arith.constant 0 : index
    %swap3A_34 = vector.load %arg5[%swap3A, %swap3A_33] : memref<1024x128xf32, #tpu.memory_space<vmem>>, vector<1024x128xf32>
    tpu.vector_store %arg5[%swap3A, %swap3A_33], %add3A_32 {strides = array<i32>} : memref<1024x128xf32, #tpu.memory_space<vmem>>, vector<1024x128xf32>,
    return
  }
  func.func @transform_0(%arg0: i32) -> (i32, i32, i32) {
    %c0_i32 = arith.constant 0 : i32
    %c0_i32_0 = arith.constant 0 : i32
    %c0_i32_1 = arith.constant 0 : i32
    return %c0_i32, %arg0, %c0_i32_0 : i32, i32, i32
  }
  func.func @transform_1(%arg0: i32) -> (i32, i32, i32) {
    %c0_i32 = arith.constant 0 : i32
    %c0_i32_0 = arith.constant 0 : i32
    %c0_i32_1 = arith.constant 0 : i32
    return %c0_i32, %arg0, %c0_i32_0 : i32, i32, i32
  }
  func.func @transform_2(%arg0: i32) -> (i32, i32) {
    %c0_i32 = arith.constant 0 : i32
    %c0_i32_0 = arith.constant 0 : i32
    return %arg0, %c0_i32 : i32, i32
  }
  func.func @transform_3(%arg0: i32) -> (i32, i32) {
    %c0_i32 = arith.constant 0 : i32
    %c0_i32_0 = arith.constant 0 : i32
    %c0_i32_1 = arith.constant 0 : i32
    return %c0_i32, %c0_i32_0 : i32, i32
  }
  func.func @transform_4(%arg0: i32) -> (i32, i32) {
    %c0_i32 = arith.constant 0 : i32
    %c0_i32_0 = arith.constant 0 : i32
    return %arg0, %c0_i32 : i32, i32
  }
}

</mosaic_0001>

<sc_bundles>
// kernel: kernel.11.cloned.1.call-start
scs
__scs_entry_jumppad:
0x0: {  	(pc) =	sbr.rel $0x88, $3  }
0x1: {  	(tag) =	ssettag $0x0;
	lr =	simm.s32 $0x1  }
0x2: {  	[smem:$0x3F9B] =	sst lr;
	_ =	strace $0xD0000000  }
0x3: {  	_ = 	snop  }
0x4: {  	_ = 	snop  }
0x5: {  	_ = 	snop  }
0x6: {  	_ = 	snop  }
0x7: {  	_ = 	snop  }
__scs_overlays_trampoline_lowered:
0x8: {  	[smem:$0x3FAA] =	sst s0  }
0x9: {  	[smem:$0x3FAB] =	sst s1  }
0xa: {  	[smem:$0x3FAC] =	sst s2  }
0xb: {  	[smem:$0x3FAD] =	sst s3  }
0xc: {  	[smem:$0x3FAE] =	sst s4  }
0xd: {  	[smem:$0x3FAF] =	sst s5  }
0xe: {  	[smem:$0x3FB0] =	sst s6  }
0xf: {  	[smem:$0x3FB1] =	sst s7  }
0x10: {  	[smem:$0x3FB2] =	sst s8  }
0x11: {  	[smem:$0x3FB3] =	sst s9;
	s0 =	simm.s32 @!p0 $0x0  }
0x12: {  	s1 =	sld [smem:$0x3F99];
	s0 =	simm.s32 @p0 $0x1  }
0x13: {  	[smem:$0x3FB4] =	sst s0;
	s0 =	simm.s32 @!p1 $0x0  }
0x14: {  	s2 =	sld [smem:$0x3F98];
	s0 =	simm.s32 @p1 $0x1  }
0x15: {  	[smem:$0x3FB5] =	sst s0;
	s0 =	simm.s32 @!p2 $0x0  }
0x16: {  	s3 =	sld [smem:$0x3FDB];
	s0 =	simm.s32 @p2 $0x1  }
0x17: {  	s4 =	simm.s32 $0x1BF5;
	[smem:$0x3FB7] =	sst s0  }
0x18: {  	s0 =	sld [smem:$0x3F9A];
	_ =	swait.ge [sflag:s4], $0x0  }
0x19: {  	s7 =	sld [smem:$0x3F9B]  }
0x1a: {  	s8 =	sadd.s32 $0xFFFFE003, lr  }
0x1b: {  	s9 =	sadd.s32 $0xFFFFFEF7, lr;
	s5 =	simm.s32 $0xFFFFFFFF;
	p2 =	slt.u32 s8, $0xFFFFF086  }
0x1c: {  	p1 =	slt.u32 s9, $0xF7A;
	s5 =	simm.s32 @!p2 $0x0  }
0x1d: {  	s5 =	simm.s32 @p1 $0x1;
	p0 =	seq.s32 s7, s2  }
0x1e: {  	s7 =	smul.u32 @!p0 $0xF7A, s2;
	p2 =	seq.s32 @!p0 s5, $0x0  }
0x1f: {  	s9 =	smul.u32 $0xF7A, s1;
	s8 =	simm.s32 @!p0 $0x1BF5;
	p2 =	por !p2, p0  }
0x20: {  	[sflag:s8] =	ssyncset.s32 @!p0 $0xFFFFF086;
	s6 =	sadd.s32 @!p0 s3, s7;
	s7 =	simm.s32 @!p0 $0x108  }
0x21: {  	s3 =	sadd.s32 s3, s9;
	s6 =	sadd.s32 @!p0 $0x88, s6;
	s7 =	simm.s32 @p2 $0x1082  }
0x22: {  	[simem:s7], [sflag:s8] =	dma.local @!p0 [hbm:s6], $0xF7A  }
0x23: {  	s9 =	sor.u32 $0xD0000000, s2;
	s6 =	simm.s32 $0x108;
	_ =	swait.ge @!p0 [sflag:s8], $0x0  }
0x24: {  	s3 =	sadd.s32 $0x88, s3;
	s6 =	simm.s32 @!p1 $0x1082;
	[sflag:s4] =	ssyncset.s32 $0xFFFFF086  }
0x25: {  	[simem:s6], [sflag:s4] =	dma.local [hbm:s3], $0xF7A  }
0x26: {  	[smem:$0x3F9B] =	sst s1;
	(tag) =	ssettag s2;
	_ =	strace s9  }
0x27: {  	s1 =	sld [smem:$0x3FAB]  }
0x28: {  	s2 =	sld [smem:$0x3FAC]  }
0x29: {  	s4 =	sld [smem:$0x3FAE]  }
0x2a: {  	p0 =	seq.s32 s5, $0x0;
	s5 =	sld [smem:$0x3FAF]  }
0x2b: {  	s6 =	sld [smem:$0x3FB0]  }
0x2c: {  	s7 =	sld [smem:$0x3FB1]  }
0x2d: {  	s3 =	simm.s32 $0x108;
	s8 =	sld [smem:$0x3FB2]  }
0x2e: {  	s3 =	simm.s32 @!p0 $0x1082;
	s9 =	sld [smem:$0x3FB3]  }
0x2f: {  	lr =	sadd.s32 s0, s3;
	s0 =	sld [smem:$0x3FAA]  }
0x30: {  	s3 =	sld [smem:$0x3FAD]  }
0x31: {  	[smem:$0x3FB6] =	sst s10  }
0x32: {  	s10 =	sld [smem:$0x3FB4];
	_ =	sdelay $0x3  }
0x33: {  	p0 =	seq.s32 s10, $0x1;
	s10 =	sld [smem:$0x3FB6];
	_ =	sdelay $0x3  }
0x34: {  	[smem:$0x3FB6] =	sst s10  }
0x35: {  	s10 =	sld [smem:$0x3FB5];
	_ =	sdelay $0x3  }
0x36: {  	p1 =	seq.s32 s10, $0x1;
	s10 =	sld [smem:$0x3FB6];
	_ =	sdelay $0x3  }
0x37: {  	[smem:$0x3FB6] =	sst s10  }
0x38: {  	s10 =	sld [smem:$0x3FB7]  }
0x39: {  	_ = 	snop;
	(pc) =	sbr.ind lr, $3  }
0x3a: {  	_ = 	snop  }
0x3b: {  	_ = 	snop  }
0x3c: {  	p2 =	seq.s32 s10, $0x1;
	s10 =	sld [smem:$0x3FB6]  }
0x3d: {  	_ =	shalt  }
0x3e: {  	_ =	shalt  }
0x3f: {  	_ =	shalt  }
0x40: {  	_ =	shalt  }
0x41: {  	_ =	shalt  }
0x42: {  	_ =	shalt  }
0x43: {  	_ =	shalt  }
0x44: {  	_ =	shalt  }
0x45: {  	_ =	shalt  }
0x46: {  	_ =	shalt  }
0x47: {  	_ =	shalt  }
0x48: {  	_ =	shalt  }
0x49: {  	_ =	shalt  }
0x4a: {  	_ =	shalt  }
0x4b: {  	_ =	shalt  }
0x4c: {  	_ =	shalt  }
0x4d: {  	_ =	shalt  }
0x4e: {  	_ =	shalt  }
0x4f: {  	_ =	shalt  }
0x50: {  	_ =	shalt  }
0x51: {  	_ =	shalt  }
0x52: {  	_ =	shalt  }
0x53: {  	_ =	shalt  }
0x54: {  	_ =	shalt  }
0x55: {  	_ =	shalt  }
0x56: {  	_ =	shalt  }
0x57: {  	_ =	shalt  }
0x58: {  	_ =	shalt  }
0x59: {  	_ =	shalt  }
0x5a: {  	_ =	shalt  }
0x5b: {  	_ =	shalt  }
0x5c: {  	_ =	shalt  }
0x5d: {  	_ =	shalt  }
0x5e: {  	_ =	shalt  }
0x5f: {  	_ =	shalt  }
0x60: {  	_ =	shalt  }
0x61: {  	_ =	shalt  }
0x62: {  	_ =	shalt  }
0x63: {  	_ =	shalt  }
0x64: {  	_ =	shalt  }
0x65: {  	_ =	shalt  }
0x66: {  	_ =	shalt  }
0x67: {  	_ =	shalt  }
0x68: {  	_ =	shalt  }
0x69: {  	_ =	shalt  }
0x6a: {  	_ =	shalt  }
0x6b: {  	_ =	shalt  }
0x6c: {  	_ =	shalt  }
0x6d: {  	_ =	shalt  }
0x6e: {  	_ =	shalt  }
0x6f: {  	_ =	shalt  }
0x70: {  	_ =	shalt  }
0x71: {  	_ =	shalt  }
0x72: {  	_ =	shalt  }
0x73: {  	_ =	shalt  }
0x74: {  	_ =	shalt  }
0x75: {  	_ =	shalt  }
0x76: {  	_ =	shalt  }
0x77: {  	_ =	shalt  }
0x78: {  	_ =	shalt  }
0x79: {  	_ =	shalt  }
0x7a: {  	_ =	shalt  }
0x7b: {  	_ =	shalt  }
0x7c: {  	_ =	shalt  }
0x7d: {  	_ =	shalt  }
0x7e: {  	_ =	shalt  }
0x7f: {  	_ =	shalt  }
0x80: {  	_ =	shalt  }
0x81: {  	_ =	shalt  }
0x82: {  	_ =	shalt  }
0x83: {  	_ =	shalt  }
0x84: {  	_ =	shalt  }
0x85: {  	_ =	shalt  }
0x86: {  	_ =	shalt  }
0x87: {  	_ =	shalt  }
.Lfunc_end0:
.L_simem_size_0:
called_computation.1_lowered:
.L_overlay_start_0:
0x88: {  	s2 =	sld [smem:$0x3FD9]  }
0x89: {  	s3 =	sld [smem:$0x3FFE];
	_ =	sdelay $0x1  }
0x8a: {  	s1 =	srdreg.scid  }
0x8b: {  	s0 =	sand.u32 $0x1, s1  }
0x8c: {  	s17 =	sshll.u32 s0, $0xA;
	s2 =	sadd.s32 s3, s2  }
0x8d: {  	s2 =	sadd.s32 s2, s17  }
0x8e: {  	[smem:$0x3FC2] =	sst s2  }
0x8f: {  	_ = 	snop  }
0x90: {  	s2 =	sld [smem:$0x3FD0];
	(tm) =	ssettm $0x1  }
0x91: {  	s18 =	sld [smem:$0x3FFB];
	_ =	sdelay $0x3  }
0x92: {  	_ =	strace s18  }
0x93: {  	s3 =	sld [smem:$0x3FFC];
	_ =	sdelay $0x3  }
0x94: {  	_ =	strace s3  }
0x95: {  	s3 =	sld [smem:$0x3FFD];
	_ =	sdelay $0x3  }
0x96: {  	_ =	strace s3  }
0x97: {  	_ =	strace $0x8FFFFFFF  }
0x98: {  	s19 =	sld [smem:$0x3FDB];
	_ =	sdelay $0x1  }
0x99: {  	s4 =	simm.s32 $_scs_section_size  }
0x9a: {  	s5 =	simm.s32 $_size__tile_overlayer_lowered;
	s6 =	simm.s32 $_tile_overlayer_lowered  }
0x9b: {  	s22 =	simm.s32 $0x1BFF;
	s21 =	sshll.u32 s6, $0x1;
	s3 =	sadd.s32 s4, s19  }
0x9c: {  	s7 =	simm.s32 $0x0;
	s20 =	sshll.u32 s5, $0x1;
	s5 =	sadd.s32 s21, s3  }
0x9d: {  	[timem:s7], [sflag:s22] =	dma.local [hbm:s5], s20  }
0x9e: {  	_ =	swait.ge [sflag:s22], s20  }
0x9f: {  	s4 =	ssub.s32 $0x0, s20;
	[sflag:s22] =	ssyncset.done $0x0  }
0xa0: {  	[sflag:s22] =	ssyncadd.s32 s4;
	_ =	sdelay $0x1  }
0xa1: {  	s23 =	simm.s32 $0x1B8B  }
0xa2: {  	_ =	swait.ge [sflag:s23], $0x1  }
0xa3: {  	[sflag:s23] =	ssyncset.done $0x0  }
0xa4: {  	s25 =	simm.s32 $0x1B8E;
	s24 =	sld [smem:$0x3FFE];
	[sflag:s23] =	ssyncadd.s32 $0xFFFFFFFF  }
0xa5: {  	s26 =	simm.s32 $execute0_lowered;
	[smem:$0x3FD2] =	sst s25  }
0xa6: {  	s5 =	sshll.u32 s26, $0x1;
	_ =	strace $0x80000049;
	[dreg:$0x1] =	wrdreg $0xFFFFFFFF  }
0xa7: {  	s28 =	simm.s32 $_size_execute0_lowered;
	s3 =	sadd.s32 s3, s5;
	[dreg:$0x0] =	wrdreg $0x0  }
0xa8: {  	s5 =	sshll.u32 s28, $0x1;
	[dreg:$0x2] =	wrdreg s3  }
0xa9: {  	[dreg:$0x3] =	wrdreg s5  }
0xaa: {  	[dreg:$0x4] =	wrdreg $0xC0  }
0xab: {  	_ =	task [dreg:s7], $0x5FFFF  }
0xac: {  	[dreg:$0x1] =	wrdreg $0xFFFFFFFF  }
0xad: {  	[dreg:$0x0] =	wrdreg $0x60  }
0xae: {  	[dreg:$0x2] =	wrdreg s24  }
0xaf: {  	[dreg:$0x3] =	wrdreg s2  }
0xb0: {  	[dreg:$0x4] =	wrdreg $0xBC000  }
0xb1: {  	[dreg:$0x5] =	wrdreg $0x9  }
0xb2: {  	_ =	task.clear_ibuf [dreg:s7], $0x6FFFF;
	_ =	strace $0x90000049  }
0xb3: {  	s29 =	simm.s32 $0x9;
	_ =	strace $0x8000004B  }
0xb4: {  	_ =	swait.ge [sflag:s29], $0x1  }
0xb5: {  	[sflag:s29] =	ssyncadd.s32 $0xFFFFFFFF  }
0xb6: {  	_ =	strace $0x9000004B  }
0xb7: {  	_ =	sfence  }
0xb8: {  	s30 =	sld [smem:$0x0];
	_ =	sdelay $0x2  }
0xb9: {  	s31 =	sshll.u32 s1, $0xD;
	s1 =	sshrl.u32 s1, $0x2  }
0xba: {  	s3 =	sand.u32 $0x4000, s31;
	s1 =	sadd.s32 s1, s30  }
0xbb: {  	s0 =	sor.u32 s3, s0;
	s1 =	sshll.u32 s1, $0x11  }
0xbc: {  	s0 =	sor.u32 s1, s0  }
0xbd: {  	s0 =	sadd.s32 $0x8F2B, s0  }
0xbe: {  	[sflag:s0] =	ssyncadd.remote.s32 $0x1  }
0xbf: {  	_ =	sfence.sel $0xFFFF  }
0xc0: {  	[dreg:$0x0] =	wrdreg $0xFFFFFFFF;
	(pc) =	sbr.abs _section_cstart, $3  }
0xc1: {  	[dreg:$0x1] =	wrdreg $0xFFFFFFFF  }
0xc2: {  	_ =	task.clear_ibuf [dreg:s7], $0x2FFFF;
	_ =	strace $0x9FFFFFFF  }
0xc3: {  	(tm) =	ssettm $0x7FFFFFFF  }
tec
execute0_lowered:
.L_overlay_start_1:
0x0: {  	(tag) =	ssettag $0x1  }
0x1: {  	s0 =	rddreg [dreg:$0x0]  }
0x2: {  	s1 =	rddreg [dreg:$0x1]  }
0x3: {  	s2 =	rddreg [dreg:$0x2]  }
0x4: {  	s12 =	stileid.u32;
	s4 =	srdreg.scid  }
0x5: {  	s3 =	simm.s32 $0x0;
	s14 =	simm.s32 $0x5;
	s15 =	simm.s32 $0x80  }
0x6: {  	s28 =	simm.s32 $0x4;
	s29 =	simm.s32 $0x3A00;
	s30 =	simm.s32 $0x3A80  }
0x7: {  	s31 =	simm.s32 $0x3B00;
	s5 =	smul.u32 $0x14000, s12;
	s6 =	sand.u32 $0x1, s4  }
0x8: {  	[smem:$0x7FF] =	sst s3;
	s4 =	sadd.s32 $0x17200, s0;
	s10 =	smul.u32 $0x50000, s12  }
0x9: {  	s16 =	sadd.s32 $0xD200, s0;
	s11 =	sshll.u32 s12, $0x7;
	s7 =	smul.u32 $0x140000, s6  }
0xa: {  	_ =	strace $0x8000004A;
	s9 =	ssub.s32 $0x2, s6;
	s6 =	sshll.u32 s6, $0x4  }
0xb: {  	s11 =	sand.u32 $0x380, s11;
	s8 =	sshrl.u32 s5, $0x3;
	s17 =	sshrl.u32 s9, $0x1  }
0xc: {  	s6 =	sor.u32 s12, s6;
	s18 =	sshrl.u32 s10, $0x2;
	s12 =	sshll.u32 s12, $0x6  }
0xd: {  	s5 =	sadd.s32 s5, s7;
	s8 =	sadd.s32 s8, s0;
	s19 =	sshrl.u32 s6, $0x3  }
0xe: {  	s13 =	smul.u32 $0x5000, s6;
	s6 =	sor.u32 $0x1C05, s12;
	s5 =	sshrl.u32 s5, $0x3  }
0xf: {  	s10 =	smul.u32 $0x14000, s19;
	s20 =	sadd.s32 $0x3F200, s8;
	s19 =	simm.s32 $0x3C00  }
0x10: {  	s0 =	sadd.s32 s5, s0;
	s5 =	ssub.s32 s9, s17;
	s9 =	sadd.s32 s18, s2  }
0x11: {  	[dreg:$0x4] =	wrdreg s20;
	s22 =	sshrl.u32 s13, $0x3;
	s17 =	simm.s32 $0x1400  }
0x12: {  	s18 =	simm.s32 $0x40;
	s20 =	simm.s32 $0x5C00;
	s21 =	sor.u32 s11, s10  }
0x13: {  	s8 =	sadd.s32 s1, s22;
	s11 =	sadd.s32 $0x67200, s0;
	s12 =	smax.u32 s5, $0x1  }
0x14: {  	s13 =	sshrl.u32 s9, $0x3;
	s22 =	simm.s32 $0xC0;
	s0 =	simm.s32 $0x3B80  }
0x15: {  	s10 =	sshrl.u32 s21, $0x3;
	s23 =	sadd.s32 $0xA000, s21;
	s26 =	sadd.s32 $0x500, s8  }
0x16: {  	s21 =	simm.s32 $0x7C00;
	s24 =	sadd.s32 s16, s10;
	s25 =	sshrl.u32 s23, $0x3  }
0x17: {  	[dreg:$0x7] =	wrdreg s26;
	s23 =	simm.s32 $0x9C00;
	s26 =	simm.s32 $0x3  }
0x18: {  	[dreg:$0x5] =	wrdreg s24;
	s1 =	sadd.s32 s16, s25;
	s24 =	simm.s32 $0x1  }
0x19: {  	s25 =	simm.s32 $0x2;
	[dreg:$0x6] =	wrdreg s1;
	s1 =	simm.s32 $0x0  }
.LBB2_1:
0x1a: {  	s5 =	rddreg [dreg:$0x4]  }
0x1b: {  	[spmem:s13], [sflag:s6] =	dma.local [hbm:s5], $0x2800  }
0x1c: {  	_ =	swait.ge [sflag:s14], $0x2800  }
0x1d: {  	[sflag:s14] =	ssyncset.done $0x0  }
0x1e: {  	s7 =	simm.s32 $0x400;
	s16 =	rddreg [dreg:$0x5];
	[sflag:s14] =	ssyncadd.s32 $0xFFFFD800  }
0x1f: {  	[tilespmem:s3], [sflag:$0x5] =	stream.strided.gather [hbm4b:s16+s15], $0x1400, s7, s15, $0x38;
	[tilespmem:$0x1FC00] =	vst v63  }
0x20: {  	_ =	swait.ge [sflag:s14], $0x1400  }
0x21: {  	[sflag:s14] =	ssyncset.done $0x0  }
0x22: {  	[sflag:s14] =	ssyncadd.s32 $0xFFFFEC00  }
0x23: {  	[tilespmem:s17], [sflag:$0x5] =	stream.linear.gather [hbm4b:s8+s3], $0x2800, $0x38;
	[tilespmem:$0x1FC00] =	vst v63  }
0x24: {  	_ =	swait.ge [sflag:s14], $0x2800  }
0x25: {  	[sflag:s14] =	ssyncset.done $0x0  }
0x26: {  	[sflag:s14] =	ssyncadd.s32 $0xFFFFD800  }
0x27: {  	[tilespmem:s19], [sflag:$0x1] =	stream.indirect.gather [hbm4b:s4+s18], $0x80, s3, s18, $0xb8;
	[tilespmem:$0x1FC00] =	vst v63  }
0x28: {  	_ = 	snop  }
0x29: {  	[tilespmem:s20], [sflag:$0x2] =	stream.indirect.gather [hbm4b:s4+s18], $0x80, s18, s18, $0xb8;
	[tilespmem:$0x1FC00] =	vst v63  }
0x2a: {  	_ = 	snop  }
0x2b: {  	[tilespmem:s21], [sflag:$0x3] =	stream.indirect.gather [hbm4b:s4+s18], $0x80, s15, s18, $0xb8;
	[tilespmem:$0x1FC00] =	vst v63  }
0x2c: {  	_ = 	snop  }
0x2d: {  	[tilespmem:s23], [sflag:$0x4] =	stream.indirect.gather [hbm4b:s4+s18], $0x80, s22, s18, $0xb8;
	[tilespmem:$0x1FC00] =	vst v63  }
0x2e: {  	[bflag:$0x0] =	sbarrier.arrive $0xFFFF  }
0x2f: {  	_ =	swait.ge [sflag:s24], $0x2000  }
0x30: {  	[sflag:s24] =	ssyncset.done $0x0  }
0x31: {  	s9 =	simm.s32 $0x1400;
	[sflag:s24] =	ssyncadd.s32 $0xFFFFE000  }
0x32: {  	[spmem:s2] =	stream.indirect.scatter.add.f32 [tilespmem:s19], [sflag:$0x5], $0x80, s9, s18, $0xb8;
	[tilespmem:$0x1FC00] =	vst v63  }
0x33: {  	_ =	swait.ge [sflag:s14], $0x2000  }
0x34: {  	[sflag:s14] =	ssyncset.done $0x0  }
0x35: {  	s10 =	simm.s32 $0x100;
	[sflag:s14] =	ssyncadd.s32 $0xFFFFE000  }
0x36: {  	[tilespmem:s19], [sflag:$0x1] =	stream.indirect.gather [hbm4b:s4+s18], $0x80, s10, s18, $0xb8;
	[tilespmem:$0x1FC00] =	vst v63  }
0x37: {  	_ =	swait.ge [sflag:s25], $0x2000  }
0x38: {  	[sflag:s25] =	ssyncset.done $0x0  }
0x39: {  	s16 =	simm.s32 $0x1480;
	[sflag:s25] =	ssyncadd.s32 $0xFFFFE000  }
0x3a: {  	[spmem:s2] =	stream.indirect.scatter.add.f32 [tilespmem:s20], [sflag:$0x5], $0x80, s16, s18, $0xb8;
	[tilespmem:$0x1FC00] =	vst v63  }
0x3b: {  	_ =	swait.ge [sflag:s14], $0x2000  }
0x3c: {  	[sflag:s14] =	ssyncset.done $0x0  }
0x3d: {  	s7 =	simm.s32 $0x140;
	[sflag:s14] =	ssyncadd.s32 $0xFFFFE000  }
0x3e: {  	[tilespmem:s20], [sflag:$0x2] =	stream.indirect.gather [hbm4b:s4+s18], $0x80, s7, s18, $0xb8;
	[tilespmem:$0x1FC00] =	vst v63  }
0x3f: {  	_ =	swait.ge [sflag:s26], $0x2000  }
0x40: {  	[sflag:s26] =	ssyncset.done $0x0  }
0x41: {  	s9 =	simm.s32 $0x1500;
	[sflag:s26] =	ssyncadd.s32 $0xFFFFE000  }
0x42: {  	[spmem:s2] =	stream.indirect.scatter.add.f32 [tilespmem:s21], [sflag:$0x5], $0x80, s9, s18, $0xb8;
	[tilespmem:$0x1FC00] =	vst v63  }
0x43: {  	_ =	swait.ge [sflag:s14], $0x2000  }
0x44: {  	[sflag:s14] =	ssyncset.done $0x0  }
0x45: {  	s10 =	simm.s32 $0x180;
	[sflag:s14] =	ssyncadd.s32 $0xFFFFE000  }
0x46: {  	[tilespmem:s21], [sflag:$0x3] =	stream.indirect.gather [hbm4b:s4+s18], $0x80, s10, s18, $0xb8;
	[tilespmem:$0x1FC00] =	vst v63  }
0x47: {  	_ =	swait.ge [sflag:s28], $0x2000  }
0x48: {  	[sflag:s28] =	ssyncset.done $0x0  }
0x49: {  	s16 =	simm.s32 $0x1580;
	[sflag:s28] =	ssyncadd.s32 $0xFFFFE000  }
0x4a: {  	[spmem:s2] =	stream.indirect.scatter.add.f32 [tilespmem:s23], [sflag:$0x5], $0x80, s16, s18, $0xb8;
	[tilespmem:$0x1FC00] =	vst v63  }
0x4b: {  	_ =	swait.ge [sflag:s14], $0x2000  }
0x4c: {  	s5 =	simm.s32 $0x1C0;
	[sflag:s14] =	ssyncset.done $0x0  }
0x4d: {  	s7 =	simm.s32 $0x800;
	s9 =	simm.s32 $0x2C0;
	[sflag:s14] =	ssyncadd.s32 $0xFFFFE000  }
.LBB2_2:
0x4e: {  	[tilespmem:s23], [sflag:$0x4] =	stream.indirect.gather [hbm4b:s4+s18], $0x80, s5, s18, $0xb8;
	[tilespmem:$0x1FC00] =	vst v63  }
0x4f: {  	s10 =	smov.u32 s7;
	s5 =	smov.u32 s9  }
0x50: {  	p0 =	sne.s32 s7, $0x9000;
	s7 =	sadd.s32 $0x800, s7;
	_ =	swait.ge [sflag:s24], $0x2000  }
0x51: {  	s10 =	sshra.s32 s10, $0x2;
	[sflag:s24] =	ssyncset.done $0x0  }
0x52: {  	s16 =	sadd.s32 $0x1400, s10;
	[sflag:s24] =	ssyncadd.s32 $0xFFFFE000  }
0x53: {  	[spmem:s2] =	stream.indirect.scatter.add.f32 [tilespmem:s19], [sflag:$0x5], $0x80, s16, s18, $0xb8;
	[tilespmem:$0x1FC00] =	vst v63  }
0x54: {  	_ =	swait.ge [sflag:s14], $0x2000  }
0x55: {  	[sflag:s14] =	ssyncset.done $0x0  }
0x56: {  	s16 =	sadd.s32 $0xFFFFFF40, s9;
	[sflag:s14] =	ssyncadd.s32 $0xFFFFE000  }
0x57: {  	[tilespmem:s19], [sflag:$0x1] =	stream.indirect.gather [hbm4b:s4+s18], $0x80, s16, s18, $0xb8;
	[tilespmem:$0x1FC00] =	vst v63  }
0x58: {  	_ =	swait.ge [sflag:s25], $0x2000  }
0x59: {  	[sflag:s25] =	ssyncset.done $0x0  }
0x5a: {  	s16 =	sadd.s32 $0x1480, s10;
	[sflag:s25] =	ssyncadd.s32 $0xFFFFE000  }
0x5b: {  	[spmem:s2] =	stream.indirect.scatter.add.f32 [tilespmem:s20], [sflag:$0x5], $0x80, s16, s18, $0xb8;
	[tilespmem:$0x1FC00] =	vst v63  }
0x5c: {  	_ =	swait.ge [sflag:s14], $0x2000  }
0x5d: {  	[sflag:s14] =	ssyncset.done $0x0  }
0x5e: {  	s16 =	sadd.s32 $0xFFFFFF80, s9;
	[sflag:s14] =	ssyncadd.s32 $0xFFFFE000  }
0x5f: {  	[tilespmem:s20], [sflag:$0x2] =	stream.indirect.gather [hbm4b:s4+s18], $0x80, s16, s18, $0xb8;
	[tilespmem:$0x1FC00] =	vst v63  }
0x60: {  	_ =	swait.ge [sflag:s26], $0x2000  }
0x61: {  	[sflag:s26] =	ssyncset.done $0x0  }
0x62: {  	s16 =	sadd.s32 $0x1500, s10;
	[sflag:s26] =	ssyncadd.s32 $0xFFFFE000  }
0x63: {  	[spmem:s2] =	stream.indirect.scatter.add.f32 [tilespmem:s21], [sflag:$0x5], $0x80, s16, s18, $0xb8;
	[tilespmem:$0x1FC00] =	vst v63  }
0x64: {  	_ =	swait.ge [sflag:s14], $0x2000  }
0x65: {  	[sflag:s14] =	ssyncset.done $0x0  }
0x66: {  	s16 =	sadd.s32 $0xFFFFFFC0, s9;
	[sflag:s14] =	ssyncadd.s32 $0xFFFFE000  }
0x67: {  	[tilespmem:s21], [sflag:$0x3] =	stream.indirect.gather [hbm4b:s4+s18], $0x80, s16, s18, $0xb8;
	[tilespmem:$0x1FC00] =	vst v63  }
0x68: {  	_ =	swait.ge [sflag:s28], $0x2000  }
0x69: {  	[sflag:s28] =	ssyncset.done $0x0  }
.Ltmp0:
0x6a: {  	s10 =	sadd.s32 $0x1580, s10;
	[sflag:s28] =	ssyncadd.s32 $0xFFFFE000;
	(pc) =	sbr.rel @p0 .LBB2_2-.Ltmp0, $4  }
0x6b: {  	[spmem:s2] =	stream.indirect.scatter.add.f32 [tilespmem:s23], [sflag:$0x5], $0x80, s10, s18, $0xb8;
	[tilespmem:$0x1FC00] =	vst v63  }
0x6c: {  	_ =	swait.ge [sflag:s14], $0x2000  }
0x6d: {  	[sflag:s14] =	ssyncset.done $0x0  }
0x6e: {  	s9 =	sadd.s32 $0x100, s9;
	[sflag:s14] =	ssyncadd.s32 $0xFFFFE000  }
0x6f: {  	[tilespmem:s23], [sflag:$0x4] =	stream.indirect.gather [hbm4b:s4+s18], $0x80, s5, s18, $0xb8;
	[tilespmem:$0x1FC00] =	vst v63  }
0x70: {  	_ =	swait.ge [sflag:s24], $0x2000  }
0x71: {  	[sflag:s24] =	ssyncset.done $0x0  }
0x72: {  	[sflag:s24] =	ssyncadd.s32 $0xFFFFE000  }
0x73: {  	[spmem:s2] =	stream.indirect.scatter.add.f32 [tilespmem:s19], [sflag:$0x5], $0x80, s29, s18, $0xb8;
	[tilespmem:$0x1FC00] =	vst v63  }
0x74: {  	_ =	swait.ge [sflag:s14], $0x2000  }
0x75: {  	[sflag:s14] =	ssyncset.done $0x0  }
0x76: {  	[sflag:s14] =	ssyncadd.s32 $0xFFFFE000  }
0x77: {  	_ =	swait.ge [sflag:s25], $0x2000  }
0x78: {  	[sflag:s25] =	ssyncset.done $0x0  }
0x79: {  	[sflag:s25] =	ssyncadd.s32 $0xFFFFE000  }
0x7a: {  	[spmem:s2] =	stream.indirect.scatter.add.f32 [tilespmem:s20], [sflag:$0x5], $0x80, s30, s18, $0xb8;
	[tilespmem:$0x1FC00] =	vst v63  }
0x7b: {  	_ =	swait.ge [sflag:s14], $0x2000  }
0x7c: {  	[sflag:s14] =	ssyncset.done $0x0  }
0x7d: {  	[sflag:s14] =	ssyncadd.s32 $0xFFFFE000  }
0x7e: {  	_ =	swait.ge [sflag:s26], $0x2000  }
0x7f: {  	[sflag:s26] =	ssyncset.done $0x0  }
0x80: {  	[sflag:s26] =	ssyncadd.s32 $0xFFFFE000  }
0x81: {  	[spmem:s2] =	stream.indirect.scatter.add.f32 [tilespmem:s21], [sflag:$0x5], $0x80, s31, s18, $0xb8;
	[tilespmem:$0x1FC00] =	vst v63  }
0x82: {  	_ =	swait.ge [sflag:s14], $0x2000  }
0x83: {  	[sflag:s14] =	ssyncset.done $0x0  }
0x84: {  	[sflag:s14] =	ssyncadd.s32 $0xFFFFE000  }
0x85: {  	_ =	swait.ge [sflag:s28], $0x2000  }
0x86: {  	[sflag:s28] =	ssyncset.done $0x0  }
0x87: {  	[sflag:s28] =	ssyncadd.s32 $0xFFFFE000  }
0x88: {  	[spmem:s2] =	stream.indirect.scatter.add.f32 [tilespmem:s23], [sflag:$0x5], $0x80, s0, s18, $0xb8;
	[tilespmem:$0x1FC00] =	vst v63  }
0x89: {  	_ =	swait.ge [sflag:s14], $0x2000  }
0x8a: {  	s10 =	simm.s32 $0x0;
	[sflag:s14] =	ssyncset.done $0x0  }
0x8b: {  	s9 =	simm.s32 $0x400;
	s7 =	rddreg [dreg:$0x6];
	[sflag:s14] =	ssyncadd.s32 $0xFFFFE000  }
0x8c: {  	[tilespmem:s10], [sflag:$0x5] =	stream.strided.gather [hbm4b:s7+s15], $0x1400, s9, s15, $0x38;
	[tilespmem:$0x1FC00] =	vst v63  }
0x8d: {  	_ =	swait.ge [sflag:s14], $0x1400  }
0x8e: {  	[sflag:s14] =	ssyncset.done $0x0  }
0x8f: {  	s16 =	rddreg [dreg:$0x7];
	[sflag:s14] =	ssyncadd.s32 $0xFFFFEC00  }
0x90: {  	[tilespmem:s17], [sflag:$0x5] =	stream.linear.gather [hbm4b:s16+s10], $0x2800, $0x38;
	[tilespmem:$0x1FC00] =	vst v63  }
0x91: {  	_ =	swait.ge [sflag:s14], $0x2800  }
0x92: {  	[sflag:s14] =	ssyncset.done $0x0  }
0x93: {  	[sflag:s14] =	ssyncadd.s32 $0xFFFFD800  }
0x94: {  	[tilespmem:s19], [sflag:$0x1] =	stream.indirect.gather [hbm4b:s4+s18], $0x80, s10, s18, $0xb8;
	[tilespmem:$0x1FC00] =	vst v63  }
0x95: {  	_ = 	snop  }
0x96: {  	[tilespmem:s20], [sflag:$0x2] =	stream.indirect.gather [hbm4b:s4+s18], $0x80, s18, s18, $0xb8;
	[tilespmem:$0x1FC00] =	vst v63  }
0x97: {  	_ = 	snop  }
0x98: {  	[tilespmem:s21], [sflag:$0x3] =	stream.indirect.gather [hbm4b:s4+s18], $0x80, s15, s18, $0xb8;
	[tilespmem:$0x1FC00] =	vst v63  }
0x99: {  	_ = 	snop  }
0x9a: {  	[tilespmem:s23], [sflag:$0x4] =	stream.indirect.gather [hbm4b:s4+s18], $0x80, s22, s18, $0xb8;
	[tilespmem:$0x1FC00] =	vst v63  }
0x9b: {  	_ =	swait.ge [sflag:s24], $0x2000  }
0x9c: {  	[sflag:s24] =	ssyncset.done $0x0  }
0x9d: {  	s9 =	simm.s32 $0x1400;
	[sflag:s24] =	ssyncadd.s32 $0xFFFFE000  }
0x9e: {  	[spmem:s2] =	stream.indirect.scatter.add.f32 [tilespmem:s19], [sflag:$0x5], $0x80, s9, s18, $0xb8;
	[tilespmem:$0x1FC00] =	vst v63  }
0x9f: {  	_ =	swait.ge [sflag:s14], $0x2000  }
0xa0: {  	[sflag:s14] =	ssyncset.done $0x0  }
0xa1: {  	s10 =	simm.s32 $0x100;
	[sflag:s14] =	ssyncadd.s32 $0xFFFFE000  }
0xa2: {  	[tilespmem:s19], [sflag:$0x1] =	stream.indirect.gather [hbm4b:s4+s18], $0x80, s10, s18, $0xb8;
	[tilespmem:$0x1FC00] =	vst v63  }
0xa3: {  	_ =	swait.ge [sflag:s25], $0x2000  }
0xa4: {  	[sflag:s25] =	ssyncset.done $0x0  }
0xa5: {  	s16 =	simm.s32 $0x1480;
	[sflag:s25] =	ssyncadd.s32 $0xFFFFE000  }
0xa6: {  	[spmem:s2] =	stream.indirect.scatter.add.f32 [tilespmem:s20], [sflag:$0x5], $0x80, s16, s18, $0xb8;
	[tilespmem:$0x1FC00] =	vst v63  }
0xa7: {  	_ =	swait.ge [sflag:s14], $0x2000  }
0xa8: {  	[sflag:s14] =	ssyncset.done $0x0  }
0xa9: {  	s7 =	simm.s32 $0x140;
	[sflag:s14] =	ssyncadd.s32 $0xFFFFE000  }
0xaa: {  	[tilespmem:s20], [sflag:$0x2] =	stream.indirect.gather [hbm4b:s4+s18], $0x80, s7, s18, $0xb8;
	[tilespmem:$0x1FC00] =	vst v63  }
0xab: {  	_ =	swait.ge [sflag:s26], $0x2000  }
0xac: {  	[sflag:s26] =	ssyncset.done $0x0  }
0xad: {  	s9 =	simm.s32 $0x1500;
	[sflag:s26] =	ssyncadd.s32 $0xFFFFE000  }
0xae: {  	[spmem:s2] =	stream.indirect.scatter.add.f32 [tilespmem:s21], [sflag:$0x5], $0x80, s9, s18, $0xb8;
	[tilespmem:$0x1FC00] =	vst v63  }
0xaf: {  	_ =	swait.ge [sflag:s14], $0x2000  }
0xb0: {  	[sflag:s14] =	ssyncset.done $0x0  }
0xb1: {  	s10 =	simm.s32 $0x180;
	[sflag:s14] =	ssyncadd.s32 $0xFFFFE000  }
0xb2: {  	[tilespmem:s21], [sflag:$0x3] =	stream.indirect.gather [hbm4b:s4+s18], $0x80, s10, s18, $0xb8;
	[tilespmem:$0x1FC00] =	vst v63  }
0xb3: {  	_ =	swait.ge [sflag:s28], $0x2000  }
0xb4: {  	[sflag:s28] =	ssyncset.done $0x0  }
0xb5: {  	s16 =	simm.s32 $0x1580;
	[sflag:s28] =	ssyncadd.s32 $0xFFFFE000  }
0xb6: {  	[spmem:s2] =	stream.indirect.scatter.add.f32 [tilespmem:s23], [sflag:$0x5], $0x80, s16, s18, $0xb8;
	[tilespmem:$0x1FC00] =	vst v63  }
0xb7: {  	_ =	swait.ge [sflag:s14], $0x2000  }
0xb8: {  	s5 =	simm.s32 $0x1C0;
	[sflag:s14] =	ssyncset.done $0x0  }
0xb9: {  	s7 =	simm.s32 $0x800;
	s9 =	simm.s32 $0x2C0;
	[sflag:s14] =	ssyncadd.s32 $0xFFFFE000  }
.LBB2_4:
0xba: {  	[tilespmem:s23], [sflag:$0x4] =	stream.indirect.gather [hbm4b:s4+s18], $0x80, s5, s18, $0xb8;
	[tilespmem:$0x1FC00] =	vst v63  }
0xbb: {  	s10 =	smov.u32 s7;
	s5 =	smov.u32 s9  }
0xbc: {  	p0 =	sne.s32 s7, $0x9000;
	s7 =	sadd.s32 $0x800, s7;
	_ =	swait.ge [sflag:s24], $0x2000  }
0xbd: {  	s10 =	sshra.s32 s10, $0x2;
	[sflag:s24] =	ssyncset.done $0x0  }
0xbe: {  	s16 =	sadd.s32 $0x1400, s10;
	[sflag:s24] =	ssyncadd.s32 $0xFFFFE000  }
0xbf: {  	[spmem:s2] =	stream.indirect.scatter.add.f32 [tilespmem:s19], [sflag:$0x5], $0x80, s16, s18, $0xb8;
	[tilespmem:$0x1FC00] =	vst v63  }
0xc0: {  	_ =	swait.ge [sflag:s14], $0x2000  }
0xc1: {  	[sflag:s14] =	ssyncset.done $0x0  }
0xc2: {  	s16 =	sadd.s32 $0xFFFFFF40, s9;
	[sflag:s14] =	ssyncadd.s32 $0xFFFFE000  }
0xc3: {  	[tilespmem:s19], [sflag:$0x1] =	stream.indirect.gather [hbm4b:s4+s18], $0x80, s16, s18, $0xb8;
	[tilespmem:$0x1FC00] =	vst v63  }
0xc4: {  	_ =	swait.ge [sflag:s25], $0x2000  }
0xc5: {  	[sflag:s25] =	ssyncset.done $0x0  }
0xc6: {  	s16 =	sadd.s32 $0x1480, s10;
	[sflag:s25] =	ssyncadd.s32 $0xFFFFE000  }
0xc7: {  	[spmem:s2] =	stream.indirect.scatter.add.f32 [tilespmem:s20], [sflag:$0x5], $0x80, s16, s18, $0xb8;
	[tilespmem:$0x1FC00] =	vst v63  }
0xc8: {  	_ =	swait.ge [sflag:s14], $0x2000  }
0xc9: {  	[sflag:s14] =	ssyncset.done $0x0  }
0xca: {  	s16 =	sadd.s32 $0xFFFFFF80, s9;
	[sflag:s14] =	ssyncadd.s32 $0xFFFFE000  }
0xcb: {  	[tilespmem:s20], [sflag:$0x2] =	stream.indirect.gather [hbm4b:s4+s18], $0x80, s16, s18, $0xb8;
	[tilespmem:$0x1FC00] =	vst v63  }
0xcc: {  	_ =	swait.ge [sflag:s26], $0x2000  }
0xcd: {  	[sflag:s26] =	ssyncset.done $0x0  }
0xce: {  	s16 =	sadd.s32 $0x1500, s10;
	[sflag:s26] =	ssyncadd.s32 $0xFFFFE000  }
0xcf: {  	[spmem:s2] =	stream.indirect.scatter.add.f32 [tilespmem:s21], [sflag:$0x5], $0x80, s16, s18, $0xb8;
	[tilespmem:$0x1FC00] =	vst v63  }
0xd0: {  	_ =	swait.ge [sflag:s14], $0x2000  }
0xd1: {  	[sflag:s14] =	ssyncset.done $0x0  }
0xd2: {  	s16 =	sadd.s32 $0xFFFFFFC0, s9;
	[sflag:s14] =	ssyncadd.s32 $0xFFFFE000  }
0xd3: {  	[tilespmem:s21], [sflag:$0x3] =	stream.indirect.gather [hbm4b:s4+s18], $0x80, s16, s18, $0xb8;
	[tilespmem:$0x1FC00] =	vst v63  }
0xd4: {  	_ =	swait.ge [sflag:s28], $0x2000  }
0xd5: {  	[sflag:s28] =	ssyncset.done $0x0  }
.Ltmp1:
0xd6: {  	s10 =	sadd.s32 $0x1580, s10;
	[sflag:s28] =	ssyncadd.s32 $0xFFFFE000;
	(pc) =	sbr.rel @p0 .LBB2_4-.Ltmp1, $4  }
0xd7: {  	[spmem:s2] =	stream.indirect.scatter.add.f32 [tilespmem:s23], [sflag:$0x5], $0x80, s10, s18, $0xb8;
	[tilespmem:$0x1FC00] =	vst v63  }
0xd8: {  	_ =	swait.ge [sflag:s14], $0x2000  }
0xd9: {  	[sflag:s14] =	ssyncset.done $0x0  }
0xda: {  	s9 =	sadd.s32 $0x100, s9;
	[sflag:s14] =	ssyncadd.s32 $0xFFFFE000  }
0xdb: {  	[tilespmem:s23], [sflag:$0x4] =	stream.indirect.gather [hbm4b:s4+s18], $0x80, s5, s18, $0xb8;
	[tilespmem:$0x1FC00] =	vst v63  }
0xdc: {  	_ =	swait.ge [sflag:s24], $0x2000  }
0xdd: {  	[sflag:s24] =	ssyncset.done $0x0  }
0xde: {  	[sflag:s24] =	ssyncadd.s32 $0xFFFFE000  }
0xdf: {  	[spmem:s2] =	stream.indirect.scatter.add.f32 [tilespmem:s19], [sflag:$0x5], $0x80, s29, s18, $0xb8;
	[tilespmem:$0x1FC00] =	vst v63  }
0xe0: {  	_ =	swait.ge [sflag:s14], $0x2000  }
0xe1: {  	[sflag:s14] =	ssyncset.done $0x0  }
0xe2: {  	[sflag:s14] =	ssyncadd.s32 $0xFFFFE000  }
0xe3: {  	_ =	swait.ge [sflag:s25], $0x2000  }
0xe4: {  	[sflag:s25] =	ssyncset.done $0x0  }
0xe5: {  	[sflag:s25] =	ssyncadd.s32 $0xFFFFE000  }
0xe6: {  	[spmem:s2] =	stream.indirect.scatter.add.f32 [tilespmem:s20], [sflag:$0x5], $0x80, s30, s18, $0xb8;
	[tilespmem:$0x1FC00] =	vst v63  }
0xe7: {  	_ =	swait.ge [sflag:s14], $0x2000  }
0xe8: {  	[sflag:s14] =	ssyncset.done $0x0  }
0xe9: {  	[sflag:s14] =	ssyncadd.s32 $0xFFFFE000  }
0xea: {  	_ =	swait.ge [sflag:s26], $0x2000  }
0xeb: {  	[sflag:s26] =	ssyncset.done $0x0  }
0xec: {  	[sflag:s26] =	ssyncadd.s32 $0xFFFFE000  }
0xed: {  	[spmem:s2] =	stream.indirect.scatter.add.f32 [tilespmem:s21], [sflag:$0x5], $0x80, s31, s18, $0xb8;
	[tilespmem:$0x1FC00] =	vst v63  }
0xee: {  	_ =	swait.ge [sflag:s14], $0x2000  }
0xef: {  	[sflag:s14] =	ssyncset.done $0x0  }
0xf0: {  	[sflag:s14] =	ssyncadd.s32 $0xFFFFE000  }
0xf1: {  	_ =	swait.ge [sflag:s28], $0x2000  }
0xf2: {  	[sflag:s28] =	ssyncset.done $0x0  }
0xf3: {  	[sflag:s28] =	ssyncadd.s32 $0xFFFFE000  }
0xf4: {  	[spmem:s2] =	stream.indirect.scatter.add.f32 [tilespmem:s23], [sflag:$0x5], $0x80, s0, s18, $0xb8;
	[tilespmem:$0x1FC00] =	vst v63  }
0xf5: {  	_ =	swait.ge [sflag:s14], $0x2000  }
0xf6: {  	s1 =	sadd.s32 $0x1, s1;
	[sflag:s14] =	ssyncset.done $0x0  }
0xf7: {  	p0 =	sne.s32 s1, s12;
	[sflag:s14] =	ssyncadd.s32 $0xFFFFE000  }
.Ltmp2:
0xf8: {  	[bflag:$0x0] =	sbarrier.arrive $0xFFFF;
	(pc) =	sbr.rel @p0 .LBB2_1-.Ltmp2, $4  }
0xf9: {  	[hbm:s11], [sflag:s6] =	dma.local [spmem:s13], $0x2800  }
0xfa: {  	_ =	swait.ge [sflag:s14], $0x2800  }
0xfb: {  	[sflag:s14] =	ssyncset.done $0x0  }
0xfc: {  	[sflag:s14] =	ssyncadd.s32 $0xFFFFD800  }
0xfd: {  	_ =	sfence.sel $0x180000  }
0xfe: {  	[bflag:$0x0] =	sbarrier.arrive $0xFFFF  }
0xff: {  	_ =	strace $0x9000004A  }
0x100: {  	s0 =	stileid.u32;
	[bflag:$0x2] =	sbarrier.arrive $0xFFFF  }
0x101: {  	p0 =	sne.s32 s0, $0x0;
	s0 =	rddreg [dreg:$0x3]  }
0x102: {  	s0 =	sadd.s32 @!p0 $0x100000, s0  }
0x103: {  	[sflag:s0] =	ssyncadd.tile.s32 @!p0 $0x1;
	_ =	shalt  }
.Lfunc_end2:
_tile_overlayer_lowered:
.L_overlay_start_2:
0x104: {  	(tag) =	ssettag $0x2  }
0x105: {  	s0 =	rddreg [dreg:$0x0];
	s2 =	stileid.u32  }
0x106: {  	s1 =	rddreg [dreg:$0x1];
	p0 =	sne.s32 s2, $0x0  }
0x107: {  	s3 =	rddreg [dreg:$0x2];
	[bflag:$0x3] =	sbarrier.arrive $0xFFFF;
	s2 =	simm.s32 @!p0 $0x1C05  }
0x108: {  	[timem:s3], [sflag:s2] =	dma.local @!p0 [hbm:s0], s1  }
0x109: {  	s0 =	simm.s32 @!p0 $0x5  }
0x10a: {  	_ =	swait.ge @!p0 [sflag:s0], s1  }
0x10b: {  	s1 =	ssub.s32 @!p0 $0x0, s1;
	[sflag:s0] =	ssyncset.done @!p0 $0x0  }
0x10c: {  	[sflag:s0] =	ssyncadd.s32 @!p0 s1  }
0x10d: {  	[bflag:$0x3] =	sbarrier.arrive $0xFFFF  }
0x10e: {  	_ =	shalt  }

// kernel: kernel.14.cloned.1.call-start
scs
__scs_entry_jumppad:
0x0: {  	(pc) =	sbr.rel $0x88, $3  }
0x1: {  	(tag) =	ssettag $0x0;
	lr =	simm.s32 $0x1  }
0x2: {  	[smem:$0x3F9B] =	sst lr;
	_ =	strace $0xD0000000  }
0x3: {  	_ = 	snop  }
0x4: {  	_ = 	snop  }
0x5: {  	_ = 	snop  }
0x6: {  	_ = 	snop  }
0x7: {  	_ = 	snop  }
__scs_overlays_trampoline_lowered:
0x8: {  	[smem:$0x3FAA] =	sst s0  }
0x9: {  	[smem:$0x3FAB] =	sst s1  }
0xa: {  	[smem:$0x3FAC] =	sst s2  }
0xb: {  	[smem:$0x3FAD] =	sst s3  }
0xc: {  	[smem:$0x3FAE] =	sst s4  }
0xd: {  	[smem:$0x3FAF] =	sst s5  }
0xe: {  	[smem:$0x3FB0] =	sst s6  }
0xf: {  	[smem:$0x3FB1] =	sst s7  }
0x10: {  	[smem:$0x3FB2] =	sst s8  }
0x11: {  	[smem:$0x3FB3] =	sst s9;
	s0 =	simm.s32 @!p0 $0x0  }
0x12: {  	s1 =	sld [smem:$0x3F99];
	s0 =	simm.s32 @p0 $0x1  }
0x13: {  	[smem:$0x3FB4] =	sst s0;
	s0 =	simm.s32 @!p1 $0x0  }
0x14: {  	s2 =	sld [smem:$0x3F98];
	s0 =	simm.s32 @p1 $0x1  }
0x15: {  	[smem:$0x3FB5] =	sst s0;
	s0 =	simm.s32 @!p2 $0x0  }
0x16: {  	s3 =	sld [smem:$0x3FDB];
	s0 =	simm.s32 @p2 $0x1  }
0x17: {  	s4 =	simm.s32 $0x1BF5;
	[smem:$0x3FB7] =	sst s0  }
0x18: {  	s0 =	sld [smem:$0x3F9A];
	_ =	swait.ge [sflag:s4], $0x0  }
0x19: {  	s7 =	sld [smem:$0x3F9B]  }
0x1a: {  	s8 =	sadd.s32 $0xFFFFE003, lr  }
0x1b: {  	s9 =	sadd.s32 $0xFFFFFEF7, lr;
	s5 =	simm.s32 $0xFFFFFFFF;
	p2 =	slt.u32 s8, $0xFFFFF086  }
0x1c: {  	p1 =	slt.u32 s9, $0xF7A;
	s5 =	simm.s32 @!p2 $0x0  }
0x1d: {  	s5 =	simm.s32 @p1 $0x1;
	p0 =	seq.s32 s7, s2  }
0x1e: {  	s7 =	smul.u32 @!p0 $0xF7A, s2;
	p2 =	seq.s32 @!p0 s5, $0x0  }
0x1f: {  	s9 =	smul.u32 $0xF7A, s1;
	s8 =	simm.s32 @!p0 $0x1BF5;
	p2 =	por !p2, p0  }
0x20: {  	[sflag:s8] =	ssyncset.s32 @!p0 $0xFFFFF086;
	s6 =	sadd.s32 @!p0 s3, s7;
	s7 =	simm.s32 @!p0 $0x108  }
0x21: {  	s3 =	sadd.s32 s3, s9;
	s6 =	sadd.s32 @!p0 $0x88, s6;
	s7 =	simm.s32 @p2 $0x1082  }
0x22: {  	[simem:s7], [sflag:s8] =	dma.local @!p0 [hbm:s6], $0xF7A  }
0x23: {  	s9 =	sor.u32 $0xD0000000, s2;
	s6 =	simm.s32 $0x108;
	_ =	swait.ge @!p0 [sflag:s8], $0x0  }
0x24: {  	s3 =	sadd.s32 $0x88, s3;
	s6 =	simm.s32 @!p1 $0x1082;
	[sflag:s4] =	ssyncset.s32 $0xFFFFF086  }
0x25: {  	[simem:s6], [sflag:s4] =	dma.local [hbm:s3], $0xF7A  }
0x26: {  	[smem:$0x3F9B] =	sst s1;
	(tag) =	ssettag s2;
	_ =	strace s9  }
0x27: {  	s1 =	sld [smem:$0x3FAB]  }
0x28: {  	s2 =	sld [smem:$0x3FAC]  }
0x29: {  	s4 =	sld [smem:$0x3FAE]  }
0x2a: {  	p0 =	seq.s32 s5, $0x0;
	s5 =	sld [smem:$0x3FAF]  }
0x2b: {  	s6 =	sld [smem:$0x3FB0]  }
0x2c: {  	s7 =	sld [smem:$0x3FB1]  }
0x2d: {  	s3 =	simm.s32 $0x108;
	s8 =	sld [smem:$0x3FB2]  }
0x2e: {  	s3 =	simm.s32 @!p0 $0x1082;
	s9 =	sld [smem:$0x3FB3]  }
0x2f: {  	lr =	sadd.s32 s0, s3;
	s0 =	sld [smem:$0x3FAA]  }
0x30: {  	s3 =	sld [smem:$0x3FAD]  }
0x31: {  	[smem:$0x3FB6] =	sst s10  }
0x32: {  	s10 =	sld [smem:$0x3FB4];
	_ =	sdelay $0x3  }
0x33: {  	p0 =	seq.s32 s10, $0x1;
	s10 =	sld [smem:$0x3FB6];
	_ =	sdelay $0x3  }
0x34: {  	[smem:$0x3FB6] =	sst s10  }
0x35: {  	s10 =	sld [smem:$0x3FB5];
	_ =	sdelay $0x3  }
0x36: {  	p1 =	seq.s32 s10, $0x1;
	s10 =	sld [smem:$0x3FB6];
	_ =	sdelay $0x3  }
0x37: {  	[smem:$0x3FB6] =	sst s10  }
0x38: {  	s10 =	sld [smem:$0x3FB7]  }
0x39: {  	_ = 	snop;
	(pc) =	sbr.ind lr, $3  }
0x3a: {  	_ = 	snop  }
0x3b: {  	_ = 	snop  }
0x3c: {  	p2 =	seq.s32 s10, $0x1;
	s10 =	sld [smem:$0x3FB6]  }
0x3d: {  	_ =	shalt  }
0x3e: {  	_ =	shalt  }
0x3f: {  	_ =	shalt  }
0x40: {  	_ =	shalt  }
0x41: {  	_ =	shalt  }
0x42: {  	_ =	shalt  }
0x43: {  	_ =	shalt  }
0x44: {  	_ =	shalt  }
0x45: {  	_ =	shalt  }
0x46: {  	_ =	shalt  }
0x47: {  	_ =	shalt  }
0x48: {  	_ =	shalt  }
0x49: {  	_ =	shalt  }
0x4a: {  	_ =	shalt  }
0x4b: {  	_ =	shalt  }
0x4c: {  	_ =	shalt  }
0x4d: {  	_ =	shalt  }
0x4e: {  	_ =	shalt  }
0x4f: {  	_ =	shalt  }
0x50: {  	_ =	shalt  }
0x51: {  	_ =	shalt  }
0x52: {  	_ =	shalt  }
0x53: {  	_ =	shalt  }
0x54: {  	_ =	shalt  }
0x55: {  	_ =	shalt  }
0x56: {  	_ =	shalt  }
0x57: {  	_ =	shalt  }
0x58: {  	_ =	shalt  }
0x59: {  	_ =	shalt  }
0x5a: {  	_ =	shalt  }
0x5b: {  	_ =	shalt  }
0x5c: {  	_ =	shalt  }
0x5d: {  	_ =	shalt  }
0x5e: {  	_ =	shalt  }
0x5f: {  	_ =	shalt  }
0x60: {  	_ =	shalt  }
0x61: {  	_ =	shalt  }
0x62: {  	_ =	shalt  }
0x63: {  	_ =	shalt  }
0x64: {  	_ =	shalt  }
0x65: {  	_ =	shalt  }
0x66: {  	_ =	shalt  }
0x67: {  	_ =	shalt  }
0x68: {  	_ =	shalt  }
0x69: {  	_ =	shalt  }
0x6a: {  	_ =	shalt  }
0x6b: {  	_ =	shalt  }
0x6c: {  	_ =	shalt  }
0x6d: {  	_ =	shalt  }
0x6e: {  	_ =	shalt  }
0x6f: {  	_ =	shalt  }
0x70: {  	_ =	shalt  }
0x71: {  	_ =	shalt  }
0x72: {  	_ =	shalt  }
0x73: {  	_ =	shalt  }
0x74: {  	_ =	shalt  }
0x75: {  	_ =	shalt  }
0x76: {  	_ =	shalt  }
0x77: {  	_ =	shalt  }
0x78: {  	_ =	shalt  }
0x79: {  	_ =	shalt  }
0x7a: {  	_ =	shalt  }
0x7b: {  	_ =	shalt  }
0x7c: {  	_ =	shalt  }
0x7d: {  	_ =	shalt  }
0x7e: {  	_ =	shalt  }
0x7f: {  	_ =	shalt  }
0x80: {  	_ =	shalt  }
0x81: {  	_ =	shalt  }
0x82: {  	_ =	shalt  }
0x83: {  	_ =	shalt  }
0x84: {  	_ =	shalt  }
0x85: {  	_ =	shalt  }
0x86: {  	_ =	shalt  }
0x87: {  	_ =	shalt  }
.Lfunc_end0:
.L_simem_size_0:
called_computation.2_lowered:
.L_overlay_start_0:
0x88: {  	s2 =	sld [smem:$0x3FD9]  }
0x89: {  	s3 =	sld [smem:$0x3FFE];
	_ =	sdelay $0x1  }
0x8a: {  	s1 =	srdreg.scid  }
0x8b: {  	s0 =	sand.u32 $0x1, s1  }
0x8c: {  	s17 =	sshll.u32 s0, $0xA;
	s2 =	sadd.s32 s3, s2  }
0x8d: {  	s2 =	sadd.s32 s2, s17  }
0x8e: {  	[smem:$0x3FC2] =	sst s2  }
0x8f: {  	_ = 	snop  }
0x90: {  	s2 =	sld [smem:$0x3FD0];
	(tm) =	ssettm $0x1  }
0x91: {  	s18 =	sld [smem:$0x3FFB];
	_ =	sdelay $0x3  }
0x92: {  	_ =	strace s18  }
0x93: {  	s3 =	sld [smem:$0x3FFC];
	_ =	sdelay $0x3  }
0x94: {  	_ =	strace s3  }
0x95: {  	s3 =	sld [smem:$0x3FFD];
	_ =	sdelay $0x3  }
0x96: {  	_ =	strace s3  }
0x97: {  	_ =	strace $0x8FFFFFFF  }
0x98: {  	s19 =	sld [smem:$0x3FDB];
	_ =	sdelay $0x1  }
0x99: {  	s4 =	simm.s32 $_scs_section_size  }
0x9a: {  	s5 =	simm.s32 $_size__tile_overlayer_lowered;
	s6 =	simm.s32 $_tile_overlayer_lowered  }
0x9b: {  	s22 =	simm.s32 $0x1BFF;
	s21 =	sshll.u32 s6, $0x1;
	s3 =	sadd.s32 s4, s19  }
0x9c: {  	s7 =	simm.s32 $0x0;
	s20 =	sshll.u32 s5, $0x1;
	s5 =	sadd.s32 s21, s3  }
0x9d: {  	[timem:s7], [sflag:s22] =	dma.local [hbm:s5], s20  }
0x9e: {  	_ =	swait.ge [sflag:s22], s20  }
0x9f: {  	s4 =	ssub.s32 $0x0, s20;
	[sflag:s22] =	ssyncset.done $0x0  }
0xa0: {  	[sflag:s22] =	ssyncadd.s32 s4;
	_ =	sdelay $0x1  }
0xa1: {  	s23 =	simm.s32 $0x1B8B  }
0xa2: {  	_ =	swait.ge [sflag:s23], $0x1  }
0xa3: {  	[sflag:s23] =	ssyncset.done $0x0  }
0xa4: {  	s25 =	simm.s32 $0x1B8E;
	s24 =	sld [smem:$0x3FFE];
	[sflag:s23] =	ssyncadd.s32 $0xFFFFFFFF  }
0xa5: {  	s26 =	simm.s32 $execute0_lowered;
	[smem:$0x3FD2] =	sst s25  }
0xa6: {  	s5 =	sshll.u32 s26, $0x1;
	_ =	strace $0x8000004C;
	[dreg:$0x1] =	wrdreg $0xFFFFFFFF  }
0xa7: {  	s28 =	simm.s32 $_size_execute0_lowered;
	s3 =	sadd.s32 s3, s5;
	[dreg:$0x0] =	wrdreg $0x0  }
0xa8: {  	s5 =	sshll.u32 s28, $0x1;
	[dreg:$0x2] =	wrdreg s3  }
0xa9: {  	[dreg:$0x3] =	wrdreg s5  }
0xaa: {  	[dreg:$0x4] =	wrdreg $0xC0  }
0xab: {  	_ =	task [dreg:s7], $0x5FFFF  }
0xac: {  	[dreg:$0x1] =	wrdreg $0xFFFFFFFF  }
0xad: {  	[dreg:$0x0] =	wrdreg $0x60  }
0xae: {  	[dreg:$0x2] =	wrdreg s24  }
0xaf: {  	[dreg:$0x3] =	wrdreg s2  }
0xb0: {  	[dreg:$0x4] =	wrdreg $0xBC000  }
0xb1: {  	[dreg:$0x5] =	wrdreg $0x9  }
0xb2: {  	_ =	task.clear_ibuf [dreg:s7], $0x6FFFF;
	_ =	strace $0x9000004C  }
0xb3: {  	s29 =	simm.s32 $0x9;
	_ =	strace $0x8000004E  }
0xb4: {  	_ =	swait.ge [sflag:s29], $0x1  }
0xb5: {  	[sflag:s29] =	ssyncadd.s32 $0xFFFFFFFF  }
0xb6: {  	_ =	strace $0x9000004E  }
0xb7: {  	_ =	sfence  }
0xb8: {  	s30 =	sld [smem:$0x0];
	_ =	sdelay $0x2  }
0xb9: {  	s31 =	sshll.u32 s1, $0xD;
	s1 =	sshrl.u32 s1, $0x2  }
0xba: {  	s3 =	sand.u32 $0x4000, s31;
	s1 =	sadd.s32 s1, s30  }
0xbb: {  	s0 =	sor.u32 s3, s0;
	s1 =	sshll.u32 s1, $0x11  }
0xbc: {  	s0 =	sor.u32 s1, s0  }
0xbd: {  	s0 =	sadd.s32 $0x8F2B, s0  }
0xbe: {  	[sflag:s0] =	ssyncadd.remote.s32 $0x1  }
0xbf: {  	_ =	sfence.sel $0xFFFF  }
0xc0: {  	[dreg:$0x0] =	wrdreg $0xFFFFFFFF;
	(pc) =	sbr.abs _section_cstart, $3  }
0xc1: {  	[dreg:$0x1] =	wrdreg $0xFFFFFFFF  }
0xc2: {  	_ =	task.clear_ibuf [dreg:s7], $0x2FFFF;
	_ =	strace $0x9FFFFFFF  }
0xc3: {  	(tm) =	ssettm $0x7FFFFFFF  }
tec
execute0_lowered:
.L_overlay_start_1:
0x0: {  	(tag) =	ssettag $0x1  }
0x1: {  	s0 =	rddreg [dreg:$0x0]  }
0x2: {  	s1 =	rddreg [dreg:$0x1]  }
0x3: {  	s2 =	rddreg [dreg:$0x2]  }
0x4: {  	s12 =	stileid.u32;
	s4 =	srdreg.scid  }
0x5: {  	s3 =	simm.s32 $0x0;
	s14 =	simm.s32 $0x5;
	s15 =	simm.s32 $0x80  }
0x6: {  	s28 =	simm.s32 $0x4;
	s29 =	simm.s32 $0x3A00;
	s30 =	simm.s32 $0x3A80  }
0x7: {  	s31 =	simm.s32 $0x3B00;
	s5 =	smul.u32 $0x14000, s12;
	s6 =	sand.u32 $0x1, s4  }
0x8: {  	[smem:$0x7FF] =	sst s3;
	s4 =	sadd.s32 $0x17200, s0;
	s10 =	smul.u32 $0x50000, s12  }
0x9: {  	s16 =	sadd.s32 $0xD200, s0;
	s11 =	sshll.u32 s12, $0x7;
	s7 =	smul.u32 $0x140000, s6  }
0xa: {  	_ =	strace $0x8000004D;
	s9 =	ssub.s32 $0x2, s6;
	s6 =	sshll.u32 s6, $0x4  }
0xb: {  	s11 =	sand.u32 $0x380, s11;
	s8 =	sshrl.u32 s5, $0x3;
	s17 =	sshrl.u32 s9, $0x1  }
0xc: {  	s6 =	sor.u32 s12, s6;
	s18 =	sshrl.u32 s10, $0x2;
	s12 =	sshll.u32 s12, $0x6  }
0xd: {  	s5 =	sadd.s32 s5, s7;
	s8 =	sadd.s32 s8, s0;
	s19 =	sshrl.u32 s6, $0x3  }
0xe: {  	s13 =	smul.u32 $0x5000, s6;
	s6 =	sor.u32 $0x1C05, s12;
	s5 =	sshrl.u32 s5, $0x3  }
0xf: {  	s10 =	smul.u32 $0x14000, s19;
	s20 =	sadd.s32 $0x3F200, s8;
	s19 =	simm.s32 $0x3C00  }
0x10: {  	s0 =	sadd.s32 s5, s0;
	s5 =	ssub.s32 s9, s17;
	s9 =	sadd.s32 s18, s2  }
0x11: {  	[dreg:$0x4] =	wrdreg s20;
	s22 =	sshrl.u32 s13, $0x3;
	s17 =	simm.s32 $0x1400  }
0x12: {  	s18 =	simm.s32 $0x40;
	s20 =	simm.s32 $0x5C00;
	s21 =	sor.u32 s11, s10  }
0x13: {  	s8 =	sadd.s32 s1, s22;
	s11 =	sadd.s32 $0x67200, s0;
	s12 =	smax.u32 s5, $0x1  }
0x14: {  	s13 =	sshrl.u32 s9, $0x3;
	s22 =	simm.s32 $0xC0;
	s0 =	simm.s32 $0x3B80  }
0x15: {  	s10 =	sshrl.u32 s21, $0x3;
	s23 =	sadd.s32 $0xA000, s21;
	s26 =	sadd.s32 $0x500, s8  }
0x16: {  	s21 =	simm.s32 $0x7C00;
	s24 =	sadd.s32 s16, s10;
	s25 =	sshrl.u32 s23, $0x3  }
0x17: {  	[dreg:$0x7] =	wrdreg s26;
	s23 =	simm.s32 $0x9C00;
	s26 =	simm.s32 $0x3  }
0x18: {  	[dreg:$0x5] =	wrdreg s24;
	s1 =	sadd.s32 s16, s25;
	s24 =	simm.s32 $0x1  }
0x19: {  	s25 =	simm.s32 $0x2;
	[dreg:$0x6] =	wrdreg s1;
	s1 =	simm.s32 $0x0  }
.LBB2_1:
0x1a: {  	s5 =	rddreg [dreg:$0x4]  }
0x1b: {  	[spmem:s13], [sflag:s6] =	dma.local [hbm:s5], $0x2800  }
0x1c: {  	_ =	swait.ge [sflag:s14], $0x2800  }
0x1d: {  	[sflag:s14] =	ssyncset.done $0x0  }
0x1e: {  	s7 =	simm.s32 $0x400;
	s16 =	rddreg [dreg:$0x5];
	[sflag:s14] =	ssyncadd.s32 $0xFFFFD800  }
0x1f: {  	[tilespmem:s3], [sflag:$0x5] =	stream.strided.gather [hbm4b:s16+s15], $0x1400, s7, s15, $0x38;
	[tilespmem:$0x1FC00] =	vst v63  }
0x20: {  	_ =	swait.ge [sflag:s14], $0x1400  }
0x21: {  	[sflag:s14] =	ssyncset.done $0x0  }
0x22: {  	[sflag:s14] =	ssyncadd.s32 $0xFFFFEC00  }
0x23: {  	[tilespmem:s17], [sflag:$0x5] =	stream.linear.gather [hbm4b:s8+s3], $0x2800, $0x38;
	[tilespmem:$0x1FC00] =	vst v63  }
0x24: {  	_ =	swait.ge [sflag:s14], $0x2800  }
0x25: {  	[sflag:s14] =	ssyncset.done $0x0  }
0x26: {  	[sflag:s14] =	ssyncadd.s32 $0xFFFFD800  }
0x27: {  	[tilespmem:s19], [sflag:$0x1] =	stream.indirect.gather [hbm4b:s4+s18], $0x80, s3, s18, $0xb8;
	[tilespmem:$0x1FC00] =	vst v63  }
0x28: {  	_ = 	snop  }
0x29: {  	[tilespmem:s20], [sflag:$0x2] =	stream.indirect.gather [hbm4b:s4+s18], $0x80, s18, s18, $0xb8;
	[tilespmem:$0x1FC00] =	vst v63  }
0x2a: {  	_ = 	snop  }
0x2b: {  	[tilespmem:s21], [sflag:$0x3] =	stream.indirect.gather [hbm4b:s4+s18], $0x80, s15, s18, $0xb8;
	[tilespmem:$0x1FC00] =	vst v63  }
0x2c: {  	_ = 	snop  }
0x2d: {  	[tilespmem:s23], [sflag:$0x4] =	stream.indirect.gather [hbm4b:s4+s18], $0x80, s22, s18, $0xb8;
	[tilespmem:$0x1FC00] =	vst v63  }
0x2e: {  	[bflag:$0x0] =	sbarrier.arrive $0xFFFF  }
0x2f: {  	_ =	swait.ge [sflag:s24], $0x2000  }
0x30: {  	[sflag:s24] =	ssyncset.done $0x0  }
0x31: {  	s9 =	simm.s32 $0x1400;
	[sflag:s24] =	ssyncadd.s32 $0xFFFFE000  }
0x32: {  	[spmem:s2] =	stream.indirect.scatter.add.f32 [tilespmem:s19], [sflag:$0x5], $0x80, s9, s18, $0xb8;
	[tilespmem:$0x1FC00] =	vst v63  }
0x33: {  	_ =	swait.ge [sflag:s14], $0x2000  }
0x34: {  	[sflag:s14] =	ssyncset.done $0x0  }
0x35: {  	s10 =	simm.s32 $0x100;
	[sflag:s14] =	ssyncadd.s32 $0xFFFFE000  }
0x36: {  	[tilespmem:s19], [sflag:$0x1] =	stream.indirect.gather [hbm4b:s4+s18], $0x80, s10, s18, $0xb8;
	[tilespmem:$0x1FC00] =	vst v63  }
0x37: {  	_ =	swait.ge [sflag:s25], $0x2000  }
0x38: {  	[sflag:s25] =	ssyncset.done $0x0  }
0x39: {  	s16 =	simm.s32 $0x1480;
	[sflag:s25] =	ssyncadd.s32 $0xFFFFE000  }
0x3a: {  	[spmem:s2] =	stream.indirect.scatter.add.f32 [tilespmem:s20], [sflag:$0x5], $0x80, s16, s18, $0xb8;
	[tilespmem:$0x1FC00] =	vst v63  }
0x3b: {  	_ =	swait.ge [sflag:s14], $0x2000  }
0x3c: {  	[sflag:s14] =	ssyncset.done $0x0  }
0x3d: {  	s7 =	simm.s32 $0x140;
	[sflag:s14] =	ssyncadd.s32 $0xFFFFE000  }
0x3e: {  	[tilespmem:s20], [sflag:$0x2] =	stream.indirect.gather [hbm4b:s4+s18], $0x80, s7, s18, $0xb8;
	[tilespmem:$0x1FC00] =	vst v63  }
0x3f: {  	_ =	swait.ge [sflag:s26], $0x2000  }
0x40: {  	[sflag:s26] =	ssyncset.done $0x0  }
0x41: {  	s9 =	simm.s32 $0x1500;
	[sflag:s26] =	ssyncadd.s32 $0xFFFFE000  }
0x42: {  	[spmem:s2] =	stream.indirect.scatter.add.f32 [tilespmem:s21], [sflag:$0x5], $0x80, s9, s18, $0xb8;
	[tilespmem:$0x1FC00] =	vst v63  }
0x43: {  	_ =	swait.ge [sflag:s14], $0x2000  }
0x44: {  	[sflag:s14] =	ssyncset.done $0x0  }
0x45: {  	s10 =	simm.s32 $0x180;
	[sflag:s14] =	ssyncadd.s32 $0xFFFFE000  }
0x46: {  	[tilespmem:s21], [sflag:$0x3] =	stream.indirect.gather [hbm4b:s4+s18], $0x80, s10, s18, $0xb8;
	[tilespmem:$0x1FC00] =	vst v63  }
0x47: {  	_ =	swait.ge [sflag:s28], $0x2000  }
0x48: {  	[sflag:s28] =	ssyncset.done $0x0  }
0x49: {  	s16 =	simm.s32 $0x1580;
	[sflag:s28] =	ssyncadd.s32 $0xFFFFE000  }
0x4a: {  	[spmem:s2] =	stream.indirect.scatter.add.f32 [tilespmem:s23], [sflag:$0x5], $0x80, s16, s18, $0xb8;
	[tilespmem:$0x1FC00] =	vst v63  }
0x4b: {  	_ =	swait.ge [sflag:s14], $0x2000  }
0x4c: {  	s5 =	simm.s32 $0x1C0;
	[sflag:s14] =	ssyncset.done $0x0  }
0x4d: {  	s7 =	simm.s32 $0x800;
	s9 =	simm.s32 $0x2C0;
	[sflag:s14] =	ssyncadd.s32 $0xFFFFE000  }
.LBB2_2:
0x4e: {  	[tilespmem:s23], [sflag:$0x4] =	stream.indirect.gather [hbm4b:s4+s18], $0x80, s5, s18, $0xb8;
	[tilespmem:$0x1FC00] =	vst v63  }
0x4f: {  	s10 =	smov.u32 s7;
	s5 =	smov.u32 s9  }
0x50: {  	p0 =	sne.s32 s7, $0x9000;
	s7 =	sadd.s32 $0x800, s7;
	_ =	swait.ge [sflag:s24], $0x2000  }
0x51: {  	s10 =	sshra.s32 s10, $0x2;
	[sflag:s24] =	ssyncset.done $0x0  }
0x52: {  	s16 =	sadd.s32 $0x1400, s10;
	[sflag:s24] =	ssyncadd.s32 $0xFFFFE000  }
0x53: {  	[spmem:s2] =	stream.indirect.scatter.add.f32 [tilespmem:s19], [sflag:$0x5], $0x80, s16, s18, $0xb8;
	[tilespmem:$0x1FC00] =	vst v63  }
0x54: {  	_ =	swait.ge [sflag:s14], $0x2000  }
0x55: {  	[sflag:s14] =	ssyncset.done $0x0  }
0x56: {  	s16 =	sadd.s32 $0xFFFFFF40, s9;
	[sflag:s14] =	ssyncadd.s32 $0xFFFFE000  }
0x57: {  	[tilespmem:s19], [sflag:$0x1] =	stream.indirect.gather [hbm4b:s4+s18], $0x80, s16, s18, $0xb8;
	[tilespmem:$0x1FC00] =	vst v63  }
0x58: {  	_ =	swait.ge [sflag:s25], $0x2000  }
0x59: {  	[sflag:s25] =	ssyncset.done $0x0  }
0x5a: {  	s16 =	sadd.s32 $0x1480, s10;
	[sflag:s25] =	ssyncadd.s32 $0xFFFFE000  }
0x5b: {  	[spmem:s2] =	stream.indirect.scatter.add.f32 [tilespmem:s20], [sflag:$0x5], $0x80, s16, s18, $0xb8;
	[tilespmem:$0x1FC00] =	vst v63  }
0x5c: {  	_ =	swait.ge [sflag:s14], $0x2000  }
0x5d: {  	[sflag:s14] =	ssyncset.done $0x0  }
0x5e: {  	s16 =	sadd.s32 $0xFFFFFF80, s9;
	[sflag:s14] =	ssyncadd.s32 $0xFFFFE000  }
0x5f: {  	[tilespmem:s20], [sflag:$0x2] =	stream.indirect.gather [hbm4b:s4+s18], $0x80, s16, s18, $0xb8;
	[tilespmem:$0x1FC00] =	vst v63  }
0x60: {  	_ =	swait.ge [sflag:s26], $0x2000  }
0x61: {  	[sflag:s26] =	ssyncset.done $0x0  }
0x62: {  	s16 =	sadd.s32 $0x1500, s10;
	[sflag:s26] =	ssyncadd.s32 $0xFFFFE000  }
0x63: {  	[spmem:s2] =	stream.indirect.scatter.add.f32 [tilespmem:s21], [sflag:$0x5], $0x80, s16, s18, $0xb8;
	[tilespmem:$0x1FC00] =	vst v63  }
0x64: {  	_ =	swait.ge [sflag:s14], $0x2000  }
0x65: {  	[sflag:s14] =	ssyncset.done $0x0  }
0x66: {  	s16 =	sadd.s32 $0xFFFFFFC0, s9;
	[sflag:s14] =	ssyncadd.s32 $0xFFFFE000  }
0x67: {  	[tilespmem:s21], [sflag:$0x3] =	stream.indirect.gather [hbm4b:s4+s18], $0x80, s16, s18, $0xb8;
	[tilespmem:$0x1FC00] =	vst v63  }
0x68: {  	_ =	swait.ge [sflag:s28], $0x2000  }
0x69: {  	[sflag:s28] =	ssyncset.done $0x0  }
.Ltmp0:
0x6a: {  	s10 =	sadd.s32 $0x1580, s10;
	[sflag:s28] =	ssyncadd.s32 $0xFFFFE000;
	(pc) =	sbr.rel @p0 .LBB2_2-.Ltmp0, $4  }
0x6b: {  	[spmem:s2] =	stream.indirect.scatter.add.f32 [tilespmem:s23], [sflag:$0x5], $0x80, s10, s18, $0xb8;
	[tilespmem:$0x1FC00] =	vst v63  }
0x6c: {  	_ =	swait.ge [sflag:s14], $0x2000  }
0x6d: {  	[sflag:s14] =	ssyncset.done $0x0  }
0x6e: {  	s9 =	sadd.s32 $0x100, s9;
	[sflag:s14] =	ssyncadd.s32 $0xFFFFE000  }
0x6f: {  	[tilespmem:s23], [sflag:$0x4] =	stream.indirect.gather [hbm4b:s4+s18], $0x80, s5, s18, $0xb8;
	[tilespmem:$0x1FC00] =	vst v63  }
0x70: {  	_ =	swait.ge [sflag:s24], $0x2000  }
0x71: {  	[sflag:s24] =	ssyncset.done $0x0  }
0x72: {  	[sflag:s24] =	ssyncadd.s32 $0xFFFFE000  }
0x73: {  	[spmem:s2] =	stream.indirect.scatter.add.f32 [tilespmem:s19], [sflag:$0x5], $0x80, s29, s18, $0xb8;
	[tilespmem:$0x1FC00] =	vst v63  }
0x74: {  	_ =	swait.ge [sflag:s14], $0x2000  }
0x75: {  	[sflag:s14] =	ssyncset.done $0x0  }
0x76: {  	[sflag:s14] =	ssyncadd.s32 $0xFFFFE000  }
0x77: {  	_ =	swait.ge [sflag:s25], $0x2000  }
0x78: {  	[sflag:s25] =	ssyncset.done $0x0  }
0x79: {  	[sflag:s25] =	ssyncadd.s32 $0xFFFFE000  }
0x7a: {  	[spmem:s2] =	stream.indirect.scatter.add.f32 [tilespmem:s20], [sflag:$0x5], $0x80, s30, s18, $0xb8;
	[tilespmem:$0x1FC00] =	vst v63  }
0x7b: {  	_ =	swait.ge [sflag:s14], $0x2000  }
0x7c: {  	[sflag:s14] =	ssyncset.done $0x0  }
0x7d: {  	[sflag:s14] =	ssyncadd.s32 $0xFFFFE000  }
0x7e: {  	_ =	swait.ge [sflag:s26], $0x2000  }
0x7f: {  	[sflag:s26] =	ssyncset.done $0x0  }
0x80: {  	[sflag:s26] =	ssyncadd.s32 $0xFFFFE000  }
0x81: {  	[spmem:s2] =	stream.indirect.scatter.add.f32 [tilespmem:s21], [sflag:$0x5], $0x80, s31, s18, $0xb8;
	[tilespmem:$0x1FC00] =	vst v63  }
0x82: {  	_ =	swait.ge [sflag:s14], $0x2000  }
0x83: {  	[sflag:s14] =	ssyncset.done $0x0  }
0x84: {  	[sflag:s14] =	ssyncadd.s32 $0xFFFFE000  }
0x85: {  	_ =	swait.ge [sflag:s28], $0x2000  }
0x86: {  	[sflag:s28] =	ssyncset.done $0x0  }
0x87: {  	[sflag:s28] =	ssyncadd.s32 $0xFFFFE000  }
0x88: {  	[spmem:s2] =	stream.indirect.scatter.add.f32 [tilespmem:s23], [sflag:$0x5], $0x80, s0, s18, $0xb8;
	[tilespmem:$0x1FC00] =	vst v63  }
0x89: {  	_ =	swait.ge [sflag:s14], $0x2000  }
0x8a: {  	s10 =	simm.s32 $0x0;
	[sflag:s14] =	ssyncset.done $0x0  }
0x8b: {  	s9 =	simm.s32 $0x400;
	s7 =	rddreg [dreg:$0x6];
	[sflag:s14] =	ssyncadd.s32 $0xFFFFE000  }
0x8c: {  	[tilespmem:s10], [sflag:$0x5] =	stream.strided.gather [hbm4b:s7+s15], $0x1400, s9, s15, $0x38;
	[tilespmem:$0x1FC00] =	vst v63  }
0x8d: {  	_ =	swait.ge [sflag:s14], $0x1400  }
0x8e: {  	[sflag:s14] =	ssyncset.done $0x0  }
0x8f: {  	s16 =	rddreg [dreg:$0x7];
	[sflag:s14] =	ssyncadd.s32 $0xFFFFEC00  }
0x90: {  	[tilespmem:s17], [sflag:$0x5] =	stream.linear.gather [hbm4b:s16+s10], $0x2800, $0x38;
	[tilespmem:$0x1FC00] =	vst v63  }
0x91: {  	_ =	swait.ge [sflag:s14], $0x2800  }
0x92: {  	[sflag:s14] =	ssyncset.done $0x0  }
0x93: {  	[sflag:s14] =	ssyncadd.s32 $0xFFFFD800  }
0x94: {  	[tilespmem:s19], [sflag:$0x1] =	stream.indirect.gather [hbm4b:s4+s18], $0x80, s10, s18, $0xb8;
	[tilespmem:$0x1FC00] =	vst v63  }
0x95: {  	_ = 	snop  }
0x96: {  	[tilespmem:s20], [sflag:$0x2] =	stream.indirect.gather [hbm4b:s4+s18], $0x80, s18, s18, $0xb8;
	[tilespmem:$0x1FC00] =	vst v63  }
0x97: {  	_ = 	snop  }
0x98: {  	[tilespmem:s21], [sflag:$0x3] =	stream.indirect.gather [hbm4b:s4+s18], $0x80, s15, s18, $0xb8;
	[tilespmem:$0x1FC00] =	vst v63  }
0x99: {  	_ = 	snop  }
0x9a: {  	[tilespmem:s23], [sflag:$0x4] =	stream.indirect.gather [hbm4b:s4+s18], $0x80, s22, s18, $0xb8;
	[tilespmem:$0x1FC00] =	vst v63  }
0x9b: {  	_ =	swait.ge [sflag:s24], $0x2000  }
0x9c: {  	[sflag:s24] =	ssyncset.done $0x0  }
0x9d: {  	s9 =	simm.s32 $0x1400;
	[sflag:s24] =	ssyncadd.s32 $0xFFFFE000  }
0x9e: {  	[spmem:s2] =	stream.indirect.scatter.add.f32 [tilespmem:s19], [sflag:$0x5], $0x80, s9, s18, $0xb8;
	[tilespmem:$0x1FC00] =	vst v63  }
0x9f: {  	_ =	swait.ge [sflag:s14], $0x2000  }
0xa0: {  	[sflag:s14] =	ssyncset.done $0x0  }
0xa1: {  	s10 =	simm.s32 $0x100;
	[sflag:s14] =	ssyncadd.s32 $0xFFFFE000  }
0xa2: {  	[tilespmem:s19], [sflag:$0x1] =	stream.indirect.gather [hbm4b:s4+s18], $0x80, s10, s18, $0xb8;
	[tilespmem:$0x1FC00] =	vst v63  }
0xa3: {  	_ =	swait.ge [sflag:s25], $0x2000  }
0xa4: {  	[sflag:s25] =	ssyncset.done $0x0  }
0xa5: {  	s16 =	simm.s32 $0x1480;
	[sflag:s25] =	ssyncadd.s32 $0xFFFFE000  }
0xa6: {  	[spmem:s2] =	stream.indirect.scatter.add.f32 [tilespmem:s20], [sflag:$0x5], $0x80, s16, s18, $0xb8;
	[tilespmem:$0x1FC00] =	vst v63  }
0xa7: {  	_ =	swait.ge [sflag:s14], $0x2000  }
0xa8: {  	[sflag:s14] =	ssyncset.done $0x0  }
0xa9: {  	s7 =	simm.s32 $0x140;
	[sflag:s14] =	ssyncadd.s32 $0xFFFFE000  }
0xaa: {  	[tilespmem:s20], [sflag:$0x2] =	stream.indirect.gather [hbm4b:s4+s18], $0x80, s7, s18, $0xb8;
	[tilespmem:$0x1FC00] =	vst v63  }
0xab: {  	_ =	swait.ge [sflag:s26], $0x2000  }
0xac: {  	[sflag:s26] =	ssyncset.done $0x0  }
0xad: {  	s9 =	simm.s32 $0x1500;
	[sflag:s26] =	ssyncadd.s32 $0xFFFFE000  }
0xae: {  	[spmem:s2] =	stream.indirect.scatter.add.f32 [tilespmem:s21], [sflag:$0x5], $0x80, s9, s18, $0xb8;
	[tilespmem:$0x1FC00] =	vst v63  }
0xaf: {  	_ =	swait.ge [sflag:s14], $0x2000  }
0xb0: {  	[sflag:s14] =	ssyncset.done $0x0  }
0xb1: {  	s10 =	simm.s32 $0x180;
	[sflag:s14] =	ssyncadd.s32 $0xFFFFE000  }
0xb2: {  	[tilespmem:s21], [sflag:$0x3] =	stream.indirect.gather [hbm4b:s4+s18], $0x80, s10, s18, $0xb8;
	[tilespmem:$0x1FC00] =	vst v63  }
0xb3: {  	_ =	swait.ge [sflag:s28], $0x2000  }
0xb4: {  	[sflag:s28] =	ssyncset.done $0x0  }
0xb5: {  	s16 =	simm.s32 $0x1580;
	[sflag:s28] =	ssyncadd.s32 $0xFFFFE000  }
0xb6: {  	[spmem:s2] =	stream.indirect.scatter.add.f32 [tilespmem:s23], [sflag:$0x5], $0x80, s16, s18, $0xb8;
	[tilespmem:$0x1FC00] =	vst v63  }
0xb7: {  	_ =	swait.ge [sflag:s14], $0x2000  }
0xb8: {  	s5 =	simm.s32 $0x1C0;
	[sflag:s14] =	ssyncset.done $0x0  }
0xb9: {  	s7 =	simm.s32 $0x800;
	s9 =	simm.s32 $0x2C0;
	[sflag:s14] =	ssyncadd.s32 $0xFFFFE000  }
.LBB2_4:
0xba: {  	[tilespmem:s23], [sflag:$0x4] =	stream.indirect.gather [hbm4b:s4+s18], $0x80, s5, s18, $0xb8;
	[tilespmem:$0x1FC00] =	vst v63  }
0xbb: {  	s10 =	smov.u32 s7;
	s5 =	smov.u32 s9  }
0xbc: {  	p0 =	sne.s32 s7, $0x9000;
	s7 =	sadd.s32 $0x800, s7;
	_ =	swait.ge [sflag:s24], $0x2000  }
0xbd: {  	s10 =	sshra.s32 s10, $0x2;
	[sflag:s24] =	ssyncset.done $0x0  }
0xbe: {  	s16 =	sadd.s32 $0x1400, s10;
	[sflag:s24] =	ssyncadd.s32 $0xFFFFE000  }
0xbf: {  	[spmem:s2] =	stream.indirect.scatter.add.f32 [tilespmem:s19], [sflag:$0x5], $0x80, s16, s18, $0xb8;
	[tilespmem:$0x1FC00] =	vst v63  }
0xc0: {  	_ =	swait.ge [sflag:s14], $0x2000  }
0xc1: {  	[sflag:s14] =	ssyncset.done $0x0  }
0xc2: {  	s16 =	sadd.s32 $0xFFFFFF40, s9;
	[sflag:s14] =	ssyncadd.s32 $0xFFFFE000  }
0xc3: {  	[tilespmem:s19], [sflag:$0x1] =	stream.indirect.gather [hbm4b:s4+s18], $0x80, s16, s18, $0xb8;
	[tilespmem:$0x1FC00] =	vst v63  }
0xc4: {  	_ =	swait.ge [sflag:s25], $0x2000  }
0xc5: {  	[sflag:s25] =	ssyncset.done $0x0  }
0xc6: {  	s16 =	sadd.s32 $0x1480, s10;
	[sflag:s25] =	ssyncadd.s32 $0xFFFFE000  }
0xc7: {  	[spmem:s2] =	stream.indirect.scatter.add.f32 [tilespmem:s20], [sflag:$0x5], $0x80, s16, s18, $0xb8;
	[tilespmem:$0x1FC00] =	vst v63  }
0xc8: {  	_ =	swait.ge [sflag:s14], $0x2000  }
0xc9: {  	[sflag:s14] =	ssyncset.done $0x0  }
0xca: {  	s16 =	sadd.s32 $0xFFFFFF80, s9;
	[sflag:s14] =	ssyncadd.s32 $0xFFFFE000  }
0xcb: {  	[tilespmem:s20], [sflag:$0x2] =	stream.indirect.gather [hbm4b:s4+s18], $0x80, s16, s18, $0xb8;
	[tilespmem:$0x1FC00] =	vst v63  }
0xcc: {  	_ =	swait.ge [sflag:s26], $0x2000  }
0xcd: {  	[sflag:s26] =	ssyncset.done $0x0  }
0xce: {  	s16 =	sadd.s32 $0x1500, s10;
	[sflag:s26] =	ssyncadd.s32 $0xFFFFE000  }
0xcf: {  	[spmem:s2] =	stream.indirect.scatter.add.f32 [tilespmem:s21], [sflag:$0x5], $0x80, s16, s18, $0xb8;
	[tilespmem:$0x1FC00] =	vst v63  }
0xd0: {  	_ =	swait.ge [sflag:s14], $0x2000  }
0xd1: {  	[sflag:s14] =	ssyncset.done $0x0  }
0xd2: {  	s16 =	sadd.s32 $0xFFFFFFC0, s9;
	[sflag:s14] =	ssyncadd.s32 $0xFFFFE000  }
0xd3: {  	[tilespmem:s21], [sflag:$0x3] =	stream.indirect.gather [hbm4b:s4+s18], $0x80, s16, s18, $0xb8;
	[tilespmem:$0x1FC00] =	vst v63  }
0xd4: {  	_ =	swait.ge [sflag:s28], $0x2000  }
0xd5: {  	[sflag:s28] =	ssyncset.done $0x0  }
.Ltmp1:
0xd6: {  	s10 =	sadd.s32 $0x1580, s10;
	[sflag:s28] =	ssyncadd.s32 $0xFFFFE000;
	(pc) =	sbr.rel @p0 .LBB2_4-.Ltmp1, $4  }
0xd7: {  	[spmem:s2] =	stream.indirect.scatter.add.f32 [tilespmem:s23], [sflag:$0x5], $0x80, s10, s18, $0xb8;
	[tilespmem:$0x1FC00] =	vst v63  }
0xd8: {  	_ =	swait.ge [sflag:s14], $0x2000  }
0xd9: {  	[sflag:s14] =	ssyncset.done $0x0  }
0xda: {  	s9 =	sadd.s32 $0x100, s9;
	[sflag:s14] =	ssyncadd.s32 $0xFFFFE000  }
0xdb: {  	[tilespmem:s23], [sflag:$0x4] =	stream.indirect.gather [hbm4b:s4+s18], $0x80, s5, s18, $0xb8;
	[tilespmem:$0x1FC00] =	vst v63  }
0xdc: {  	_ =	swait.ge [sflag:s24], $0x2000  }
0xdd: {  	[sflag:s24] =	ssyncset.done $0x0  }
0xde: {  	[sflag:s24] =	ssyncadd.s32 $0xFFFFE000  }
0xdf: {  	[spmem:s2] =	stream.indirect.scatter.add.f32 [tilespmem:s19], [sflag:$0x5], $0x80, s29, s18, $0xb8;
	[tilespmem:$0x1FC00] =	vst v63  }
0xe0: {  	_ =	swait.ge [sflag:s14], $0x2000  }
0xe1: {  	[sflag:s14] =	ssyncset.done $0x0  }
0xe2: {  	[sflag:s14] =	ssyncadd.s32 $0xFFFFE000  }
0xe3: {  	_ =	swait.ge [sflag:s25], $0x2000  }
0xe4: {  	[sflag:s25] =	ssyncset.done $0x0  }
0xe5: {  	[sflag:s25] =	ssyncadd.s32 $0xFFFFE000  }
0xe6: {  	[spmem:s2] =	stream.indirect.scatter.add.f32 [tilespmem:s20], [sflag:$0x5], $0x80, s30, s18, $0xb8;
	[tilespmem:$0x1FC00] =	vst v63  }
0xe7: {  	_ =	swait.ge [sflag:s14], $0x2000  }
0xe8: {  	[sflag:s14] =	ssyncset.done $0x0  }
0xe9: {  	[sflag:s14] =	ssyncadd.s32 $0xFFFFE000  }
0xea: {  	_ =	swait.ge [sflag:s26], $0x2000  }
0xeb: {  	[sflag:s26] =	ssyncset.done $0x0  }
0xec: {  	[sflag:s26] =	ssyncadd.s32 $0xFFFFE000  }
0xed: {  	[spmem:s2] =	stream.indirect.scatter.add.f32 [tilespmem:s21], [sflag:$0x5], $0x80, s31, s18, $0xb8;
	[tilespmem:$0x1FC00] =	vst v63  }
0xee: {  	_ =	swait.ge [sflag:s14], $0x2000  }
0xef: {  	[sflag:s14] =	ssyncset.done $0x0  }
0xf0: {  	[sflag:s14] =	ssyncadd.s32 $0xFFFFE000  }
0xf1: {  	_ =	swait.ge [sflag:s28], $0x2000  }
0xf2: {  	[sflag:s28] =	ssyncset.done $0x0  }
0xf3: {  	[sflag:s28] =	ssyncadd.s32 $0xFFFFE000  }
0xf4: {  	[spmem:s2] =	stream.indirect.scatter.add.f32 [tilespmem:s23], [sflag:$0x5], $0x80, s0, s18, $0xb8;
	[tilespmem:$0x1FC00] =	vst v63  }
0xf5: {  	_ =	swait.ge [sflag:s14], $0x2000  }
0xf6: {  	s1 =	sadd.s32 $0x1, s1;
	[sflag:s14] =	ssyncset.done $0x0  }
0xf7: {  	p0 =	sne.s32 s1, s12;
	[sflag:s14] =	ssyncadd.s32 $0xFFFFE000  }
.Ltmp2:
0xf8: {  	[bflag:$0x0] =	sbarrier.arrive $0xFFFF;
	(pc) =	sbr.rel @p0 .LBB2_1-.Ltmp2, $4  }
0xf9: {  	[hbm:s11], [sflag:s6] =	dma.local [spmem:s13], $0x2800  }
0xfa: {  	_ =	swait.ge [sflag:s14], $0x2800  }
0xfb: {  	[sflag:s14] =	ssyncset.done $0x0  }
0xfc: {  	[sflag:s14] =	ssyncadd.s32 $0xFFFFD800  }
0xfd: {  	_ =	sfence.sel $0x180000  }
0xfe: {  	[bflag:$0x0] =	sbarrier.arrive $0xFFFF  }
0xff: {  	_ =	strace $0x9000004D  }
0x100: {  	s0 =	stileid.u32;
	[bflag:$0x2] =	sbarrier.arrive $0xFFFF  }
0x101: {  	p0 =	sne.s32 s0, $0x0;
	s0 =	rddreg [dreg:$0x3]  }
0x102: {  	s0 =	sadd.s32 @!p0 $0x100000, s0  }
0x103: {  	[sflag:s0] =	ssyncadd.tile.s32 @!p0 $0x1;
	_ =	shalt  }
.Lfunc_end2:
_tile_overlayer_lowered:
.L_overlay_start_2:
0x104: {  	(tag) =	ssettag $0x2  }
0x105: {  	s0 =	rddreg [dreg:$0x0];
	s2 =	stileid.u32  }
0x106: {  	s1 =	rddreg [dreg:$0x1];
	p0 =	sne.s32 s2, $0x0  }
0x107: {  	s3 =	rddreg [dreg:$0x2];
	[bflag:$0x3] =	sbarrier.arrive $0xFFFF;
	s2 =	simm.s32 @!p0 $0x1C05  }
0x108: {  	[timem:s3], [sflag:s2] =	dma.local @!p0 [hbm:s0], s1  }
0x109: {  	s0 =	simm.s32 @!p0 $0x5  }
0x10a: {  	_ =	swait.ge @!p0 [sflag:s0], s1  }
0x10b: {  	s1 =	ssub.s32 @!p0 $0x0, s1;
	[sflag:s0] =	ssyncset.done @!p0 $0x0  }
0x10c: {  	[sflag:s0] =	ssyncadd.s32 @!p0 s1  }
0x10d: {  	[bflag:$0x3] =	sbarrier.arrive $0xFFFF  }
0x10e: {  	_ =	shalt  }

// kernel: kernel.8.cloned.1.call-start
scs
__scs_entry_jumppad:
0x0: {  	(pc) =	sbr.rel $0x88, $3  }
0x1: {  	(tag) =	ssettag $0x0;
	lr =	simm.s32 $0x1  }
0x2: {  	[smem:$0x3F9B] =	sst lr;
	_ =	strace $0xD0000000  }
0x3: {  	_ = 	snop  }
0x4: {  	_ = 	snop  }
0x5: {  	_ = 	snop  }
0x6: {  	_ = 	snop  }
0x7: {  	_ = 	snop  }
__scs_overlays_trampoline_lowered:
0x8: {  	[smem:$0x3FAA] =	sst s0  }
0x9: {  	[smem:$0x3FAB] =	sst s1  }
0xa: {  	[smem:$0x3FAC] =	sst s2  }
0xb: {  	[smem:$0x3FAD] =	sst s3  }
0xc: {  	[smem:$0x3FAE] =	sst s4  }
0xd: {  	[smem:$0x3FAF] =	sst s5  }
0xe: {  	[smem:$0x3FB0] =	sst s6  }
0xf: {  	[smem:$0x3FB1] =	sst s7  }
0x10: {  	[smem:$0x3FB2] =	sst s8  }
0x11: {  	[smem:$0x3FB3] =	sst s9;
	s0 =	simm.s32 @!p0 $0x0  }
0x12: {  	s1 =	sld [smem:$0x3F99];
	s0 =	simm.s32 @p0 $0x1  }
0x13: {  	[smem:$0x3FB4] =	sst s0;
	s0 =	simm.s32 @!p1 $0x0  }
0x14: {  	s2 =	sld [smem:$0x3F98];
	s0 =	simm.s32 @p1 $0x1  }
0x15: {  	[smem:$0x3FB5] =	sst s0;
	s0 =	simm.s32 @!p2 $0x0  }
0x16: {  	s3 =	sld [smem:$0x3FDB];
	s0 =	simm.s32 @p2 $0x1  }
0x17: {  	s4 =	simm.s32 $0x1BF5;
	[smem:$0x3FB7] =	sst s0  }
0x18: {  	s0 =	sld [smem:$0x3F9A];
	_ =	swait.ge [sflag:s4], $0x0  }
0x19: {  	s7 =	sld [smem:$0x3F9B]  }
0x1a: {  	s8 =	sadd.s32 $0xFFFFE003, lr  }
0x1b: {  	s9 =	sadd.s32 $0xFFFFFEF7, lr;
	s5 =	simm.s32 $0xFFFFFFFF;
	p2 =	slt.u32 s8, $0xFFFFF086  }
0x1c: {  	p1 =	slt.u32 s9, $0xF7A;
	s5 =	simm.s32 @!p2 $0x0  }
0x1d: {  	s5 =	simm.s32 @p1 $0x1;
	p0 =	seq.s32 s7, s2  }
0x1e: {  	s7 =	smul.u32 @!p0 $0xF7A, s2;
	p2 =	seq.s32 @!p0 s5, $0x0  }
0x1f: {  	s9 =	smul.u32 $0xF7A, s1;
	s8 =	simm.s32 @!p0 $0x1BF5;
	p2 =	por !p2, p0  }
0x20: {  	[sflag:s8] =	ssyncset.s32 @!p0 $0xFFFFF086;
	s6 =	sadd.s32 @!p0 s3, s7;
	s7 =	simm.s32 @!p0 $0x108  }
0x21: {  	s3 =	sadd.s32 s3, s9;
	s6 =	sadd.s32 @!p0 $0x88, s6;
	s7 =	simm.s32 @p2 $0x1082  }
0x22: {  	[simem:s7], [sflag:s8] =	dma.local @!p0 [hbm:s6], $0xF7A  }
0x23: {  	s9 =	sor.u32 $0xD0000000, s2;
	s6 =	simm.s32 $0x108;
	_ =	swait.ge @!p0 [sflag:s8], $0x0  }
0x24: {  	s3 =	sadd.s32 $0x88, s3;
	s6 =	simm.s32 @!p1 $0x1082;
	[sflag:s4] =	ssyncset.s32 $0xFFFFF086  }
0x25: {  	[simem:s6], [sflag:s4] =	dma.local [hbm:s3], $0xF7A  }
0x26: {  	[smem:$0x3F9B] =	sst s1;
	(tag) =	ssettag s2;
	_ =	strace s9  }
0x27: {  	s1 =	sld [smem:$0x3FAB]  }
0x28: {  	s2 =	sld [smem:$0x3FAC]  }
0x29: {  	s4 =	sld [smem:$0x3FAE]  }
0x2a: {  	p0 =	seq.s32 s5, $0x0;
	s5 =	sld [smem:$0x3FAF]  }
0x2b: {  	s6 =	sld [smem:$0x3FB0]  }
0x2c: {  	s7 =	sld [smem:$0x3FB1]  }
0x2d: {  	s3 =	simm.s32 $0x108;
	s8 =	sld [smem:$0x3FB2]  }
0x2e: {  	s3 =	simm.s32 @!p0 $0x1082;
	s9 =	sld [smem:$0x3FB3]  }
0x2f: {  	lr =	sadd.s32 s0, s3;
	s0 =	sld [smem:$0x3FAA]  }
0x30: {  	s3 =	sld [smem:$0x3FAD]  }
0x31: {  	[smem:$0x3FB6] =	sst s10  }
0x32: {  	s10 =	sld [smem:$0x3FB4];
	_ =	sdelay $0x3  }
0x33: {  	p0 =	seq.s32 s10, $0x1;
	s10 =	sld [smem:$0x3FB6];
	_ =	sdelay $0x3  }
0x34: {  	[smem:$0x3FB6] =	sst s10  }
0x35: {  	s10 =	sld [smem:$0x3FB5];
	_ =	sdelay $0x3  }
0x36: {  	p1 =	seq.s32 s10, $0x1;
	s10 =	sld [smem:$0x3FB6];
	_ =	sdelay $0x3  }
0x37: {  	[smem:$0x3FB6] =	sst s10  }
0x38: {  	s10 =	sld [smem:$0x3FB7]  }
0x39: {  	_ = 	snop;
	(pc) =	sbr.ind lr, $3  }
0x3a: {  	_ = 	snop  }
0x3b: {  	_ = 	snop  }
0x3c: {  	p2 =	seq.s32 s10, $0x1;
	s10 =	sld [smem:$0x3FB6]  }
0x3d: {  	_ =	shalt  }
0x3e: {  	_ =	shalt  }
0x3f: {  	_ =	shalt  }
0x40: {  	_ =	shalt  }
0x41: {  	_ =	shalt  }
0x42: {  	_ =	shalt  }
0x43: {  	_ =	shalt  }
0x44: {  	_ =	shalt  }
0x45: {  	_ =	shalt  }
0x46: {  	_ =	shalt  }
0x47: {  	_ =	shalt  }
0x48: {  	_ =	shalt  }
0x49: {  	_ =	shalt  }
0x4a: {  	_ =	shalt  }
0x4b: {  	_ =	shalt  }
0x4c: {  	_ =	shalt  }
0x4d: {  	_ =	shalt  }
0x4e: {  	_ =	shalt  }
0x4f: {  	_ =	shalt  }
0x50: {  	_ =	shalt  }
0x51: {  	_ =	shalt  }
0x52: {  	_ =	shalt  }
0x53: {  	_ =	shalt  }
0x54: {  	_ =	shalt  }
0x55: {  	_ =	shalt  }
0x56: {  	_ =	shalt  }
0x57: {  	_ =	shalt  }
0x58: {  	_ =	shalt  }
0x59: {  	_ =	shalt  }
0x5a: {  	_ =	shalt  }
0x5b: {  	_ =	shalt  }
0x5c: {  	_ =	shalt  }
0x5d: {  	_ =	shalt  }
0x5e: {  	_ =	shalt  }
0x5f: {  	_ =	shalt  }
0x60: {  	_ =	shalt  }
0x61: {  	_ =	shalt  }
0x62: {  	_ =	shalt  }
0x63: {  	_ =	shalt  }
0x64: {  	_ =	shalt  }
0x65: {  	_ =	shalt  }
0x66: {  	_ =	shalt  }
0x67: {  	_ =	shalt  }
0x68: {  	_ =	shalt  }
0x69: {  	_ =	shalt  }
0x6a: {  	_ =	shalt  }
0x6b: {  	_ =	shalt  }
0x6c: {  	_ =	shalt  }
0x6d: {  	_ =	shalt  }
0x6e: {  	_ =	shalt  }
0x6f: {  	_ =	shalt  }
0x70: {  	_ =	shalt  }
0x71: {  	_ =	shalt  }
0x72: {  	_ =	shalt  }
0x73: {  	_ =	shalt  }
0x74: {  	_ =	shalt  }
0x75: {  	_ =	shalt  }
0x76: {  	_ =	shalt  }
0x77: {  	_ =	shalt  }
0x78: {  	_ =	shalt  }
0x79: {  	_ =	shalt  }
0x7a: {  	_ =	shalt  }
0x7b: {  	_ =	shalt  }
0x7c: {  	_ =	shalt  }
0x7d: {  	_ =	shalt  }
0x7e: {  	_ =	shalt  }
0x7f: {  	_ =	shalt  }
0x80: {  	_ =	shalt  }
0x81: {  	_ =	shalt  }
0x82: {  	_ =	shalt  }
0x83: {  	_ =	shalt  }
0x84: {  	_ =	shalt  }
0x85: {  	_ =	shalt  }
0x86: {  	_ =	shalt  }
0x87: {  	_ =	shalt  }
.Lfunc_end0:
.L_simem_size_0:
called_computation_lowered:
.L_overlay_start_0:
0x88: {  	s2 =	sld [smem:$0x3FD9]  }
0x89: {  	s3 =	sld [smem:$0x3FFE];
	_ =	sdelay $0x1  }
0x8a: {  	s1 =	srdreg.scid  }
0x8b: {  	s0 =	sand.u32 $0x1, s1  }
0x8c: {  	s16 =	sshll.u32 s0, $0xA;
	s2 =	sadd.s32 s3, s2  }
0x8d: {  	s2 =	sadd.s32 s2, s16  }
0x8e: {  	[smem:$0x3FC2] =	sst s2  }
0x8f: {  	_ = 	snop  }
0x90: {  	(tm) =	ssettm $0x1  }
0x91: {  	s17 =	sld [smem:$0x3FFB];
	_ =	sdelay $0x3  }
0x92: {  	_ =	strace s17  }
0x93: {  	s2 =	sld [smem:$0x3FFC];
	_ =	sdelay $0x3  }
0x94: {  	_ =	strace s2  }
0x95: {  	s2 =	sld [smem:$0x3FFD];
	_ =	sdelay $0x3  }
0x96: {  	_ =	strace s2  }
0x97: {  	_ =	strace $0x8FFFFFFF  }
0x98: {  	s18 =	sld [smem:$0x3FDB];
	_ =	sdelay $0x1  }
0x99: {  	s19 =	simm.s32 $_scs_section_size  }
0x9a: {  	s4 =	simm.s32 $_size__tile_overlayer_lowered;
	s5 =	simm.s32 $_tile_overlayer_lowered  }
0x9b: {  	s22 =	simm.s32 $0x1BFF;
	s21 =	sshll.u32 s5, $0x1;
	s2 =	sadd.s32 s19, s18  }
0x9c: {  	s6 =	simm.s32 $0x0;
	s20 =	sshll.u32 s4, $0x1;
	s4 =	sadd.s32 s21, s2  }
0x9d: {  	[timem:s6], [sflag:s22] =	dma.local [hbm:s4], s20  }
0x9e: {  	_ =	swait.ge [sflag:s22], s20  }
0x9f: {  	s3 =	ssub.s32 $0x0, s20;
	[sflag:s22] =	ssyncset.done $0x0  }
0xa0: {  	[sflag:s22] =	ssyncadd.s32 s3;
	_ =	sdelay $0x1  }
0xa1: {  	s23 =	simm.s32 $0x1B8B  }
0xa2: {  	_ =	swait.ge [sflag:s23], $0x1  }
0xa3: {  	[sflag:s23] =	ssyncset.done $0x0  }
0xa4: {  	s25 =	simm.s32 $0x1B8E;
	s24 =	sld [smem:$0x3FFE];
	[sflag:s23] =	ssyncadd.s32 $0xFFFFFFFF  }
0xa5: {  	s26 =	simm.s32 $execute0_lowered;
	[smem:$0x3FD2] =	sst s25  }
0xa6: {  	s4 =	sshll.u32 s26, $0x1;
	_ =	strace $0x80000046;
	[dreg:$0x1] =	wrdreg $0xFFFFFFFF  }
0xa7: {  	s28 =	simm.s32 $_size_execute0_lowered;
	s2 =	sadd.s32 s2, s4;
	[dreg:$0x0] =	wrdreg $0x0  }
0xa8: {  	s4 =	sshll.u32 s28, $0x1;
	[dreg:$0x2] =	wrdreg s2  }
0xa9: {  	[dreg:$0x3] =	wrdreg s4  }
0xaa: {  	[dreg:$0x4] =	wrdreg $0xC0  }
0xab: {  	_ =	task [dreg:s6], $0x5FFFF  }
0xac: {  	[dreg:$0x1] =	wrdreg $0xFFFFFFFF  }
0xad: {  	[dreg:$0x0] =	wrdreg $0x60  }
0xae: {  	[dreg:$0x2] =	wrdreg s24  }
0xaf: {  	[dreg:$0x3] =	wrdreg $0x2B000  }
0xb0: {  	[dreg:$0x4] =	wrdreg $0x9  }
0xb1: {  	_ =	task.clear_ibuf [dreg:s6], $0x5FFFF;
	_ =	strace $0x90000046  }
0xb2: {  	s29 =	simm.s32 $0x9;
	_ =	strace $0x80000048  }
0xb3: {  	_ =	swait.ge [sflag:s29], $0x1  }
0xb4: {  	[sflag:s29] =	ssyncadd.s32 $0xFFFFFFFF  }
0xb5: {  	_ =	strace $0x90000048  }
0xb6: {  	_ =	sfence  }
0xb7: {  	s30 =	sld [smem:$0x0];
	_ =	sdelay $0x2  }
0xb8: {  	s31 =	sshll.u32 s1, $0xD;
	s1 =	sshrl.u32 s1, $0x2  }
0xb9: {  	s3 =	sand.u32 $0x4000, s31;
	s1 =	sadd.s32 s1, s30  }
0xba: {  	s0 =	sor.u32 s3, s0;
	s1 =	sshll.u32 s1, $0x11  }
0xbb: {  	s0 =	sor.u32 s1, s0  }
0xbc: {  	s0 =	sadd.s32 $0x8F2B, s0  }
0xbd: {  	[sflag:s0] =	ssyncadd.remote.s32 $0x1  }
0xbe: {  	_ =	sfence.sel $0xFFFF  }
0xbf: {  	[dreg:$0x0] =	wrdreg $0xFFFFFFFF;
	(pc) =	sbr.abs _section_cstart, $3  }
0xc0: {  	[dreg:$0x1] =	wrdreg $0xFFFFFFFF  }
0xc1: {  	_ =	task.clear_ibuf [dreg:s6], $0x2FFFF;
	_ =	strace $0x9FFFFFFF  }
0xc2: {  	(tm) =	ssettm $0x7FFFFFFF  }
0xc3: {  	_ =	shalt  }
tec
execute0_lowered:
.L_overlay_start_1:
0x0: {  	(tag) =	ssettag $0x1  }
0x1: {  	s5 =	rddreg [dreg:$0x0]  }
0x2: {  	s0 =	srdreg.scid;
	s2 =	rddreg [dreg:$0x1];
	s3 =	simm.s32 $0x0  }
0x3: {  	s12 =	simm.s32 $0x2800;
	s4 =	sand.u32 $0x1, s0;
	s0 =	stileid.u32  }
0x4: {  	s13 =	simm.s32 $0x80;
	s14 =	simm.s32 $0x0;
	s7 =	smul.u32 $0x280, s0  }
0x5: {  	[smem:$0x7FF] =	sst s3;
	s1 =	sshll.u32 s4, $0x4;
	s8 =	smul.u32 $0x2800, s4  }
0x6: {  	s10 =	ssub.s32 $0x2, s4;
	s4 =	sadd.s32 $0xC000, s5;
	s1 =	sor.u32 s0, s1  }
0x7: {  	s11 =	sshrl.u32 s10, $0x1;
	s6 =	smul.u32 $0x500, s1;
	s1 =	rddreg [dreg:$0x2]  }
0x8: {  	_ =	strace $0x80000047;
	s31 =	sshrl.u32 s7, $0x3;
	s8 =	sadd.s32 s7, s8  }
0x9: {  	s10 =	ssub.s32 s10, s11;
	s11 =	simm.s32 $0x1;
	s8 =	sshrl.u32 s8, $0x3  }
0xa: {  	s9 =	sadd.s32 s6, s5;
	s6 =	sadd.s32 s31, s5;
	s8 =	sadd.s32 s8, s5  }
0xb: {  	s5 =	sadd.s32 $0xC200, s6;
	s6 =	sadd.s32 s7, s2;
	s7 =	sadd.s32 $0x2000, s9  }
0xc: {  	s8 =	sadd.s32 $0xC800, s8;
	s9 =	smax.u32 s10, $0x1;
	s10 =	simm.s32 $0x2880  }
.LBB2_1:
0xd: {  	[tilespmem:s10], [sflag:$0x1] =	stream.linear.gather [hbm4b:s5+s3], $0x280, $0x38;
	[tilespmem:$0x2D80] =	vst v63  }
0xe: {  	_ =	swait.ge [sflag:s11], $0x280  }
0xf: {  	[sflag:s11] =	ssyncset.done $0x0  }
0x10: {  	[sflag:s11] =	ssyncadd.s32 $0xFFFFFD80  }
0x11: {  	[spmem:s6] =	stream.linear.scatter [tilespmem:s10], [sflag:$0x1], $0x280, $0x38;
	[tilespmem:$0x2D80] =	vst v63  }
0x12: {  	_ =	swait.ge [sflag:s11], $0x280  }
0x13: {  	[sflag:s11] =	ssyncset.done $0x0  }
0x14: {  	[sflag:s11] =	ssyncadd.s32 $0xFFFFFD80  }
0x15: {  	[tilespmem:s12], [sflag:$0x1] =	stream.linear.gather [hbm4b:s4+s3], $0x80, $0x38;
	[tilespmem:$0x2D80] =	vst v63  }
0x16: {  	_ =	swait.ge [sflag:s11], $0x80  }
0x17: {  	[sflag:s11] =	ssyncset.done $0x0  }
0x18: {  	[sflag:s11] =	ssyncadd.s32 $0xFFFFFF80  }
0x19: {  	[tilespmem:s3], [sflag:$0x1] =	stream.linear.gather [hbm4b:s7+s3], $0x2800, $0x38;
	[tilespmem:$0x2D80] =	vst v63  }
0x1a: {  	_ =	swait.ge [sflag:s11], $0x2800  }
0x1b: {  	[sflag:s11] =	ssyncset.done $0x0  }
0x1c: {  	[sflag:s11] =	ssyncadd.s32 $0xFFFFD800  }
0x1d: {  	s15 =	simm.s32 $0x0;
	[bflag:$0x0] =	sbarrier.arrive $0xFFFF  }
0x1e: {  	[spmem:s2] =	stream.indirect.scatter.add.f32 [tilespmem:s12], [sflag:$0x1], $0x1, s15, s13, $0xb8;
	[tilespmem:$0x2D80] =	vst v63  }
0x1f: {  	_ =	swait.ge [sflag:s11], $0x80  }
0x20: {  	s15 =	simm.s32 $0x200;
	[sflag:s11] =	ssyncset.done $0x0  }
.LBB2_2:
0x21: {  	s16 =	sshra.s32 s15, $0x2;
	[sflag:s11] =	ssyncadd.s32 $0xFFFFFF80;
	p0 =	sne.s32 s15, $0x9E00  }
0x22: {  	[spmem:s2] =	stream.indirect.scatter.add.f32 [tilespmem:s12], [sflag:$0x1], $0x1, s16, s13, $0xb8;
	[tilespmem:$0x2D80] =	vst v63  }
.Ltmp0:
0x23: {  	_ = 	snop;
	(pc) =	sbr.rel @p0 .LBB2_2-.Ltmp0, $4  }
0x24: {  	_ = 	snop  }
0x25: {  	s15 =	sadd.s32 $0x200, s15  }
0x26: {  	_ =	swait.ge [sflag:s11], $0x80  }
0x27: {  	[sflag:s11] =	ssyncset.done $0x0  }
0x28: {  	[sflag:s11] =	ssyncadd.s32 $0xFFFFFF80  }
0x29: {  	[bflag:$0x0] =	sbarrier.arrive $0xFFFF  }
0x2a: {  	[tilespmem:s10], [sflag:$0x1] =	stream.linear.gather [spmem:s6], $0x280, $0x38;
	[tilespmem:$0x2D80] =	vst v63  }
0x2b: {  	s14 =	sadd.s32 $0x1, s14;
	_ =	swait.ge [sflag:s11], $0x280  }
0x2c: {  	p0 =	sne.s32 s14, s9;
	[sflag:s11] =	ssyncset.done $0x0  }
.Ltmp1:
0x2d: {  	[sflag:s11] =	ssyncadd.s32 $0xFFFFFD80;
	(pc) =	sbr.rel @p0 .LBB2_1-.Ltmp1, $4  }
0x2e: {  	[hbm4b:s8+s3] =	stream.linear.scatter [tilespmem:s10], [sflag:$0x1], $0x280, $0x38;
	[tilespmem:$0x2D80] =	vst v63  }
0x2f: {  	_ =	swait.ge [sflag:s11], $0x280  }
0x30: {  	[sflag:s11] =	ssyncset.done $0x0  }
0x31: {  	[sflag:s11] =	ssyncadd.s32 $0xFFFFFD80  }
0x32: {  	_ =	sfence.sel $0x180000  }
0x33: {  	[bflag:$0x0] =	sbarrier.arrive $0xFFFF  }
0x34: {  	p0 =	sne.s32 s0, $0x0;
	_ =	strace $0x90000047  }
0x35: {  	s0 =	sadd.s32 @!p0 $0x100000, s1;
	[bflag:$0x2] =	sbarrier.arrive $0xFFFF  }
0x36: {  	[sflag:s0] =	ssyncadd.tile.s32 @!p0 $0x1;
	_ =	shalt  }
.Lfunc_end2:
_tile_overlayer_lowered:
.L_overlay_start_2:
0x37: {  	(tag) =	ssettag $0x2  }
0x38: {  	s0 =	rddreg [dreg:$0x0];
	s2 =	stileid.u32  }
0x39: {  	s1 =	rddreg [dreg:$0x1];
	p0 =	sne.s32 s2, $0x0  }
0x3a: {  	s3 =	rddreg [dreg:$0x2];
	[bflag:$0x3] =	sbarrier.arrive $0xFFFF;
	s2 =	simm.s32 @!p0 $0x1C01  }
0x3b: {  	[timem:s3], [sflag:s2] =	dma.local @!p0 [hbm:s0], s1  }
0x3c: {  	s0 =	simm.s32 @!p0 $0x1  }
0x3d: {  	_ =	swait.ge @!p0 [sflag:s0], s1  }
0x3e: {  	s1 =	ssub.s32 @!p0 $0x0, s1;
	[sflag:s0] =	ssyncset.done @!p0 $0x0  }
0x3f: {  	[sflag:s0] =	ssyncadd.s32 @!p0 s1  }
0x40: {  	[bflag:$0x3] =	sbarrier.arrive $0xFFFF  }
0x41: {  	_ =	shalt  }

</sc_bundles>
